<compile_context>
chip_gen: v7x
topology: tpu7x:2x2x1
jax: 0.10.2.dev20260603
libtpu: 0.0.44.dev20260713+nightly
codegen_flags: <defaults>
</compile_context>

<pallas_src>
import functools

import jax
import jax.numpy as jnp
from jax import lax
from jax.experimental import pallas as pl
from jax.experimental.pallas import tpu as pltpu
from jax.experimental.pallas import tpu_sc as plsc

B, L = 8, 512
HID, NFD, EFD = 256, 64, 32
K, NL = 30, 3
CUTOFF = 20.0
NN = B * L
E = NN * K

F32 = jnp.float32


def _comps(v):
    return v[:, 0:1], v[:, 1:2], v[:, 2:3]


def _dihedral_sincos(p1, p2, p3, p4):
    v1 = p2 - p1
    v2 = p3 - p2
    v3 = p4 - p3
    v1x, v1y, v1z = _comps(v1)
    v2x, v2y, v2z = _comps(v2)
    v3x, v3y, v3z = _comps(v3)
    n1x = v1y * v2z - v1z * v2y
    n1y = v1z * v2x - v1x * v2z
    n1z = v1x * v2y - v1y * v2x
    n2x = v2y * v3z - v2z * v3y
    n2y = v2z * v3x - v2x * v3z
    n2z = v2x * v3y - v2y * v3x
    n1n = jnp.sqrt(n1x * n1x + n1y * n1y + n1z * n1z) + 1e-8
    n2n = jnp.sqrt(n2x * n2x + n2y * n2y + n2z * n2z) + 1e-8
    u1x, u1y, u1z = n1x / n1n, n1y / n1n, n1z / n1n
    u2x, u2y, u2z = n2x / n2n, n2y / n2n, n2z / n2n
    c = jnp.clip(u1x * u2x + u1y * u2y + u1z * u2z, -1.0, 1.0)
    sgn = jnp.sign(u1x * v3x + u1y * v3y + u1z * v3z)
    s = sgn * jnp.sqrt(jnp.maximum((1.0 - c) * (1.0 + c), 0.0))
    c = jnp.where(sgn == 0.0, 1.0, c)
    return s, c


def _ln(x, g, b):
    mu = jnp.mean(x, axis=-1, keepdims=True)
    var = jnp.mean((x - mu) ** 2, axis=-1, keepdims=True)
    return (x - mu) / jnp.sqrt(var + 1e-5) * g + b


def _dot(a, b):
    return jnp.dot(a, b, preferred_element_type=F32)


_GW = HID // 2


def _pack_bf16(y):
    ua = lax.bitcast_convert_type(y[:, :_GW], jnp.uint32)
    ub = lax.bitcast_convert_type(y[:, _GW:], jnp.uint32)
    ra = (ua + jnp.uint32(0x7FFF) + ((ua >> 16) & jnp.uint32(1))) >> 16
    rb = (ub + jnp.uint32(0x7FFF) + ((ub >> 16) & jnp.uint32(1))) >> 16
    return lax.bitcast_convert_type(ra | (rb << 16), F32)


def _unpack_bf16(w):
    u = lax.bitcast_convert_type(w, jnp.uint32)
    a = lax.bitcast_convert_type(u << 16, F32)
    b = lax.bitcast_convert_type(u & jnp.uint32(0xFFFF0000), F32)
    return jnp.concatenate([a, b], axis=1)


_BPP = 1


def _enc_knn_body(cprev_r, n_r, ca_r, c_r, nnext_r, nnom_r, canom_r, cat_r,
                  wd_r, bd_r, wn_r, bn_r, w1a_r, b1_r,
                  x_o, y_o, nbr_o, dist_o):
    for bb in range(_BPP):
        bidx = pl.program_id(0) * _BPP + bb
        n_ = n_r[bb]
        ca = ca_r[bb]
        c = c_r[bb]
        s1, c1 = _dihedral_sincos(cprev_r[bb], n_, ca, c)
        s2, c2 = _dihedral_sincos(n_, ca, c, nnext_r[bb])
        s3, c3 = _dihedral_sincos(ca, c, nnom_r[bb], canom_r[bb])
        enc = jnp.concatenate([s1, s2, s3, c1, c2, c3], axis=1)
        nf = _dot(enc, wd_r[...]) + bd_r[...]
        x = _dot(nf, wn_r[...]) + bn_r[...]
        x_o[bb * L:(bb + 1) * L, :] = x
        y_o[bb * L:(bb + 1) * L, :] = _pack_bf16(_dot(x, w1a_r[...]) + b1_r[...])

        cat = cat_r[bb]
        dx = ca[:, 0:1] - cat[0:1, :]
        dy = ca[:, 1:2] - cat[1:2, :]
        dz = ca[:, 2:3] - cat[2:3, :]
        ri = lax.broadcasted_iota(jnp.int32, (L, L), 0)
        ci = lax.broadcasted_iota(jnp.int32, (L, L), 1)
        d2 = dx * dx + dy * dy + dz * dz + jnp.where(ri == ci, F32(1e9), F32(0.0))
        work = -d2
        nbrs = []
        dists = []
        for _ in range(K):
            mx = jnp.max(work, axis=1, keepdims=True)
            sel = jnp.where(work == mx, ci, jnp.int32(1 << 30))
            idx = jnp.min(sel, axis=1, keepdims=True)
            nbrs.append(idx)
            dists.append(jnp.sqrt(jnp.maximum(-mx, 0.0) + 1e-12))
            work = jnp.where(ci == idx, F32(-3e38), work)
        nbr_o[bb] = jnp.concatenate(nbrs, axis=1) + bidx * L
        dist_o[bb] = jnp.concatenate(dists, axis=1)


_COORD_SPEC = pl.BlockSpec((_BPP, L, 3), lambda i: (i, 0, 0))


def _wspec(shape):
    return pl.BlockSpec(shape, lambda i: tuple(0 for _ in shape))


_enc_knn_call = pl.pallas_call(
    _enc_knn_body,
    grid=(B // _BPP,),
    in_specs=[_COORD_SPEC] * 7 + [pl.BlockSpec((_BPP, 3, L), lambda i: (i, 0, 0)),
                                  _wspec((6, NFD)), _wspec((1, NFD)),
                                  _wspec((NFD, HID)), _wspec((1, HID)),
                                  _wspec((HID, HID)), _wspec((1, HID))],
    out_specs=[pl.BlockSpec((_BPP * L, HID), lambda i: (i, 0)),
               pl.BlockSpec((_BPP * L, HID // 2), lambda i: (i, 0)),
               pl.BlockSpec((_BPP, L, K), lambda i: (i, 0, 0)),
               pl.BlockSpec((_BPP, L, K), lambda i: (i, 0, 0))],
    out_shape=[jax.ShapeDtypeStruct((NN, HID), F32),
               jax.ShapeDtypeStruct((NN, HID // 2), F32),
               jax.ShapeDtypeStruct((B, L, K), jnp.int32),
               jax.ShapeDtypeStruct((B, L, K), F32)],
)


_NW = 32
_EPW = E // _NW
_CH = 128
_NCH = _EPW // _CH


def _sc_gather_body(y_hbm, src_hbm, out_hbm, idx_v, rows_v, sem):
    wid = lax.axis_index("s") * 2 + lax.axis_index("c")
    base = pl.multiple_of(wid * _EPW, _CH)
    pltpu.sync_copy(src_hbm.at[pl.ds(base, _EPW)], idx_v)

    def chunk(j, carry):
        off = pl.multiple_of(base + j * _CH, _CH)
        pltpu.async_copy(y_hbm.at[idx_v.at[pl.ds(j * _CH, _CH)]], rows_v,
                         sem).wait()
        pltpu.sync_copy(rows_v, out_hbm.at[pl.ds(off, _CH)])
        return carry

    lax.fori_loop(0, _NCH, chunk, 0)


@functools.lru_cache(maxsize=1)
def _sc_gather_call():
    return pl.kernel(
        _sc_gather_body,
        out_type=jax.ShapeDtypeStruct((E, _GW), F32),
        mesh=plsc.VectorSubcoreMesh(core_axis_name="c", subcore_axis_name="s"),
        scratch_types=[pltpu.VMEM((_EPW,), jnp.int32),
                       pltpu.VMEM((_CH, _GW), F32),
                       pltpu.SemaphoreType.DMA],
    )


_NT = 256
_TE = _NT * K
_NTILES = NN // _NT


def _layer_body(g_r, d_r, x_r,
                w1b_r, mg1_r, mB1_r, mW2_r, mb2_r,
                uW1a_r, uW1b_r, ub1_r, ug1_r, uB1_r, uW2_r, ub2_r,
                w1an_r, b1n_r,
                x_o, y_o):
    dist = d_r[...]
    ii = lax.broadcasted_iota(jnp.int32, (1, EFD), 1).astype(F32)
    cen = ii * (CUTOFF / (EFD - 1))
    z = (dist - cen) * (EFD / CUTOFF)
    ea = jnp.exp(-0.5 * z * z)
    m = _unpack_bf16(g_r[...]) + _dot(ea, w1b_r[...])
    m = jnp.maximum(_ln(m, mg1_r[...], mB1_r[...]), 0.0)
    s = jnp.sum(m.reshape(_NT, K, HID), axis=1)
    agg = _dot(s, mW2_r[...]) + F32(K) * mb2_r[...]
    u = _dot(x_r[...], uW1a_r[...]) + _dot(agg, uW1b_r[...]) + ub1_r[...]
    u = jnp.maximum(_ln(u, ug1_r[...], uB1_r[...]), 0.0)
    xn = _dot(u, uW2_r[...]) + ub2_r[...]
    x_o[...] = xn
    y_o[...] = _pack_bf16(_dot(xn, w1an_r[...]) + b1n_r[...])


_layer_call = pl.pallas_call(
    _layer_body,
    grid=(_NTILES,),
    in_specs=[pl.BlockSpec((_TE, HID // 2), lambda i: (i, 0)),
              pl.BlockSpec((_TE, 1), lambda i: (i, 0)),
              pl.BlockSpec((_NT, HID), lambda i: (i, 0)),
              _wspec((EFD, HID)), _wspec((1, HID)), _wspec((1, HID)),
              _wspec((HID, HID)), _wspec((1, HID)),
              _wspec((HID, HID)), _wspec((HID, HID)), _wspec((1, HID)),
              _wspec((1, HID)), _wspec((1, HID)), _wspec((HID, HID)),
              _wspec((1, HID)),
              _wspec((HID, HID)), _wspec((1, HID))],
    out_specs=[pl.BlockSpec((_NT, HID), lambda i: (i, 0)),
               pl.BlockSpec((_NT, HID // 2), lambda i: (i, 0))],
    out_shape=[jax.ShapeDtypeStruct((NN, HID), F32),
               jax.ShapeDtypeStruct((NN, HID // 2), F32)],
)


def _row(v):
    return v.reshape(1, -1)


def kernel(backbone_coords, params):
    coords = backbone_coords
    n_ = coords[:, :, 0, :]
    ca = coords[:, :, 1, :]
    c = coords[:, :, 2, :]
    cprev = jnp.concatenate([c[:, :1], c[:, :-1]], axis=1)
    nnext = jnp.concatenate([n_[:, 1:], n_[:, -1:]], axis=1)
    nnom = jnp.concatenate([n_[:, 1:], ca[:, -1:]], axis=1)
    canom = jnp.concatenate([ca[:, 1:], ca[:, -1:]], axis=1)
    cat = ca.transpose(0, 2, 1)

    lp0 = params["layers"][0]
    x, y, nbrg, dist = _enc_knn_call(
        cprev, n_, ca, c, nnext, nnom, canom, cat,
        params["dproj"]["W"], _row(params["dproj"]["b"]),
        params["nproj"]["W"], _row(params["nproj"]["b"]),
        lp0["mW1"][:HID], _row(lp0["mb1"]))

    src = nbrg.reshape(E)
    dist_e = dist.reshape(E, 1)
    zW = jnp.zeros((HID, HID), F32)
    zb = jnp.zeros((1, HID), F32)

    for l in range(NL):
        lp = params["layers"][l]
        if l + 1 < NL:
            lpn = params["layers"][l + 1]
            w1an, b1n = lpn["mW1"][:HID], _row(lpn["mb1"])
        else:
            w1an, b1n = zW, zb
        g = _sc_gather_call()(y, src)
        x, y = _layer_call(
            g, dist_e, x,
            lp["mW1"][HID:], _row(lp["mg1"]), _row(lp["mB1"]),
            lp["mW2"], _row(lp["mb2"]),
            lp["uW1"][:HID], lp["uW1"][HID:], _row(lp["ub1"]),
            _row(lp["ug1"]), _row(lp["uB1"]), lp["uW2"], _row(lp["ub2"]),
            w1an, b1n)

    return x.reshape(B, L, HID)

# --- scband reference (transcript-rebuilt; emitter-appended) ---
"""Pipeline reference for scband-backbone-encoder-23003844837871 (READ-ONLY COPY).

The authoritative reference and input builder live on the scoring server;
editing this copy changes nothing except your own understanding.
"""

import jax, jax.numpy as jnp
import numpy as np

B, L = 8, 512
HID, NFD, EFD = 256, 64, 32
K, NL = 30, 3
CUTOFF = 20.0


def _lin(key, i, o):
    return {"W": jax.random.normal(key, (i, o), jnp.float32) / np.sqrt(i).astype(np.float32),
            "b": jnp.zeros((o,), jnp.float32)}


def setup_inputs(seed: int = 0) -> dict:
    key = jax.random.key(seed)
    ks = jax.random.split(key, 3 + NL)
    coords = jax.random.normal(ks[0], (B, L, 4, 3), dtype=jnp.float32) * 3.0
    params = {"dproj": _lin(ks[1], 6, NFD), "nproj": _lin(ks[2], NFD, HID), "layers": []}
    for l in range(NL):
        k1, k2, k3, k4 = jax.random.split(ks[3 + l], 4)
        lp = {
            "mW1": jax.random.normal(k1, (HID + EFD, HID), jnp.float32) / np.sqrt(HID + EFD).astype(np.float32),
            "mb1": jnp.zeros((HID,), jnp.float32),
            "mg1": jnp.ones((HID,), jnp.float32),
            "mB1": jnp.zeros((HID,), jnp.float32),
            "mW2": jax.random.normal(k2, (HID, HID), jnp.float32) / np.sqrt(HID).astype(np.float32),
            "mb2": jnp.zeros((HID,), jnp.float32),
            "uW1": jax.random.normal(k3, (2 * HID, HID), jnp.float32) / np.sqrt(2 * HID).astype(np.float32),
            "ub1": jnp.zeros((HID,), jnp.float32),
            "ug1": jnp.ones((HID,), jnp.float32),
            "uB1": jnp.zeros((HID,), jnp.float32),
            "uW2": jax.random.normal(k4, (HID, HID), jnp.float32) / np.sqrt(HID).astype(np.float32),
            "ub2": jnp.zeros((HID,), jnp.float32),
        }
        params["layers"].append(lp)
    return {"backbone_coords": coords, "params": params}


def _ln(x, g, b):
    mu = jnp.mean(x, axis=-1, keepdims=True)
    var = jnp.mean((x - mu) ** 2, axis=-1, keepdims=True)
    return (x - mu) / jnp.sqrt(var + 1e-5) * g + b


def _dihedral(p1, p2, p3, p4):
    v1 = p2 - p1
    v2 = p3 - p2
    v3 = p4 - p3
    n1 = jnp.cross(v1, v2)
    n2 = jnp.cross(v2, v3)
    n1n = n1 / (jnp.linalg.norm(n1, axis=-1, keepdims=True) + 1e-8)
    n2n = n2 / (jnp.linalg.norm(n2, axis=-1, keepdims=True) + 1e-8)
    cos_angle = jnp.clip(jnp.sum(n1n * n2n, axis=-1), -1.0, 1.0)
    angle = jnp.arccos(cos_angle)
    sign = jnp.sign(jnp.sum(n1n * v3, axis=-1))
    return angle * sign


def _forward(coords, params):
    N_ = coords[:, :, 0, :]
    CA = coords[:, :, 1, :]
    C = coords[:, :, 2, :]
    # dihedral angles (matches the per-i torch loops, vectorized)
    C_prev = jnp.concatenate([C[:, :1], C[:, :-1]], axis=1)
    phi = _dihedral(C_prev, N_, CA, C)
    N_next = jnp.concatenate([N_[:, 1:], N_[:, -1:]], axis=1)
    psi = _dihedral(N_, CA, C, N_next)
    N_next_om = jnp.concatenate([N_[:, 1:], CA[:, -1:]], axis=1)
    CA_next_om = jnp.concatenate([CA[:, 1:], CA[:, -1:]], axis=1)
    omega = _dihedral(CA, C, N_next_om, CA_next_om)
    angles = jnp.stack([phi, psi, omega], axis=-1)
    enc = jnp.concatenate([jnp.sin(angles), jnp.cos(angles)], axis=-1)  # [B,L,6]
    nf = enc @ params["dproj"]["W"] + params["dproj"]["b"]  # [B,L,NFD]
    x = nf @ params["nproj"]["W"] + params["nproj"]["b"]  # [B,L,HID]
    x = x.reshape(B * L, HID)
    # kNN graph on C-alpha coords
    d2 = jnp.sum((CA[:, :, None, :] - CA[:, None, :, :]) ** 2, axis=-1)  # [B,L,L]
    d2 = d2 + jnp.eye(L, dtype=d2.dtype)[None] * 1e9
    vals, nbr = jax.lax.top_k(-d2, K)  # [B,L,K]
    dist = jnp.sqrt(jnp.maximum(-vals, 0.0) + 1e-12)
    base = (jnp.arange(B, dtype=jnp.int32) * L)[:, None, None]
    src = (nbr.astype(jnp.int32) + base).reshape(-1)
    dst = jnp.broadcast_to(jnp.arange(B * L, dtype=jnp.int32).reshape(B, L, 1), (B, L, K)).reshape(-1)
    # RBF edge features
    centers = jnp.linspace(0.0, CUTOFF, EFD, dtype=jnp.float32)
    width = CUTOFF / EFD
    eattr = jnp.exp(-0.5 * ((dist.reshape(-1, 1) - centers) / width) ** 2)  # [E,EFD]
    # message passing layers (dropout = identity at eval)
    for lp in params["layers"]:
        xj = x[src]
        m = jnp.concatenate([xj, eattr], axis=-1) @ lp["mW1"] + lp["mb1"]
        m = jax.nn.relu(_ln(m, lp["mg1"], lp["mB1"]))
        m = m @ lp["mW2"] + lp["mb2"]
        agg = jax.ops.segment_sum(m, dst, num_segments=B * L)
        u = jnp.concatenate([x, agg], axis=-1) @ lp["uW1"] + lp["ub1"]
        u = jax.nn.relu(_ln(u, lp["ug1"], lp["uB1"]))
        x = u @ lp["uW2"] + lp["ub2"]
    return x.reshape(B, L, HID)


def reference(backbone_coords, params):
    return _forward(backbone_coords, params)

if __name__ == "__main__":
    import jax
    _d = setup_inputs()
    print(jax.jit(kernel)(*tuple(_d.values())))

</pallas_src>

<mosaic_0001>
#map = affine_map<(d0, d1) -> (0, 0)>
#map1 = affine_map<(d0, d1) -> (0)>
module attributes {stable_mosaic.version = 14 : i64} {
  func.func @_sc_gather_body(%arg0: i32, %arg1: i32, %arg2: memref<4096x128xf32, #tpu.memory_space<hbm>>, %arg3: memref<122880xi32, #tpu.memory_space<hbm>>, %arg4: memref<122880x128xf32, #tpu.memory_space<hbm>>, %arg5: memref<3840xi32, #tpu.memory_space<vmem>>, %arg6: memref<128x128xf32, #tpu.memory_space<vmem>>, %arg7: memref<!tpu.dma_semaphore, #tpu.memory_space<semaphore_mem>>) attributes {dimension_semantics = [#tpu.dimension_semantics<core_parallel>, #tpu.dimension_semantics<subcore_parallel>], iteration_bounds = array<i64: 2, 16>, scalar_prefetch = 0 : i64, scratch_operands = 3 : i64, tpu.core_type = #tpu.core_type<sc_vector_subcore>, window_params = [{transform_indices = #map}, {transform_indices = #map1}, {transform_indices = #map}]} {
    %mul3A = arith.constant 2 : i32
    %mul3A_0 = arith.muli %arg1, %mul3A : i32
    %add3A = arith.addi %mul3A_0, %arg0 : i32
    %mul3A_1 = arith.constant 3840 : i32
    %mul3A_2 = arith.muli %add3A, %mul3A_1 : i32
    %multiple_of3A = tpu.assume_multiple %mul3A_2, 128 : i32
    "tpu.region"() ({
      %run_scoped3A = tpu.sem_alloc : memref<!tpu.dma_semaphore, #tpu.memory_space<semaphore_mem>>
      %dma_start3A = tpu.memref_slice %arg3[%multiple_of3A] : memref<122880xi32, #tpu.memory_space<hbm>> -> memref<3840xi32, #tpu.memory_space<hbm>>
      %dma_start3A_8 = tpu.memref_slice %arg3[%multiple_of3A] : memref<122880xi32, #tpu.memory_space<hbm>> -> memref<3840xi32, #tpu.memory_space<hbm>>
      tpu.enqueue_dma source(%dma_start3A_8 : memref<3840xi32, #tpu.memory_space<hbm>>) target(%arg5 : memref<3840xi32, #tpu.memory_space<vmem>>) target_semaphore(%run_scoped3A : memref<!tpu.dma_semaphore, #tpu.memory_space<semaphore_mem>>)
      %dma_wait3A = tpu.memref_slice %arg3[%multiple_of3A] : memref<122880xi32, #tpu.memory_space<hbm>> -> memref<3840xi32, #tpu.memory_space<hbm>>
      %dma_wait3A_9 = tpu.memref_slice %arg3[%multiple_of3A] : memref<122880xi32, #tpu.memory_space<hbm>> -> memref<3840xi32, #tpu.memory_space<hbm>>
      tpu.wait_dma2 semaphore(%run_scoped3A : memref<!tpu.dma_semaphore, #tpu.memory_space<semaphore_mem>>) src(%dma_wait3A_9 : memref<3840xi32, #tpu.memory_space<hbm>>) dst(%arg5 : memref<3840xi32, #tpu.memory_space<vmem>>)
      tpu.yield
    }) : () -> ()
    %scan3A = arith.constant 0 : i32
    %scan3A_3 = arith.constant 0 : i32
    %scan3A_4 = arith.constant 30 : i32
    %scan3A_5 = arith.addi %scan3A_3, %scan3A_4 : i32
    %scan3A_6 = arith.constant 1 : i32
    scf.for %scan3A_8 = %scan3A_3 to %scan3A_5 step %scan3A_6  : i32 {
      %mul3A_9 = arith.constant 128 : i32
      %mul3A_10 = arith.muli %scan3A_8, %mul3A_9 : i32
      %add3A_11 = arith.addi %multiple_of3A, %mul3A_10 : i32
      %multiple_of3A_12 = tpu.assume_multiple %add3A_11, 128 : i32
      %mul3A_13 = arith.constant 128 : i32
      %mul3A_14 = arith.muli %scan3A_8, %mul3A_13 : i32
      %dma_start3A = tpu.memref_slice %arg5[%mul3A_14] : memref<3840xi32, #tpu.memory_space<vmem>> -> memref<128xi32, #tpu.memory_space<vmem>>
      %dma_start3A_15 = arith.constant 0 : i32
      %dma_start3A_16 = arith.constant 0 : i32
      %dma_start3A_17 = tpu.memref_slice %arg2[%dma_start3A_15, %dma_start3A_16] : memref<4096x128xf32, #tpu.memory_space<hbm>> -> memref<4096x128xf32, #tpu.memory_space<hbm>>
      tpu.enqueue_indirect_dma source(%dma_start3A_17 : memref<4096x128xf32, #tpu.memory_space<hbm>>) target(%arg6 : memref<128x128xf32, #tpu.memory_space<vmem>>) offsets(%dma_start3A : memref<128xi32, #tpu.memory_space<vmem>>) semaphore(%arg7 : memref<!tpu.dma_semaphore, #tpu.memory_space<semaphore_mem>>)
      %dma_wait3A = tpu.memref_slice %arg5[%mul3A_14] : memref<3840xi32, #tpu.memory_space<vmem>> -> memref<128xi32, #tpu.memory_space<vmem>>
      %dma_wait3A_18 = arith.constant 0 : i32
      %dma_wait3A_19 = arith.constant 0 : i32
      %dma_wait3A_20 = tpu.memref_slice %arg2[%dma_wait3A_18, %dma_wait3A_19] : memref<4096x128xf32, #tpu.memory_space<hbm>> -> memref<4096x128xf32, #tpu.memory_space<hbm>>
      tpu.wait_indirect_dma semaphore(%arg7 : memref<!tpu.dma_semaphore, #tpu.memory_space<semaphore_mem>>) src(%dma_wait3A_20 : memref<4096x128xf32, #tpu.memory_space<hbm>>) dst(%arg6 : memref<128x128xf32, #tpu.memory_space<vmem>>)
      "tpu.region"() ({
        %run_scoped3A = tpu.sem_alloc : memref<!tpu.dma_semaphore, #tpu.memory_space<semaphore_mem>>
        %dma_start3A_21 = arith.constant 0 : i32
        %dma_start3A_22 = tpu.memref_slice %arg4[%multiple_of3A_12, %dma_start3A_21] : memref<122880x128xf32, #tpu.memory_space<hbm>> -> memref<128x128xf32, #tpu.memory_space<hbm>>
        %dma_start3A_23 = arith.constant 0 : i32
        %dma_start3A_24 = tpu.memref_slice %arg4[%multiple_of3A_12, %dma_start3A_23] : memref<122880x128xf32, #tpu.memory_space<hbm>> -> memref<128x128xf32, #tpu.memory_space<hbm>>
        tpu.enqueue_dma source(%arg6 : memref<128x128xf32, #tpu.memory_space<vmem>>) target(%dma_start3A_24 : memref<128x128xf32, #tpu.memory_space<hbm>>) target_semaphore(%run_scoped3A : memref<!tpu.dma_semaphore, #tpu.memory_space<semaphore_mem>>)
        %dma_wait3A_25 = arith.constant 0 : i32
        %dma_wait3A_26 = tpu.memref_slice %arg4[%multiple_of3A_12, %dma_wait3A_25] : memref<122880x128xf32, #tpu.memory_space<hbm>> -> memref<128x128xf32, #tpu.memory_space<hbm>>
        %dma_wait3A_27 = arith.constant 0 : i32
        %dma_wait3A_28 = tpu.memref_slice %arg4[%multiple_of3A_12, %dma_wait3A_27] : memref<122880x128xf32, #tpu.memory_space<hbm>> -> memref<128x128xf32, #tpu.memory_space<hbm>>
        tpu.wait_dma2 semaphore(%run_scoped3A : memref<!tpu.dma_semaphore, #tpu.memory_space<semaphore_mem>>) src(%arg6 : memref<128x128xf32, #tpu.memory_space<vmem>>) dst(%dma_wait3A_28 : memref<128x128xf32, #tpu.memory_space<hbm>>)
        tpu.yield
      }) : () -> ()
    }
    %scan3A_7 = arith.constant 30 : i32
    return
  }
}

#map = affine_map<(d0, d1) -> (0, 0)>
#map1 = affine_map<(d0, d1) -> (0)>
module attributes {stable_mosaic.version = 14 : i64} {
  func.func @_sc_gather_body(%arg0: i32, %arg1: i32, %arg2: memref<4096x128xf32, #tpu.memory_space<hbm>>, %arg3: memref<122880xi32, #tpu.memory_space<hbm>>, %arg4: memref<122880x128xf32, #tpu.memory_space<hbm>>, %arg5: memref<3840xi32, #tpu.memory_space<vmem>>, %arg6: memref<128x128xf32, #tpu.memory_space<vmem>>, %arg7: memref<!tpu.dma_semaphore, #tpu.memory_space<semaphore_mem>>) attributes {dimension_semantics = [#tpu.dimension_semantics<core_parallel>, #tpu.dimension_semantics<subcore_parallel>], iteration_bounds = array<i64: 2, 16>, scalar_prefetch = 0 : i64, scratch_operands = 3 : i64, tpu.core_type = #tpu.core_type<sc_vector_subcore>, window_params = [{transform_indices = #map}, {transform_indices = #map1}, {transform_indices = #map}]} {
    %mul3A = arith.constant 2 : i32
    %mul3A_0 = arith.muli %arg1, %mul3A : i32
    %add3A = arith.addi %mul3A_0, %arg0 : i32
    %mul3A_1 = arith.constant 3840 : i32
    %mul3A_2 = arith.muli %add3A, %mul3A_1 : i32
    %multiple_of3A = tpu.assume_multiple %mul3A_2, 128 : i32
    "tpu.region"() ({
      %run_scoped3A = tpu.sem_alloc : memref<!tpu.dma_semaphore, #tpu.memory_space<semaphore_mem>>
      %dma_start3A = tpu.memref_slice %arg3[%multiple_of3A] : memref<122880xi32, #tpu.memory_space<hbm>> -> memref<3840xi32, #tpu.memory_space<hbm>>
      %dma_start3A_8 = tpu.memref_slice %arg3[%multiple_of3A] : memref<122880xi32, #tpu.memory_space<hbm>> -> memref<3840xi32, #tpu.memory_space<hbm>>
      tpu.enqueue_dma source(%dma_start3A_8 : memref<3840xi32, #tpu.memory_space<hbm>>) target(%arg5 : memref<3840xi32, #tpu.memory_space<vmem>>) target_semaphore(%run_scoped3A : memref<!tpu.dma_semaphore, #tpu.memory_space<semaphore_mem>>)
      %dma_wait3A = tpu.memref_slice %arg3[%multiple_of3A] : memref<122880xi32, #tpu.memory_space<hbm>> -> memref<3840xi32, #tpu.memory_space<hbm>>
      %dma_wait3A_9 = tpu.memref_slice %arg3[%multiple_of3A] : memref<122880xi32, #tpu.memory_space<hbm>> -> memref<3840xi32, #tpu.memory_space<hbm>>
      tpu.wait_dma2 semaphore(%run_scoped3A : memref<!tpu.dma_semaphore, #tpu.memory_space<semaphore_mem>>) src(%dma_wait3A_9 : memref<3840xi32, #tpu.memory_space<hbm>>) dst(%arg5 : memref<3840xi32, #tpu.memory_space<vmem>>)
      tpu.yield
    }) : () -> ()
    %scan3A = arith.constant 0 : i32
    %scan3A_3 = arith.constant 0 : i32
    %scan3A_4 = arith.constant 30 : i32
    %scan3A_5 = arith.addi %scan3A_3, %scan3A_4 : i32
    %scan3A_6 = arith.constant 1 : i32
    scf.for %scan3A_8 = %scan3A_3 to %scan3A_5 step %scan3A_6  : i32 {
      %mul3A_9 = arith.constant 128 : i32
      %mul3A_10 = arith.muli %scan3A_8, %mul3A_9 : i32
      %add3A_11 = arith.addi %multiple_of3A, %mul3A_10 : i32
      %multiple_of3A_12 = tpu.assume_multiple %add3A_11, 128 : i32
      %mul3A_13 = arith.constant 128 : i32
      %mul3A_14 = arith.muli %scan3A_8, %mul3A_13 : i32
      %dma_start3A = tpu.memref_slice %arg5[%mul3A_14] : memref<3840xi32, #tpu.memory_space<vmem>> -> memref<128xi32, #tpu.memory_space<vmem>>
      %dma_start3A_15 = arith.constant 0 : i32
      %dma_start3A_16 = arith.constant 0 : i32
      %dma_start3A_17 = tpu.memref_slice %arg2[%dma_start3A_15, %dma_start3A_16] : memref<4096x128xf32, #tpu.memory_space<hbm>> -> memref<4096x128xf32, #tpu.memory_space<hbm>>
      tpu.enqueue_indirect_dma source(%dma_start3A_17 : memref<4096x128xf32, #tpu.memory_space<hbm>>) target(%arg6 : memref<128x128xf32, #tpu.memory_space<vmem>>) offsets(%dma_start3A : memref<128xi32, #tpu.memory_space<vmem>>) semaphore(%arg7 : memref<!tpu.dma_semaphore, #tpu.memory_space<semaphore_mem>>)
      %dma_wait3A = tpu.memref_slice %arg5[%mul3A_14] : memref<3840xi32, #tpu.memory_space<vmem>> -> memref<128xi32, #tpu.memory_space<vmem>>
      %dma_wait3A_18 = arith.constant 0 : i32
      %dma_wait3A_19 = arith.constant 0 : i32
      %dma_wait3A_20 = tpu.memref_slice %arg2[%dma_wait3A_18, %dma_wait3A_19] : memref<4096x128xf32, #tpu.memory_space<hbm>> -> memref<4096x128xf32, #tpu.memory_space<hbm>>
      tpu.wait_indirect_dma semaphore(%arg7 : memref<!tpu.dma_semaphore, #tpu.memory_space<semaphore_mem>>) src(%dma_wait3A_20 : memref<4096x128xf32, #tpu.memory_space<hbm>>) dst(%arg6 : memref<128x128xf32, #tpu.memory_space<vmem>>)
      "tpu.region"() ({
        %run_scoped3A = tpu.sem_alloc : memref<!tpu.dma_semaphore, #tpu.memory_space<semaphore_mem>>
        %dma_start3A_21 = arith.constant 0 : i32
        %dma_start3A_22 = tpu.memref_slice %arg4[%multiple_of3A_12, %dma_start3A_21] : memref<122880x128xf32, #tpu.memory_space<hbm>> -> memref<128x128xf32, #tpu.memory_space<hbm>>
        %dma_start3A_23 = arith.constant 0 : i32
        %dma_start3A_24 = tpu.memref_slice %arg4[%multiple_of3A_12, %dma_start3A_23] : memref<122880x128xf32, #tpu.memory_space<hbm>> -> memref<128x128xf32, #tpu.memory_space<hbm>>
        tpu.enqueue_dma source(%arg6 : memref<128x128xf32, #tpu.memory_space<vmem>>) target(%dma_start3A_24 : memref<128x128xf32, #tpu.memory_space<hbm>>) target_semaphore(%run_scoped3A : memref<!tpu.dma_semaphore, #tpu.memory_space<semaphore_mem>>)
        %dma_wait3A_25 = arith.constant 0 : i32
        %dma_wait3A_26 = tpu.memref_slice %arg4[%multiple_of3A_12, %dma_wait3A_25] : memref<122880x128xf32, #tpu.memory_space<hbm>> -> memref<128x128xf32, #tpu.memory_space<hbm>>
        %dma_wait3A_27 = arith.constant 0 : i32
        %dma_wait3A_28 = tpu.memref_slice %arg4[%multiple_of3A_12, %dma_wait3A_27] : memref<122880x128xf32, #tpu.memory_space<hbm>> -> memref<128x128xf32, #tpu.memory_space<hbm>>
        tpu.wait_dma2 semaphore(%run_scoped3A : memref<!tpu.dma_semaphore, #tpu.memory_space<semaphore_mem>>) src(%arg6 : memref<128x128xf32, #tpu.memory_space<vmem>>) dst(%dma_wait3A_28 : memref<128x128xf32, #tpu.memory_space<hbm>>)
        tpu.yield
      }) : () -> ()
    }
    %scan3A_7 = arith.constant 30 : i32
    return
  }
}

#map = affine_map<(d0, d1) -> (0, 0)>
#map1 = affine_map<(d0, d1) -> (0)>
module attributes {stable_mosaic.version = 14 : i64} {
  func.func @_sc_gather_body(%arg0: i32, %arg1: i32, %arg2: memref<4096x128xf32, #tpu.memory_space<hbm>>, %arg3: memref<122880xi32, #tpu.memory_space<hbm>>, %arg4: memref<122880x128xf32, #tpu.memory_space<hbm>>, %arg5: memref<3840xi32, #tpu.memory_space<vmem>>, %arg6: memref<128x128xf32, #tpu.memory_space<vmem>>, %arg7: memref<!tpu.dma_semaphore, #tpu.memory_space<semaphore_mem>>) attributes {dimension_semantics = [#tpu.dimension_semantics<core_parallel>, #tpu.dimension_semantics<subcore_parallel>], iteration_bounds = array<i64: 2, 16>, scalar_prefetch = 0 : i64, scratch_operands = 3 : i64, tpu.core_type = #tpu.core_type<sc_vector_subcore>, window_params = [{transform_indices = #map}, {transform_indices = #map1}, {transform_indices = #map}]} {
    %mul3A = arith.constant 2 : i32
    %mul3A_0 = arith.muli %arg1, %mul3A : i32
    %add3A = arith.addi %mul3A_0, %arg0 : i32
    %mul3A_1 = arith.constant 3840 : i32
    %mul3A_2 = arith.muli %add3A, %mul3A_1 : i32
    %multiple_of3A = tpu.assume_multiple %mul3A_2, 128 : i32
    "tpu.region"() ({
      %run_scoped3A = tpu.sem_alloc : memref<!tpu.dma_semaphore, #tpu.memory_space<semaphore_mem>>
      %dma_start3A = tpu.memref_slice %arg3[%multiple_of3A] : memref<122880xi32, #tpu.memory_space<hbm>> -> memref<3840xi32, #tpu.memory_space<hbm>>
      %dma_start3A_8 = tpu.memref_slice %arg3[%multiple_of3A] : memref<122880xi32, #tpu.memory_space<hbm>> -> memref<3840xi32, #tpu.memory_space<hbm>>
      tpu.enqueue_dma source(%dma_start3A_8 : memref<3840xi32, #tpu.memory_space<hbm>>) target(%arg5 : memref<3840xi32, #tpu.memory_space<vmem>>) target_semaphore(%run_scoped3A : memref<!tpu.dma_semaphore, #tpu.memory_space<semaphore_mem>>)
      %dma_wait3A = tpu.memref_slice %arg3[%multiple_of3A] : memref<122880xi32, #tpu.memory_space<hbm>> -> memref<3840xi32, #tpu.memory_space<hbm>>
      %dma_wait3A_9 = tpu.memref_slice %arg3[%multiple_of3A] : memref<122880xi32, #tpu.memory_space<hbm>> -> memref<3840xi32, #tpu.memory_space<hbm>>
      tpu.wait_dma2 semaphore(%run_scoped3A : memref<!tpu.dma_semaphore, #tpu.memory_space<semaphore_mem>>) src(%dma_wait3A_9 : memref<3840xi32, #tpu.memory_space<hbm>>) dst(%arg5 : memref<3840xi32, #tpu.memory_space<vmem>>)
      tpu.yield
    }) : () -> ()
    %scan3A = arith.constant 0 : i32
    %scan3A_3 = arith.constant 0 : i32
    %scan3A_4 = arith.constant 30 : i32
    %scan3A_5 = arith.addi %scan3A_3, %scan3A_4 : i32
    %scan3A_6 = arith.constant 1 : i32
    scf.for %scan3A_8 = %scan3A_3 to %scan3A_5 step %scan3A_6  : i32 {
      %mul3A_9 = arith.constant 128 : i32
      %mul3A_10 = arith.muli %scan3A_8, %mul3A_9 : i32
      %add3A_11 = arith.addi %multiple_of3A, %mul3A_10 : i32
      %multiple_of3A_12 = tpu.assume_multiple %add3A_11, 128 : i32
      %mul3A_13 = arith.constant 128 : i32
      %mul3A_14 = arith.muli %scan3A_8, %mul3A_13 : i32
      %dma_start3A = tpu.memref_slice %arg5[%mul3A_14] : memref<3840xi32, #tpu.memory_space<vmem>> -> memref<128xi32, #tpu.memory_space<vmem>>
      %dma_start3A_15 = arith.constant 0 : i32
      %dma_start3A_16 = arith.constant 0 : i32
      %dma_start3A_17 = tpu.memref_slice %arg2[%dma_start3A_15, %dma_start3A_16] : memref<4096x128xf32, #tpu.memory_space<hbm>> -> memref<4096x128xf32, #tpu.memory_space<hbm>>
      tpu.enqueue_indirect_dma source(%dma_start3A_17 : memref<4096x128xf32, #tpu.memory_space<hbm>>) target(%arg6 : memref<128x128xf32, #tpu.memory_space<vmem>>) offsets(%dma_start3A : memref<128xi32, #tpu.memory_space<vmem>>) semaphore(%arg7 : memref<!tpu.dma_semaphore, #tpu.memory_space<semaphore_mem>>)
      %dma_wait3A = tpu.memref_slice %arg5[%mul3A_14] : memref<3840xi32, #tpu.memory_space<vmem>> -> memref<128xi32, #tpu.memory_space<vmem>>
      %dma_wait3A_18 = arith.constant 0 : i32
      %dma_wait3A_19 = arith.constant 0 : i32
      %dma_wait3A_20 = tpu.memref_slice %arg2[%dma_wait3A_18, %dma_wait3A_19] : memref<4096x128xf32, #tpu.memory_space<hbm>> -> memref<4096x128xf32, #tpu.memory_space<hbm>>
      tpu.wait_indirect_dma semaphore(%arg7 : memref<!tpu.dma_semaphore, #tpu.memory_space<semaphore_mem>>) src(%dma_wait3A_20 : memref<4096x128xf32, #tpu.memory_space<hbm>>) dst(%arg6 : memref<128x128xf32, #tpu.memory_space<vmem>>)
      "tpu.region"() ({
        %run_scoped3A = tpu.sem_alloc : memref<!tpu.dma_semaphore, #tpu.memory_space<semaphore_mem>>
        %dma_start3A_21 = arith.constant 0 : i32
        %dma_start3A_22 = tpu.memref_slice %arg4[%multiple_of3A_12, %dma_start3A_21] : memref<122880x128xf32, #tpu.memory_space<hbm>> -> memref<128x128xf32, #tpu.memory_space<hbm>>
        %dma_start3A_23 = arith.constant 0 : i32
        %dma_start3A_24 = tpu.memref_slice %arg4[%multiple_of3A_12, %dma_start3A_23] : memref<122880x128xf32, #tpu.memory_space<hbm>> -> memref<128x128xf32, #tpu.memory_space<hbm>>
        tpu.enqueue_dma source(%arg6 : memref<128x128xf32, #tpu.memory_space<vmem>>) target(%dma_start3A_24 : memref<128x128xf32, #tpu.memory_space<hbm>>) target_semaphore(%run_scoped3A : memref<!tpu.dma_semaphore, #tpu.memory_space<semaphore_mem>>)
        %dma_wait3A_25 = arith.constant 0 : i32
        %dma_wait3A_26 = tpu.memref_slice %arg4[%multiple_of3A_12, %dma_wait3A_25] : memref<122880x128xf32, #tpu.memory_space<hbm>> -> memref<128x128xf32, #tpu.memory_space<hbm>>
        %dma_wait3A_27 = arith.constant 0 : i32
        %dma_wait3A_28 = tpu.memref_slice %arg4[%multiple_of3A_12, %dma_wait3A_27] : memref<122880x128xf32, #tpu.memory_space<hbm>> -> memref<128x128xf32, #tpu.memory_space<hbm>>
        tpu.wait_dma2 semaphore(%run_scoped3A : memref<!tpu.dma_semaphore, #tpu.memory_space<semaphore_mem>>) src(%arg6 : memref<128x128xf32, #tpu.memory_space<vmem>>) dst(%dma_wait3A_28 : memref<128x128xf32, #tpu.memory_space<hbm>>)
        tpu.yield
      }) : () -> ()
    }
    %scan3A_7 = arith.constant 30 : i32
    return
  }
}

module attributes {stable_mosaic.version = 14 : i64} {
  func.func @_enc_knn_body(%arg0: i32, %arg1: memref<1x512x3xf32, #tpu.memory_space<vmem>>, %arg2: memref<1x512x3xf32, #tpu.memory_space<vmem>>, %arg3: memref<1x512x3xf32, #tpu.memory_space<vmem>>, %arg4: memref<1x512x3xf32, #tpu.memory_space<vmem>>, %arg5: memref<1x512x3xf32, #tpu.memory_space<vmem>>, %arg6: memref<1x512x3xf32, #tpu.memory_space<vmem>>, %arg7: memref<1x512x3xf32, #tpu.memory_space<vmem>>, %arg8: memref<1x3x512xf32, #tpu.memory_space<vmem>>, %arg9: memref<6x64xf32, #tpu.memory_space<vmem>>, %arg10: memref<1x64xf32, #tpu.memory_space<vmem>>, %arg11: memref<64x256xf32, #tpu.memory_space<vmem>>, %arg12: memref<1x256xf32, #tpu.memory_space<vmem>>, %arg13: memref<256x256xf32, #tpu.memory_space<vmem>>, %arg14: memref<1x256xf32, #tpu.memory_space<vmem>>, %arg15: memref<512x256xf32, #tpu.memory_space<vmem>>, %arg16: memref<512x128xf32, #tpu.memory_space<vmem>>, %arg17: memref<1x512x30xi32, #tpu.memory_space<vmem>>, %arg18: memref<1x512x30xf32, #tpu.memory_space<vmem>>) attributes {dimension_semantics = [#tpu.dimension_semantics<arbitrary>], iteration_bounds = array<i64: 8>, scalar_prefetch = 0 : i64, scratch_operands = 0 : i64, tpu.core_type = #tpu.core_type<tc>, window_params = [{transform_indices = @transform_0, window_bounds = array<i64: 1, 512, 3>}, {transform_indices = @transform_1, window_bounds = array<i64: 1, 512, 3>}, {transform_indices = @transform_2, window_bounds = array<i64: 1, 512, 3>}, {transform_indices = @transform_3, window_bounds = array<i64: 1, 512, 3>}, {transform_indices = @transform_4, window_bounds = array<i64: 1, 512, 3>}, {transform_indices = @transform_5, window_bounds = array<i64: 1, 512, 3>}, {transform_indices = @transform_6, window_bounds = array<i64: 1, 512, 3>}, {transform_indices = @transform_7, window_bounds = array<i64: 1, 3, 512>}, {pipeline_mode = #tpu.pipeline_mode<synchronous>, transform_indices = @transform_8, window_bounds = array<i64: 6, 64>}, {pipeline_mode = #tpu.pipeline_mode<synchronous>, transform_indices = @transform_9, window_bounds = array<i64: 1, 64>}, {pipeline_mode = #tpu.pipeline_mode<synchronous>, transform_indices = @transform_10, window_bounds = array<i64: 64, 256>}, {pipeline_mode = #tpu.pipeline_mode<synchronous>, transform_indices = @transform_11, window_bounds = array<i64: 1, 256>}, {pipeline_mode = #tpu.pipeline_mode<synchronous>, transform_indices = @transform_12, window_bounds = array<i64: 256, 256>}, {pipeline_mode = #tpu.pipeline_mode<synchronous>, transform_indices = @transform_13, window_bounds = array<i64: 1, 256>}, {transform_indices = @transform_14, window_bounds = array<i64: 512, 256>}, {transform_indices = @transform_15, window_bounds = array<i64: 512, 128>}, {transform_indices = @transform_16, window_bounds = array<i64: 1, 512, 30>}, {transform_indices = @transform_17, window_bounds = array<i64: 1, 512, 30>}]} {
    %mul3A = arith.constant 1 : i32
    %mul3A_0 = arith.muli %arg0, %mul3A : i32
    %add3A = arith.constant 0 : i32
    %add3A_1 = arith.addi %mul3A_0, %add3A : i32
    %get3A = arith.constant 0 : index
    %get3A_2 = arith.constant 0 : index
    %get3A_3 = arith.constant 0 : index
    %get3A_4 = vector.load %arg2[%get3A, %get3A_2, %get3A_3] : memref<1x512x3xf32, #tpu.memory_space<vmem>>, vector<1x512x3xf32>
    %get3A_5 = vector.shape_cast %get3A_4 : vector<1x512x3xf32> to vector<512x3xf32>
    %get3A_6 = arith.constant 0 : index
    %get3A_7 = arith.constant 0 : index
    %get3A_8 = arith.constant 0 : index
    %get3A_9 = vector.load %arg3[%get3A_6, %get3A_7, %get3A_8] : memref<1x512x3xf32, #tpu.memory_space<vmem>>, vector<1x512x3xf32>
    %get3A_10 = vector.shape_cast %get3A_9 : vector<1x512x3xf32> to vector<512x3xf32>
    %get3A_11 = arith.constant 0 : index
    %get3A_12 = arith.constant 0 : index
    %get3A_13 = arith.constant 0 : index
    %get3A_14 = vector.load %arg4[%get3A_11, %get3A_12, %get3A_13] : memref<1x512x3xf32, #tpu.memory_space<vmem>>, vector<1x512x3xf32>
    %get3A_15 = vector.shape_cast %get3A_14 : vector<1x512x3xf32> to vector<512x3xf32>
    %get3A_16 = arith.constant 0 : index
    %get3A_17 = arith.constant 0 : index
    %get3A_18 = arith.constant 0 : index
    %get3A_19 = vector.load %arg1[%get3A_16, %get3A_17, %get3A_18] : memref<1x512x3xf32, #tpu.memory_space<vmem>>, vector<1x512x3xf32>
    %get3A_20 = vector.shape_cast %get3A_19 : vector<1x512x3xf32> to vector<512x3xf32>
    %sub3A = arith.subf %get3A_5, %get3A_20 : vector<512x3xf32>
    %sub3A_21 = arith.subf %get3A_10, %get3A_5 : vector<512x3xf32>
    %sub3A_22 = arith.subf %get3A_15, %get3A_10 : vector<512x3xf32>
    %slice3A = vector.extract_strided_slice %sub3A {offsets = [0, 0], sizes = [512, 1], strides = [1, 1]} : vector<512x3xf32> to vector<512x1xf32>
    %slice3A_23 = vector.extract_strided_slice %sub3A {offsets = [0, 1], sizes = [512, 1], strides = [1, 1]} : vector<512x3xf32> to vector<512x1xf32>
    %slice3A_24 = vector.extract_strided_slice %sub3A {offsets = [0, 2], sizes = [512, 1], strides = [1, 1]} : vector<512x3xf32> to vector<512x1xf32>
    %slice3A_25 = vector.extract_strided_slice %sub3A_21 {offsets = [0, 0], sizes = [512, 1], strides = [1, 1]} : vector<512x3xf32> to vector<512x1xf32>
    %slice3A_26 = vector.extract_strided_slice %sub3A_21 {offsets = [0, 1], sizes = [512, 1], strides = [1, 1]} : vector<512x3xf32> to vector<512x1xf32>
    %slice3A_27 = vector.extract_strided_slice %sub3A_21 {offsets = [0, 2], sizes = [512, 1], strides = [1, 1]} : vector<512x3xf32> to vector<512x1xf32>
    %slice3A_28 = vector.extract_strided_slice %sub3A_22 {offsets = [0, 0], sizes = [512, 1], strides = [1, 1]} : vector<512x3xf32> to vector<512x1xf32>
    %slice3A_29 = vector.extract_strided_slice %sub3A_22 {offsets = [0, 1], sizes = [512, 1], strides = [1, 1]} : vector<512x3xf32> to vector<512x1xf32>
    %slice3A_30 = vector.extract_strided_slice %sub3A_22 {offsets = [0, 2], sizes = [512, 1], strides = [1, 1]} : vector<512x3xf32> to vector<512x1xf32>
    %mul3A_31 = arith.mulf %slice3A_23, %slice3A_27 : vector<512x1xf32>
    %mul3A_32 = arith.mulf %slice3A_24, %slice3A_26 : vector<512x1xf32>
    %sub3A_33 = arith.subf %mul3A_31, %mul3A_32 : vector<512x1xf32>
    %mul3A_34 = arith.mulf %slice3A_24, %slice3A_25 : vector<512x1xf32>
    %mul3A_35 = arith.mulf %slice3A, %slice3A_27 : vector<512x1xf32>
    %sub3A_36 = arith.subf %mul3A_34, %mul3A_35 : vector<512x1xf32>
    %mul3A_37 = arith.mulf %slice3A, %slice3A_26 : vector<512x1xf32>
    %mul3A_38 = arith.mulf %slice3A_23, %slice3A_25 : vector<512x1xf32>
    %sub3A_39 = arith.subf %mul3A_37, %mul3A_38 : vector<512x1xf32>
    %mul3A_40 = arith.mulf %slice3A_26, %slice3A_30 : vector<512x1xf32>
    %mul3A_41 = arith.mulf %slice3A_27, %slice3A_29 : vector<512x1xf32>
    %sub3A_42 = arith.subf %mul3A_40, %mul3A_41 : vector<512x1xf32>
    %mul3A_43 = arith.mulf %slice3A_27, %slice3A_28 : vector<512x1xf32>
    %mul3A_44 = arith.mulf %slice3A_25, %slice3A_30 : vector<512x1xf32>
    %sub3A_45 = arith.subf %mul3A_43, %mul3A_44 : vector<512x1xf32>
    %mul3A_46 = arith.mulf %slice3A_25, %slice3A_29 : vector<512x1xf32>
    %mul3A_47 = arith.mulf %slice3A_26, %slice3A_28 : vector<512x1xf32>
    %sub3A_48 = arith.subf %mul3A_46, %mul3A_47 : vector<512x1xf32>
    %mul3A_49 = arith.mulf %sub3A_33, %sub3A_33 : vector<512x1xf32>
    %mul3A_50 = arith.mulf %sub3A_36, %sub3A_36 : vector<512x1xf32>
    %add3A_51 = arith.addf %mul3A_49, %mul3A_50 : vector<512x1xf32>
    %mul3A_52 = arith.mulf %sub3A_39, %sub3A_39 : vector<512x1xf32>
    %add3A_53 = arith.addf %add3A_51, %mul3A_52 : vector<512x1xf32>
    %sqrt3A = math.sqrt %add3A_53 : vector<512x1xf32>
    %add3A_54 = arith.constant 9.99999993E-9 : f32
    %add3A_55 = vector.broadcast %add3A_54 : f32 to vector<512x1xf32>
    %add3A_56 = arith.addf %sqrt3A, %add3A_55 : vector<512x1xf32>
    %mul3A_57 = arith.mulf %sub3A_42, %sub3A_42 : vector<512x1xf32>
    %mul3A_58 = arith.mulf %sub3A_45, %sub3A_45 : vector<512x1xf32>
    %add3A_59 = arith.addf %mul3A_57, %mul3A_58 : vector<512x1xf32>
    %mul3A_60 = arith.mulf %sub3A_48, %sub3A_48 : vector<512x1xf32>
    %add3A_61 = arith.addf %add3A_59, %mul3A_60 : vector<512x1xf32>
    %sqrt3A_62 = math.sqrt %add3A_61 : vector<512x1xf32>
    %add3A_63 = arith.constant 9.99999993E-9 : f32
    %add3A_64 = vector.broadcast %add3A_63 : f32 to vector<512x1xf32>
    %add3A_65 = arith.addf %sqrt3A_62, %add3A_64 : vector<512x1xf32>
    %div3A = arith.divf %sub3A_33, %add3A_56 : vector<512x1xf32>
    %div3A_66 = arith.divf %sub3A_36, %add3A_56 : vector<512x1xf32>
    %div3A_67 = arith.divf %sub3A_39, %add3A_56 : vector<512x1xf32>
    %div3A_68 = arith.divf %sub3A_42, %add3A_65 : vector<512x1xf32>
    %div3A_69 = arith.divf %sub3A_45, %add3A_65 : vector<512x1xf32>
    %div3A_70 = arith.divf %sub3A_48, %add3A_65 : vector<512x1xf32>
    %mul3A_71 = arith.mulf %div3A, %div3A_68 : vector<512x1xf32>
    %mul3A_72 = arith.mulf %div3A_66, %div3A_69 : vector<512x1xf32>
    %add3A_73 = arith.addf %mul3A_71, %mul3A_72 : vector<512x1xf32>
    %mul3A_74 = arith.mulf %div3A_67, %div3A_70 : vector<512x1xf32>
    %add3A_75 = arith.addf %add3A_73, %mul3A_74 : vector<512x1xf32>
    %jit3A = arith.constant -1.000000e+00 : f32
    %jit3A_76 = arith.constant 1.000000e+00 : f32
    %max3A = vector.broadcast %jit3A : f32 to vector<512x1xf32>
    %max3A_77 = arith.maximumf %max3A, %add3A_75 : vector<512x1xf32>
    %min3A = vector.broadcast %jit3A_76 : f32 to vector<512x1xf32>
    %min3A_78 = arith.minimumf %min3A, %max3A_77 : vector<512x1xf32>
    %mul3A_79 = arith.mulf %div3A, %slice3A_28 : vector<512x1xf32>
    %mul3A_80 = arith.mulf %div3A_66, %slice3A_29 : vector<512x1xf32>
    %add3A_81 = arith.addf %mul3A_79, %mul3A_80 : vector<512x1xf32>
    %mul3A_82 = arith.mulf %div3A_67, %slice3A_30 : vector<512x1xf32>
    %add3A_83 = arith.addf %add3A_81, %mul3A_82 : vector<512x1xf32>
    %sign3A = tpu.bitcast %add3A_83 : vector<512x1xf32> -> vector<512x1xi32>
    %sign3A_84 = arith.constant -2147483648 : i32
    %sign3A_85 = vector.broadcast %sign3A_84 : i32 to vector<512x1xi32>
    %sign3A_86 = arith.andi %sign3A, %sign3A_85 : vector<512x1xi32>
    %sign3A_87 = arith.constant 1065353216 : i32
    %sign3A_88 = vector.broadcast %sign3A_87 : i32 to vector<512x1xi32>
    %sign3A_89 = arith.ori %sign3A_88, %sign3A_86 : vector<512x1xi32>
    %sign3A_90 = tpu.bitcast %sign3A_89 : vector<512x1xi32> -> vector<512x1xf32>
    %sign3A_91 = math.absf %add3A_83 : vector<512x1xf32>
    %sign3A_92 = arith.constant 0.000000e+00 : f32
    %sign3A_93 = vector.broadcast %sign3A_92 : f32 to vector<512x1xf32>
    %sign3A_94 = arith.cmpf ogt, %sign3A_91, %sign3A_93 : vector<512x1xf32>
    %sign3A_95 = arith.select %sign3A_94, %sign3A_90, %add3A_83 : vector<512x1xi1>, vector<512x1xf32>
    %sub3A_96 = arith.constant 1.000000e+00 : f32
    %sub3A_97 = vector.broadcast %sub3A_96 : f32 to vector<512x1xf32>
    %sub3A_98 = arith.subf %sub3A_97, %min3A_78 : vector<512x1xf32>
    %add3A_99 = arith.constant 1.000000e+00 : f32
    %add3A_100 = vector.broadcast %add3A_99 : f32 to vector<512x1xf32>
    %add3A_101 = arith.addf %add3A_100, %min3A_78 : vector<512x1xf32>
    %mul3A_102 = arith.mulf %sub3A_98, %add3A_101 : vector<512x1xf32>
    %max3A_103 = arith.constant 0.000000e+00 : f32
    %max3A_104 = vector.broadcast %max3A_103 : f32 to vector<512x1xf32>
    %max3A_105 = arith.maximumf %mul3A_102, %max3A_104 : vector<512x1xf32>
    %sqrt3A_106 = math.sqrt %max3A_105 : vector<512x1xf32>
    %mul3A_107 = arith.mulf %sign3A_95, %sqrt3A_106 : vector<512x1xf32>
    %eq3A = arith.constant 0.000000e+00 : f32
    %eq3A_108 = vector.broadcast %eq3A : f32 to vector<512x1xf32>
    %eq3A_109 = arith.cmpf oeq, %sign3A_95, %eq3A_108 : vector<512x1xf32>
    %jit3A_110 = arith.constant 1.000000e+00 : f32
    %broadcast_in_dim3A = vector.broadcast %jit3A_110 : f32 to vector<512x1xf32>
    %select_n3A = arith.select %eq3A_109, %broadcast_in_dim3A, %min3A_78 : vector<512x1xi1>, vector<512x1xf32>
    %get3A_111 = arith.constant 0 : index
    %get3A_112 = arith.constant 0 : index
    %get3A_113 = arith.constant 0 : index
    %get3A_114 = vector.load %arg5[%get3A_111, %get3A_112, %get3A_113] : memref<1x512x3xf32, #tpu.memory_space<vmem>>, vector<1x512x3xf32>
    %get3A_115 = vector.shape_cast %get3A_114 : vector<1x512x3xf32> to vector<512x3xf32>
    %sub3A_116 = arith.subf %get3A_10, %get3A_5 : vector<512x3xf32>
    %sub3A_117 = arith.subf %get3A_15, %get3A_10 : vector<512x3xf32>
    %sub3A_118 = arith.subf %get3A_115, %get3A_15 : vector<512x3xf32>
    %slice3A_119 = vector.extract_strided_slice %sub3A_116 {offsets = [0, 0], sizes = [512, 1], strides = [1, 1]} : vector<512x3xf32> to vector<512x1xf32>
    %slice3A_120 = vector.extract_strided_slice %sub3A_116 {offsets = [0, 1], sizes = [512, 1], strides = [1, 1]} : vector<512x3xf32> to vector<512x1xf32>
    %slice3A_121 = vector.extract_strided_slice %sub3A_116 {offsets = [0, 2], sizes = [512, 1], strides = [1, 1]} : vector<512x3xf32> to vector<512x1xf32>
    %slice3A_122 = vector.extract_strided_slice %sub3A_117 {offsets = [0, 0], sizes = [512, 1], strides = [1, 1]} : vector<512x3xf32> to vector<512x1xf32>
    %slice3A_123 = vector.extract_strided_slice %sub3A_117 {offsets = [0, 1], sizes = [512, 1], strides = [1, 1]} : vector<512x3xf32> to vector<512x1xf32>
    %slice3A_124 = vector.extract_strided_slice %sub3A_117 {offsets = [0, 2], sizes = [512, 1], strides = [1, 1]} : vector<512x3xf32> to vector<512x1xf32>
    %slice3A_125 = vector.extract_strided_slice %sub3A_118 {offsets = [0, 0], sizes = [512, 1], strides = [1, 1]} : vector<512x3xf32> to vector<512x1xf32>
    %slice3A_126 = vector.extract_strided_slice %sub3A_118 {offsets = [0, 1], sizes = [512, 1], strides = [1, 1]} : vector<512x3xf32> to vector<512x1xf32>
    %slice3A_127 = vector.extract_strided_slice %sub3A_118 {offsets = [0, 2], sizes = [512, 1], strides = [1, 1]} : vector<512x3xf32> to vector<512x1xf32>
    %mul3A_128 = arith.mulf %slice3A_120, %slice3A_124 : vector<512x1xf32>
    %mul3A_129 = arith.mulf %slice3A_121, %slice3A_123 : vector<512x1xf32>
    %sub3A_130 = arith.subf %mul3A_128, %mul3A_129 : vector<512x1xf32>
    %mul3A_131 = arith.mulf %slice3A_121, %slice3A_122 : vector<512x1xf32>
    %mul3A_132 = arith.mulf %slice3A_119, %slice3A_124 : vector<512x1xf32>
    %sub3A_133 = arith.subf %mul3A_131, %mul3A_132 : vector<512x1xf32>
    %mul3A_134 = arith.mulf %slice3A_119, %slice3A_123 : vector<512x1xf32>
    %mul3A_135 = arith.mulf %slice3A_120, %slice3A_122 : vector<512x1xf32>
    %sub3A_136 = arith.subf %mul3A_134, %mul3A_135 : vector<512x1xf32>
    %mul3A_137 = arith.mulf %slice3A_123, %slice3A_127 : vector<512x1xf32>
    %mul3A_138 = arith.mulf %slice3A_124, %slice3A_126 : vector<512x1xf32>
    %sub3A_139 = arith.subf %mul3A_137, %mul3A_138 : vector<512x1xf32>
    %mul3A_140 = arith.mulf %slice3A_124, %slice3A_125 : vector<512x1xf32>
    %mul3A_141 = arith.mulf %slice3A_122, %slice3A_127 : vector<512x1xf32>
    %sub3A_142 = arith.subf %mul3A_140, %mul3A_141 : vector<512x1xf32>
    %mul3A_143 = arith.mulf %slice3A_122, %slice3A_126 : vector<512x1xf32>
    %mul3A_144 = arith.mulf %slice3A_123, %slice3A_125 : vector<512x1xf32>
    %sub3A_145 = arith.subf %mul3A_143, %mul3A_144 : vector<512x1xf32>
    %mul3A_146 = arith.mulf %sub3A_130, %sub3A_130 : vector<512x1xf32>
    %mul3A_147 = arith.mulf %sub3A_133, %sub3A_133 : vector<512x1xf32>
    %add3A_148 = arith.addf %mul3A_146, %mul3A_147 : vector<512x1xf32>
    %mul3A_149 = arith.mulf %sub3A_136, %sub3A_136 : vector<512x1xf32>
    %add3A_150 = arith.addf %add3A_148, %mul3A_149 : vector<512x1xf32>
    %sqrt3A_151 = math.sqrt %add3A_150 : vector<512x1xf32>
    %add3A_152 = arith.constant 9.99999993E-9 : f32
    %add3A_153 = vector.broadcast %add3A_152 : f32 to vector<512x1xf32>
    %add3A_154 = arith.addf %sqrt3A_151, %add3A_153 : vector<512x1xf32>
    %mul3A_155 = arith.mulf %sub3A_139, %sub3A_139 : vector<512x1xf32>
    %mul3A_156 = arith.mulf %sub3A_142, %sub3A_142 : vector<512x1xf32>
    %add3A_157 = arith.addf %mul3A_155, %mul3A_156 : vector<512x1xf32>
    %mul3A_158 = arith.mulf %sub3A_145, %sub3A_145 : vector<512x1xf32>
    %add3A_159 = arith.addf %add3A_157, %mul3A_158 : vector<512x1xf32>
    %sqrt3A_160 = math.sqrt %add3A_159 : vector<512x1xf32>
    %add3A_161 = arith.constant 9.99999993E-9 : f32
    %add3A_162 = vector.broadcast %add3A_161 : f32 to vector<512x1xf32>
    %add3A_163 = arith.addf %sqrt3A_160, %add3A_162 : vector<512x1xf32>
    %div3A_164 = arith.divf %sub3A_130, %add3A_154 : vector<512x1xf32>
    %div3A_165 = arith.divf %sub3A_133, %add3A_154 : vector<512x1xf32>
    %div3A_166 = arith.divf %sub3A_136, %add3A_154 : vector<512x1xf32>
    %div3A_167 = arith.divf %sub3A_139, %add3A_163 : vector<512x1xf32>
    %div3A_168 = arith.divf %sub3A_142, %add3A_163 : vector<512x1xf32>
    %div3A_169 = arith.divf %sub3A_145, %add3A_163 : vector<512x1xf32>
    %mul3A_170 = arith.mulf %div3A_164, %div3A_167 : vector<512x1xf32>
    %mul3A_171 = arith.mulf %div3A_165, %div3A_168 : vector<512x1xf32>
    %add3A_172 = arith.addf %mul3A_170, %mul3A_171 : vector<512x1xf32>
    %mul3A_173 = arith.mulf %div3A_166, %div3A_169 : vector<512x1xf32>
    %add3A_174 = arith.addf %add3A_172, %mul3A_173 : vector<512x1xf32>
    %jit3A_175 = arith.constant -1.000000e+00 : f32
    %jit3A_176 = arith.constant 1.000000e+00 : f32
    %max3A_177 = vector.broadcast %jit3A_175 : f32 to vector<512x1xf32>
    %max3A_178 = arith.maximumf %max3A_177, %add3A_174 : vector<512x1xf32>
    %min3A_179 = vector.broadcast %jit3A_176 : f32 to vector<512x1xf32>
    %min3A_180 = arith.minimumf %min3A_179, %max3A_178 : vector<512x1xf32>
    %mul3A_181 = arith.mulf %div3A_164, %slice3A_125 : vector<512x1xf32>
    %mul3A_182 = arith.mulf %div3A_165, %slice3A_126 : vector<512x1xf32>
    %add3A_183 = arith.addf %mul3A_181, %mul3A_182 : vector<512x1xf32>
    %mul3A_184 = arith.mulf %div3A_166, %slice3A_127 : vector<512x1xf32>
    %add3A_185 = arith.addf %add3A_183, %mul3A_184 : vector<512x1xf32>
    %sign3A_186 = tpu.bitcast %add3A_185 : vector<512x1xf32> -> vector<512x1xi32>
    %sign3A_187 = arith.constant -2147483648 : i32
    %sign3A_188 = vector.broadcast %sign3A_187 : i32 to vector<512x1xi32>
    %sign3A_189 = arith.andi %sign3A_186, %sign3A_188 : vector<512x1xi32>
    %sign3A_190 = arith.constant 1065353216 : i32
    %sign3A_191 = vector.broadcast %sign3A_190 : i32 to vector<512x1xi32>
    %sign3A_192 = arith.ori %sign3A_191, %sign3A_189 : vector<512x1xi32>
    %sign3A_193 = tpu.bitcast %sign3A_192 : vector<512x1xi32> -> vector<512x1xf32>
    %sign3A_194 = math.absf %add3A_185 : vector<512x1xf32>
    %sign3A_195 = arith.constant 0.000000e+00 : f32
    %sign3A_196 = vector.broadcast %sign3A_195 : f32 to vector<512x1xf32>
    %sign3A_197 = arith.cmpf ogt, %sign3A_194, %sign3A_196 : vector<512x1xf32>
    %sign3A_198 = arith.select %sign3A_197, %sign3A_193, %add3A_185 : vector<512x1xi1>, vector<512x1xf32>
    %sub3A_199 = arith.constant 1.000000e+00 : f32
    %sub3A_200 = vector.broadcast %sub3A_199 : f32 to vector<512x1xf32>
    %sub3A_201 = arith.subf %sub3A_200, %min3A_180 : vector<512x1xf32>
    %add3A_202 = arith.constant 1.000000e+00 : f32
    %add3A_203 = vector.broadcast %add3A_202 : f32 to vector<512x1xf32>
    %add3A_204 = arith.addf %add3A_203, %min3A_180 : vector<512x1xf32>
    %mul3A_205 = arith.mulf %sub3A_201, %add3A_204 : vector<512x1xf32>
    %max3A_206 = arith.constant 0.000000e+00 : f32
    %max3A_207 = vector.broadcast %max3A_206 : f32 to vector<512x1xf32>
    %max3A_208 = arith.maximumf %mul3A_205, %max3A_207 : vector<512x1xf32>
    %sqrt3A_209 = math.sqrt %max3A_208 : vector<512x1xf32>
    %mul3A_210 = arith.mulf %sign3A_198, %sqrt3A_209 : vector<512x1xf32>
    %eq3A_211 = arith.constant 0.000000e+00 : f32
    %eq3A_212 = vector.broadcast %eq3A_211 : f32 to vector<512x1xf32>
    %eq3A_213 = arith.cmpf oeq, %sign3A_198, %eq3A_212 : vector<512x1xf32>
    %jit3A_214 = arith.constant 1.000000e+00 : f32
    %broadcast_in_dim3A_215 = vector.broadcast %jit3A_214 : f32 to vector<512x1xf32>
    %select_n3A_216 = arith.select %eq3A_213, %broadcast_in_dim3A_215, %min3A_180 : vector<512x1xi1>, vector<512x1xf32>
    %get3A_217 = arith.constant 0 : index
    %get3A_218 = arith.constant 0 : index
    %get3A_219 = arith.constant 0 : index
    %get3A_220 = vector.load %arg6[%get3A_217, %get3A_218, %get3A_219] : memref<1x512x3xf32, #tpu.memory_space<vmem>>, vector<1x512x3xf32>
    %get3A_221 = vector.shape_cast %get3A_220 : vector<1x512x3xf32> to vector<512x3xf32>
    %get3A_222 = arith.constant 0 : index
    %get3A_223 = arith.constant 0 : index
    %get3A_224 = arith.constant 0 : index
    %get3A_225 = vector.load %arg7[%get3A_222, %get3A_223, %get3A_224] : memref<1x512x3xf32, #tpu.memory_space<vmem>>, vector<1x512x3xf32>
    %get3A_226 = vector.shape_cast %get3A_225 : vector<1x512x3xf32> to vector<512x3xf32>
    %sub3A_227 = arith.subf %get3A_15, %get3A_10 : vector<512x3xf32>
    %sub3A_228 = arith.subf %get3A_221, %get3A_15 : vector<512x3xf32>
    %sub3A_229 = arith.subf %get3A_226, %get3A_221 : vector<512x3xf32>
    %slice3A_230 = vector.extract_strided_slice %sub3A_227 {offsets = [0, 0], sizes = [512, 1], strides = [1, 1]} : vector<512x3xf32> to vector<512x1xf32>
    %slice3A_231 = vector.extract_strided_slice %sub3A_227 {offsets = [0, 1], sizes = [512, 1], strides = [1, 1]} : vector<512x3xf32> to vector<512x1xf32>
    %slice3A_232 = vector.extract_strided_slice %sub3A_227 {offsets = [0, 2], sizes = [512, 1], strides = [1, 1]} : vector<512x3xf32> to vector<512x1xf32>
    %slice3A_233 = vector.extract_strided_slice %sub3A_228 {offsets = [0, 0], sizes = [512, 1], strides = [1, 1]} : vector<512x3xf32> to vector<512x1xf32>
    %slice3A_234 = vector.extract_strided_slice %sub3A_228 {offsets = [0, 1], sizes = [512, 1], strides = [1, 1]} : vector<512x3xf32> to vector<512x1xf32>
    %slice3A_235 = vector.extract_strided_slice %sub3A_228 {offsets = [0, 2], sizes = [512, 1], strides = [1, 1]} : vector<512x3xf32> to vector<512x1xf32>
    %slice3A_236 = vector.extract_strided_slice %sub3A_229 {offsets = [0, 0], sizes = [512, 1], strides = [1, 1]} : vector<512x3xf32> to vector<512x1xf32>
    %slice3A_237 = vector.extract_strided_slice %sub3A_229 {offsets = [0, 1], sizes = [512, 1], strides = [1, 1]} : vector<512x3xf32> to vector<512x1xf32>
    %slice3A_238 = vector.extract_strided_slice %sub3A_229 {offsets = [0, 2], sizes = [512, 1], strides = [1, 1]} : vector<512x3xf32> to vector<512x1xf32>
    %mul3A_239 = arith.mulf %slice3A_231, %slice3A_235 : vector<512x1xf32>
    %mul3A_240 = arith.mulf %slice3A_232, %slice3A_234 : vector<512x1xf32>
    %sub3A_241 = arith.subf %mul3A_239, %mul3A_240 : vector<512x1xf32>
    %mul3A_242 = arith.mulf %slice3A_232, %slice3A_233 : vector<512x1xf32>
    %mul3A_243 = arith.mulf %slice3A_230, %slice3A_235 : vector<512x1xf32>
    %sub3A_244 = arith.subf %mul3A_242, %mul3A_243 : vector<512x1xf32>
    %mul3A_245 = arith.mulf %slice3A_230, %slice3A_234 : vector<512x1xf32>
    %mul3A_246 = arith.mulf %slice3A_231, %slice3A_233 : vector<512x1xf32>
    %sub3A_247 = arith.subf %mul3A_245, %mul3A_246 : vector<512x1xf32>
    %mul3A_248 = arith.mulf %slice3A_234, %slice3A_238 : vector<512x1xf32>
    %mul3A_249 = arith.mulf %slice3A_235, %slice3A_237 : vector<512x1xf32>
    %sub3A_250 = arith.subf %mul3A_248, %mul3A_249 : vector<512x1xf32>
    %mul3A_251 = arith.mulf %slice3A_235, %slice3A_236 : vector<512x1xf32>
    %mul3A_252 = arith.mulf %slice3A_233, %slice3A_238 : vector<512x1xf32>
    %sub3A_253 = arith.subf %mul3A_251, %mul3A_252 : vector<512x1xf32>
    %mul3A_254 = arith.mulf %slice3A_233, %slice3A_237 : vector<512x1xf32>
    %mul3A_255 = arith.mulf %slice3A_234, %slice3A_236 : vector<512x1xf32>
    %sub3A_256 = arith.subf %mul3A_254, %mul3A_255 : vector<512x1xf32>
    %mul3A_257 = arith.mulf %sub3A_241, %sub3A_241 : vector<512x1xf32>
    %mul3A_258 = arith.mulf %sub3A_244, %sub3A_244 : vector<512x1xf32>
    %add3A_259 = arith.addf %mul3A_257, %mul3A_258 : vector<512x1xf32>
    %mul3A_260 = arith.mulf %sub3A_247, %sub3A_247 : vector<512x1xf32>
    %add3A_261 = arith.addf %add3A_259, %mul3A_260 : vector<512x1xf32>
    %sqrt3A_262 = math.sqrt %add3A_261 : vector<512x1xf32>
    %add3A_263 = arith.constant 9.99999993E-9 : f32
    %add3A_264 = vector.broadcast %add3A_263 : f32 to vector<512x1xf32>
    %add3A_265 = arith.addf %sqrt3A_262, %add3A_264 : vector<512x1xf32>
    %mul3A_266 = arith.mulf %sub3A_250, %sub3A_250 : vector<512x1xf32>
    %mul3A_267 = arith.mulf %sub3A_253, %sub3A_253 : vector<512x1xf32>
    %add3A_268 = arith.addf %mul3A_266, %mul3A_267 : vector<512x1xf32>
    %mul3A_269 = arith.mulf %sub3A_256, %sub3A_256 : vector<512x1xf32>
    %add3A_270 = arith.addf %add3A_268, %mul3A_269 : vector<512x1xf32>
    %sqrt3A_271 = math.sqrt %add3A_270 : vector<512x1xf32>
    %add3A_272 = arith.constant 9.99999993E-9 : f32
    %add3A_273 = vector.broadcast %add3A_272 : f32 to vector<512x1xf32>
    %add3A_274 = arith.addf %sqrt3A_271, %add3A_273 : vector<512x1xf32>
    %div3A_275 = arith.divf %sub3A_241, %add3A_265 : vector<512x1xf32>
    %div3A_276 = arith.divf %sub3A_244, %add3A_265 : vector<512x1xf32>
    %div3A_277 = arith.divf %sub3A_247, %add3A_265 : vector<512x1xf32>
    %div3A_278 = arith.divf %sub3A_250, %add3A_274 : vector<512x1xf32>
    %div3A_279 = arith.divf %sub3A_253, %add3A_274 : vector<512x1xf32>
    %div3A_280 = arith.divf %sub3A_256, %add3A_274 : vector<512x1xf32>
    %mul3A_281 = arith.mulf %div3A_275, %div3A_278 : vector<512x1xf32>
    %mul3A_282 = arith.mulf %div3A_276, %div3A_279 : vector<512x1xf32>
    %add3A_283 = arith.addf %mul3A_281, %mul3A_282 : vector<512x1xf32>
    %mul3A_284 = arith.mulf %div3A_277, %div3A_280 : vector<512x1xf32>
    %add3A_285 = arith.addf %add3A_283, %mul3A_284 : vector<512x1xf32>
    %jit3A_286 = arith.constant -1.000000e+00 : f32
    %jit3A_287 = arith.constant 1.000000e+00 : f32
    %max3A_288 = vector.broadcast %jit3A_286 : f32 to vector<512x1xf32>
    %max3A_289 = arith.maximumf %max3A_288, %add3A_285 : vector<512x1xf32>
    %min3A_290 = vector.broadcast %jit3A_287 : f32 to vector<512x1xf32>
    %min3A_291 = arith.minimumf %min3A_290, %max3A_289 : vector<512x1xf32>
    %mul3A_292 = arith.mulf %div3A_275, %slice3A_236 : vector<512x1xf32>
    %mul3A_293 = arith.mulf %div3A_276, %slice3A_237 : vector<512x1xf32>
    %add3A_294 = arith.addf %mul3A_292, %mul3A_293 : vector<512x1xf32>
    %mul3A_295 = arith.mulf %div3A_277, %slice3A_238 : vector<512x1xf32>
    %add3A_296 = arith.addf %add3A_294, %mul3A_295 : vector<512x1xf32>
    %sign3A_297 = tpu.bitcast %add3A_296 : vector<512x1xf32> -> vector<512x1xi32>
    %sign3A_298 = arith.constant -2147483648 : i32
    %sign3A_299 = vector.broadcast %sign3A_298 : i32 to vector<512x1xi32>
    %sign3A_300 = arith.andi %sign3A_297, %sign3A_299 : vector<512x1xi32>
    %sign3A_301 = arith.constant 1065353216 : i32
    %sign3A_302 = vector.broadcast %sign3A_301 : i32 to vector<512x1xi32>
    %sign3A_303 = arith.ori %sign3A_302, %sign3A_300 : vector<512x1xi32>
    %sign3A_304 = tpu.bitcast %sign3A_303 : vector<512x1xi32> -> vector<512x1xf32>
    %sign3A_305 = math.absf %add3A_296 : vector<512x1xf32>
    %sign3A_306 = arith.constant 0.000000e+00 : f32
    %sign3A_307 = vector.broadcast %sign3A_306 : f32 to vector<512x1xf32>
    %sign3A_308 = arith.cmpf ogt, %sign3A_305, %sign3A_307 : vector<512x1xf32>
    %sign3A_309 = arith.select %sign3A_308, %sign3A_304, %add3A_296 : vector<512x1xi1>, vector<512x1xf32>
    %sub3A_310 = arith.constant 1.000000e+00 : f32
    %sub3A_311 = vector.broadcast %sub3A_310 : f32 to vector<512x1xf32>
    %sub3A_312 = arith.subf %sub3A_311, %min3A_291 : vector<512x1xf32>
    %add3A_313 = arith.constant 1.000000e+00 : f32
    %add3A_314 = vector.broadcast %add3A_313 : f32 to vector<512x1xf32>
    %add3A_315 = arith.addf %add3A_314, %min3A_291 : vector<512x1xf32>
    %mul3A_316 = arith.mulf %sub3A_312, %add3A_315 : vector<512x1xf32>
    %max3A_317 = arith.constant 0.000000e+00 : f32
    %max3A_318 = vector.broadcast %max3A_317 : f32 to vector<512x1xf32>
    %max3A_319 = arith.maximumf %mul3A_316, %max3A_318 : vector<512x1xf32>
    %sqrt3A_320 = math.sqrt %max3A_319 : vector<512x1xf32>
    %mul3A_321 = arith.mulf %sign3A_309, %sqrt3A_320 : vector<512x1xf32>
    %eq3A_322 = arith.constant 0.000000e+00 : f32
    %eq3A_323 = vector.broadcast %eq3A_322 : f32 to vector<512x1xf32>
    %eq3A_324 = arith.cmpf oeq, %sign3A_309, %eq3A_323 : vector<512x1xf32>
    %jit3A_325 = arith.constant 1.000000e+00 : f32
    %broadcast_in_dim3A_326 = vector.broadcast %jit3A_325 : f32 to vector<512x1xf32>
    %select_n3A_327 = arith.select %eq3A_324, %broadcast_in_dim3A_326, %min3A_291 : vector<512x1xi1>, vector<512x1xf32>
    %concatenate3A = tpu.concatenate %mul3A_107, %mul3A_210, %mul3A_321, %select_n3A, %select_n3A_216, %select_n3A_327 in 1 : vector<512x1xf32>, vector<512x1xf32>, vector<512x1xf32>, vector<512x1xf32>, vector<512x1xf32>, vector<512x1xf32> -> vector<512x6xf32>
    %get3A_328 = arith.constant 0 : index
    %get3A_329 = arith.constant 0 : index
    %get3A_330 = vector.load %arg9[%get3A_328, %get3A_329] : memref<6x64xf32, #tpu.memory_space<vmem>>, vector<6x64xf32>
    %dot_general3A = arith.constant dense<0.000000e+00> : vector<512x64xf32>
    %dot_general3A_331 = tpu.matmul %concatenate3A, %get3A_330, %dot_general3A {dimension_numbers = #tpu.dot_dimension_numbers<[1], [0], [0], [1], [0, 0, 1, 1], [], []>, transpose_lhs_hint = false} : vector<512x6xf32>, vector<6x64xf32>, vector<512x64xf32> -> vector<512x64xf32>
    %get3A_332 = arith.constant 0 : index
    %get3A_333 = arith.constant 0 : index
    %get3A_334 = vector.load %arg10[%get3A_332, %get3A_333] : memref<1x64xf32, #tpu.memory_space<vmem>>, vector<1x64xf32>
    %add3A_335 = vector.broadcast %get3A_334 : vector<1x64xf32> to vector<512x64xf32>
    %add3A_336 = arith.addf %dot_general3A_331, %add3A_335 : vector<512x64xf32>
    %get3A_337 = arith.constant 0 : index
    %get3A_338 = arith.constant 0 : index
    %get3A_339 = vector.load %arg11[%get3A_337, %get3A_338] : memref<64x256xf32, #tpu.memory_space<vmem>>, vector<64x256xf32>
    %dot_general3A_340 = arith.constant dense<0.000000e+00> : vector<512x256xf32>
    %dot_general3A_341 = tpu.matmul %add3A_336, %get3A_339, %dot_general3A_340 {dimension_numbers = #tpu.dot_dimension_numbers<[1], [0], [0], [1], [0, 0, 1, 1], [], []>, transpose_lhs_hint = false} : vector<512x64xf32>, vector<64x256xf32>, vector<512x256xf32> -> vector<512x256xf32>
    %get3A_342 = arith.constant 0 : index
    %get3A_343 = arith.constant 0 : index
    %get3A_344 = vector.load %arg12[%get3A_342, %get3A_343] : memref<1x256xf32, #tpu.memory_space<vmem>>, vector<1x256xf32>
    %add3A_345 = vector.broadcast %get3A_344 : vector<1x256xf32> to vector<512x256xf32>
    %add3A_346 = arith.addf %dot_general3A_341, %add3A_345 : vector<512x256xf32>
    %swap3A = arith.constant 0 : index
    %swap3A_347 = arith.constant 0 : index
    %swap3A_348 = vector.load %arg15[%swap3A, %swap3A_347] : memref<512x256xf32, #tpu.memory_space<vmem>>, vector<512x256xf32>
    tpu.vector_store %arg15[%swap3A, %swap3A_347], %add3A_346 {strides = array<i32>} : memref<512x256xf32, #tpu.memory_space<vmem>>, vector<512x256xf32>,
    %get3A_349 = arith.constant 0 : index
    %get3A_350 = arith.constant 0 : index
    %get3A_351 = vector.load %arg13[%get3A_349, %get3A_350] : memref<256x256xf32, #tpu.memory_space<vmem>>, vector<256x256xf32>
    %dot_general3A_352 = arith.constant dense<0.000000e+00> : vector<512x256xf32>
    %dot_general3A_353 = tpu.matmul %add3A_346, %get3A_351, %dot_general3A_352 {dimension_numbers = #tpu.dot_dimension_numbers<[1], [0], [0], [1], [0, 0, 1, 1], [], []>, transpose_lhs_hint = false} : vector<512x256xf32>, vector<256x256xf32>, vector<512x256xf32> -> vector<512x256xf32>
    %get3A_354 = arith.constant 0 : index
    %get3A_355 = arith.constant 0 : index
    %get3A_356 = vector.load %arg14[%get3A_354, %get3A_355] : memref<1x256xf32, #tpu.memory_space<vmem>>, vector<1x256xf32>
    %add3A_357 = vector.broadcast %get3A_356 : vector<1x256xf32> to vector<512x256xf32>
    %add3A_358 = arith.addf %dot_general3A_353, %add3A_357 : vector<512x256xf32>
    %slice3A_359 = vector.extract_strided_slice %add3A_358 {offsets = [0, 0], sizes = [512, 128], strides = [1, 1]} : vector<512x256xf32> to vector<512x128xf32>
    %bitcast_convert_type3A = tpu.bitcast %slice3A_359 : vector<512x128xf32> -> vector<512x128xi32>
    %slice3A_360 = vector.extract_strided_slice %add3A_358 {offsets = [0, 128], sizes = [512, 128], strides = [1, 1]} : vector<512x256xf32> to vector<512x128xf32>
    %bitcast_convert_type3A_361 = tpu.bitcast %slice3A_360 : vector<512x128xf32> -> vector<512x128xi32>
    %add3A_362 = arith.constant 32767 : i32
    %add3A_363 = vector.broadcast %add3A_362 : i32 to vector<512x128xi32>
    %add3A_364 = arith.addi %bitcast_convert_type3A, %add3A_363 : vector<512x128xi32>
    %shift_right_logical3A = arith.constant 16 : i32
    %shift_right_logical3A_365 = vector.broadcast %shift_right_logical3A : i32 to vector<512x128xi32>
    %shift_right_logical3A_366 = arith.shrui %bitcast_convert_type3A, %shift_right_logical3A_365 : vector<512x128xi32>
    %and3A = arith.constant 1 : i32
    %and3A_367 = vector.broadcast %and3A : i32 to vector<512x128xi32>
    %and3A_368 = arith.andi %shift_right_logical3A_366, %and3A_367 : vector<512x128xi32>
    %add3A_369 = arith.addi %add3A_364, %and3A_368 : vector<512x128xi32>
    %shift_right_logical3A_370 = arith.constant 16 : i32
    %shift_right_logical3A_371 = vector.broadcast %shift_right_logical3A_370 : i32 to vector<512x128xi32>
    %shift_right_logical3A_372 = arith.shrui %add3A_369, %shift_right_logical3A_371 : vector<512x128xi32>
    %add3A_373 = arith.constant 32767 : i32
    %add3A_374 = vector.broadcast %add3A_373 : i32 to vector<512x128xi32>
    %add3A_375 = arith.addi %bitcast_convert_type3A_361, %add3A_374 : vector<512x128xi32>
    %shift_right_logical3A_376 = arith.constant 16 : i32
    %shift_right_logical3A_377 = vector.broadcast %shift_right_logical3A_376 : i32 to vector<512x128xi32>
    %shift_right_logical3A_378 = arith.shrui %bitcast_convert_type3A_361, %shift_right_logical3A_377 : vector<512x128xi32>
    %and3A_379 = arith.constant 1 : i32
    %and3A_380 = vector.broadcast %and3A_379 : i32 to vector<512x128xi32>
    %and3A_381 = arith.andi %shift_right_logical3A_378, %and3A_380 : vector<512x128xi32>
    %add3A_382 = arith.addi %add3A_375, %and3A_381 : vector<512x128xi32>
    %shift_right_logical3A_383 = arith.constant 16 : i32
    %shift_right_logical3A_384 = vector.broadcast %shift_right_logical3A_383 : i32 to vector<512x128xi32>
    %shift_right_logical3A_385 = arith.shrui %add3A_382, %shift_right_logical3A_384 : vector<512x128xi32>
    %shift_left3A = arith.constant 16 : i32
    %shift_left3A_386 = vector.broadcast %shift_left3A : i32 to vector<512x128xi32>
    %shift_left3A_387 = arith.shli %shift_right_logical3A_385, %shift_left3A_386 : vector<512x128xi32>
    %or3A = arith.ori %shift_right_logical3A_372, %shift_left3A_387 : vector<512x128xi32>
    %bitcast_convert_type3A_388 = tpu.bitcast %or3A : vector<512x128xi32> -> vector<512x128xf32>
    %swap3A_389 = arith.constant 0 : index
    %swap3A_390 = arith.constant 0 : index
    %swap3A_391 = vector.load %arg16[%swap3A_389, %swap3A_390] : memref<512x128xf32, #tpu.memory_space<vmem>>, vector<512x128xf32>
    tpu.vector_store %arg16[%swap3A_389, %swap3A_390], %bitcast_convert_type3A_388 {strides = array<i32>} : memref<512x128xf32, #tpu.memory_space<vmem>>, vector<512x128xf32>,
    %get3A_392 = arith.constant 0 : index
    %get3A_393 = arith.constant 0 : index
    %get3A_394 = arith.constant 0 : index
    %get3A_395 = vector.load %arg8[%get3A_392, %get3A_393, %get3A_394] : memref<1x3x512xf32, #tpu.memory_space<vmem>>, vector<1x3x512xf32>
    %get3A_396 = vector.shape_cast %get3A_395 : vector<1x3x512xf32> to vector<3x512xf32>
    %slice3A_397 = vector.extract_strided_slice %get3A_10 {offsets = [0, 0], sizes = [512, 1], strides = [1, 1]} : vector<512x3xf32> to vector<512x1xf32>
    %slice3A_398 = vector.extract_strided_slice %get3A_396 {offsets = [0, 0], sizes = [1, 512], strides = [1, 1]} : vector<3x512xf32> to vector<1x512xf32>
    %sub3A_399 = vector.broadcast %slice3A_397 : vector<512x1xf32> to vector<512x512xf32>
    %sub3A_400 = vector.broadcast %slice3A_398 : vector<1x512xf32> to vector<512x512xf32>
    %sub3A_401 = arith.subf %sub3A_399, %sub3A_400 : vector<512x512xf32>
    %slice3A_402 = vector.extract_strided_slice %get3A_10 {offsets = [0, 1], sizes = [512, 1], strides = [1, 1]} : vector<512x3xf32> to vector<512x1xf32>
    %slice3A_403 = vector.extract_strided_slice %get3A_396 {offsets = [1, 0], sizes = [1, 512], strides = [1, 1]} : vector<3x512xf32> to vector<1x512xf32>
    %sub3A_404 = vector.broadcast %slice3A_402 : vector<512x1xf32> to vector<512x512xf32>
    %sub3A_405 = vector.broadcast %slice3A_403 : vector<1x512xf32> to vector<512x512xf32>
    %sub3A_406 = arith.subf %sub3A_404, %sub3A_405 : vector<512x512xf32>
    %slice3A_407 = vector.extract_strided_slice %get3A_10 {offsets = [0, 2], sizes = [512, 1], strides = [1, 1]} : vector<512x3xf32> to vector<512x1xf32>
    %slice3A_408 = vector.extract_strided_slice %get3A_396 {offsets = [2, 0], sizes = [1, 512], strides = [1, 1]} : vector<3x512xf32> to vector<1x512xf32>
    %sub3A_409 = vector.broadcast %slice3A_407 : vector<512x1xf32> to vector<512x512xf32>
    %sub3A_410 = vector.broadcast %slice3A_408 : vector<1x512xf32> to vector<512x512xf32>
    %sub3A_411 = arith.subf %sub3A_409, %sub3A_410 : vector<512x512xf32>
    %iota3A = tpu.iota {dimensions = array<i32: 0>} : vector<512x512xi32>
    %iota3A_412 = tpu.iota {dimensions = array<i32: 1>} : vector<512x512xi32>
    %mul3A_413 = arith.mulf %sub3A_401, %sub3A_401 : vector<512x512xf32>
    %mul3A_414 = arith.mulf %sub3A_406, %sub3A_406 : vector<512x512xf32>
    %add3A_415 = arith.addf %mul3A_413, %mul3A_414 : vector<512x512xf32>
    %mul3A_416 = arith.mulf %sub3A_411, %sub3A_411 : vector<512x512xf32>
    %add3A_417 = arith.addf %add3A_415, %mul3A_416 : vector<512x512xf32>
    %eq3A_418 = arith.cmpi eq, %iota3A, %iota3A_412 : vector<512x512xi32>
    %jit3A_419 = arith.constant 1.000000e+09 : f32
    %jit3A_420 = arith.constant 0.000000e+00 : f32
    %broadcast_in_dim3A_421 = vector.broadcast %jit3A_419 : f32 to vector<512x512xf32>
    %broadcast_in_dim3A_422 = vector.broadcast %jit3A_420 : f32 to vector<512x512xf32>
    %select_n3A_423 = arith.select %eq3A_418, %broadcast_in_dim3A_421, %broadcast_in_dim3A_422 : vector<512x512xi1>, vector<512x512xf32>
    %add3A_424 = arith.addf %add3A_417, %select_n3A_423 : vector<512x512xf32>
    %neg3A = arith.constant 0.000000e+00 : f32
    %neg3A_425 = vector.broadcast %neg3A : f32 to vector<512x512xf32>
    %neg3A_426 = arith.subf %neg3A_425, %add3A_424 : vector<512x512xf32>
    %reduce_max3A = arith.constant dense<0xFF800000> : vector<512xf32>
    %reduce_max3A_427 = vector.multi_reduction <maximumf>, %neg3A_426, %reduce_max3A [1] : vector<512x512xf32> to vector<512xf32>
    %broadcast_in_dim3A_428 = vector.shape_cast %reduce_max3A_427 : vector<512xf32> to vector<512x1xf32>
    %eq3A_429 = vector.broadcast %broadcast_in_dim3A_428 : vector<512x1xf32> to vector<512x512xf32>
    %eq3A_430 = arith.cmpf oeq, %neg3A_426, %eq3A_429 : vector<512x512xf32>
    %jit3A_431 = arith.constant 1073741824 : i32
    %broadcast_in_dim3A_432 = vector.broadcast %jit3A_431 : i32 to vector<512x512xi32>
    %select_n3A_433 = arith.select %eq3A_430, %iota3A_412, %broadcast_in_dim3A_432 : vector<512x512xi1>, vector<512x512xi32>
    %reduce_min3A = arith.constant dense<2147483647> : vector<512xi32>
    %reduce_min3A_434 = vector.multi_reduction <minsi>, %select_n3A_433, %reduce_min3A [1] : vector<512x512xi32> to vector<512xi32>
    %broadcast_in_dim3A_435 = vector.shape_cast %reduce_min3A_434 : vector<512xi32> to vector<512x1xi32>
    %neg3A_436 = arith.constant 0.000000e+00 : f32
    %neg3A_437 = vector.broadcast %neg3A_436 : f32 to vector<512x1xf32>
    %neg3A_438 = arith.subf %neg3A_437, %broadcast_in_dim3A_428 : vector<512x1xf32>
    %max3A_439 = arith.constant 0.000000e+00 : f32
    %max3A_440 = vector.broadcast %max3A_439 : f32 to vector<512x1xf32>
    %max3A_441 = arith.maximumf %neg3A_438, %max3A_440 : vector<512x1xf32>
    %add3A_442 = arith.constant 9.99999996E-13 : f32
    %add3A_443 = vector.broadcast %add3A_442 : f32 to vector<512x1xf32>
    %add3A_444 = arith.addf %max3A_441, %add3A_443 : vector<512x1xf32>
    %sqrt3A_445 = math.sqrt %add3A_444 : vector<512x1xf32>
    %eq3A_446 = vector.broadcast %broadcast_in_dim3A_435 : vector<512x1xi32> to vector<512x512xi32>
    %eq3A_447 = arith.cmpi eq, %iota3A_412, %eq3A_446 : vector<512x512xi32>
    %jit3A_448 = arith.constant -3.000000e+38 : f32
    %broadcast_in_dim3A_449 = vector.broadcast %jit3A_448 : f32 to vector<512x512xf32>
    %select_n3A_450 = arith.select %eq3A_447, %broadcast_in_dim3A_449, %neg3A_426 : vector<512x512xi1>, vector<512x512xf32>
    %reduce_max3A_451 = arith.constant dense<0xFF800000> : vector<512xf32>
    %reduce_max3A_452 = vector.multi_reduction <maximumf>, %select_n3A_450, %reduce_max3A_451 [1] : vector<512x512xf32> to vector<512xf32>
    %broadcast_in_dim3A_453 = vector.shape_cast %reduce_max3A_452 : vector<512xf32> to vector<512x1xf32>
    %eq3A_454 = vector.broadcast %broadcast_in_dim3A_453 : vector<512x1xf32> to vector<512x512xf32>
    %eq3A_455 = arith.cmpf oeq, %select_n3A_450, %eq3A_454 : vector<512x512xf32>
    %jit3A_456 = arith.constant 1073741824 : i32
    %broadcast_in_dim3A_457 = vector.broadcast %jit3A_456 : i32 to vector<512x512xi32>
    %select_n3A_458 = arith.select %eq3A_455, %iota3A_412, %broadcast_in_dim3A_457 : vector<512x512xi1>, vector<512x512xi32>
    %reduce_min3A_459 = arith.constant dense<2147483647> : vector<512xi32>
    %reduce_min3A_460 = vector.multi_reduction <minsi>, %select_n3A_458, %reduce_min3A_459 [1] : vector<512x512xi32> to vector<512xi32>
    %broadcast_in_dim3A_461 = vector.shape_cast %reduce_min3A_460 : vector<512xi32> to vector<512x1xi32>
    %neg3A_462 = arith.constant 0.000000e+00 : f32
    %neg3A_463 = vector.broadcast %neg3A_462 : f32 to vector<512x1xf32>
    %neg3A_464 = arith.subf %neg3A_463, %broadcast_in_dim3A_453 : vector<512x1xf32>
    %max3A_465 = arith.constant 0.000000e+00 : f32
    %max3A_466 = vector.broadcast %max3A_465 : f32 to vector<512x1xf32>
    %max3A_467 = arith.maximumf %neg3A_464, %max3A_466 : vector<512x1xf32>
    %add3A_468 = arith.constant 9.99999996E-13 : f32
    %add3A_469 = vector.broadcast %add3A_468 : f32 to vector<512x1xf32>
    %add3A_470 = arith.addf %max3A_467, %add3A_469 : vector<512x1xf32>
    %sqrt3A_471 = math.sqrt %add3A_470 : vector<512x1xf32>
    %eq3A_472 = vector.broadcast %broadcast_in_dim3A_461 : vector<512x1xi32> to vector<512x512xi32>
    %eq3A_473 = arith.cmpi eq, %iota3A_412, %eq3A_472 : vector<512x512xi32>
    %jit3A_474 = arith.constant -3.000000e+38 : f32
    %broadcast_in_dim3A_475 = vector.broadcast %jit3A_474 : f32 to vector<512x512xf32>
    %select_n3A_476 = arith.select %eq3A_473, %broadcast_in_dim3A_475, %select_n3A_450 : vector<512x512xi1>, vector<512x512xf32>
    %reduce_max3A_477 = arith.constant dense<0xFF800000> : vector<512xf32>
    %reduce_max3A_478 = vector.multi_reduction <maximumf>, %select_n3A_476, %reduce_max3A_477 [1] : vector<512x512xf32> to vector<512xf32>
    %broadcast_in_dim3A_479 = vector.shape_cast %reduce_max3A_478 : vector<512xf32> to vector<512x1xf32>
    %eq3A_480 = vector.broadcast %broadcast_in_dim3A_479 : vector<512x1xf32> to vector<512x512xf32>
    %eq3A_481 = arith.cmpf oeq, %select_n3A_476, %eq3A_480 : vector<512x512xf32>
    %jit3A_482 = arith.constant 1073741824 : i32
    %broadcast_in_dim3A_483 = vector.broadcast %jit3A_482 : i32 to vector<512x512xi32>
    %select_n3A_484 = arith.select %eq3A_481, %iota3A_412, %broadcast_in_dim3A_483 : vector<512x512xi1>, vector<512x512xi32>
    %reduce_min3A_485 = arith.constant dense<2147483647> : vector<512xi32>
    %reduce_min3A_486 = vector.multi_reduction <minsi>, %select_n3A_484, %reduce_min3A_485 [1] : vector<512x512xi32> to vector<512xi32>
    %broadcast_in_dim3A_487 = vector.shape_cast %reduce_min3A_486 : vector<512xi32> to vector<512x1xi32>
    %neg3A_488 = arith.constant 0.000000e+00 : f32
    %neg3A_489 = vector.broadcast %neg3A_488 : f32 to vector<512x1xf32>
    %neg3A_490 = arith.subf %neg3A_489, %broadcast_in_dim3A_479 : vector<512x1xf32>
    %max3A_491 = arith.constant 0.000000e+00 : f32
    %max3A_492 = vector.broadcast %max3A_491 : f32 to vector<512x1xf32>
    %max3A_493 = arith.maximumf %neg3A_490, %max3A_492 : vector<512x1xf32>
    %add3A_494 = arith.constant 9.99999996E-13 : f32
    %add3A_495 = vector.broadcast %add3A_494 : f32 to vector<512x1xf32>
    %add3A_496 = arith.addf %max3A_493, %add3A_495 : vector<512x1xf32>
    %sqrt3A_497 = math.sqrt %add3A_496 : vector<512x1xf32>
    %eq3A_498 = vector.broadcast %broadcast_in_dim3A_487 : vector<512x1xi32> to vector<512x512xi32>
    %eq3A_499 = arith.cmpi eq, %iota3A_412, %eq3A_498 : vector<512x512xi32>
    %jit3A_500 = arith.constant -3.000000e+38 : f32
    %broadcast_in_dim3A_501 = vector.broadcast %jit3A_500 : f32 to vector<512x512xf32>
    %select_n3A_502 = arith.select %eq3A_499, %broadcast_in_dim3A_501, %select_n3A_476 : vector<512x512xi1>, vector<512x512xf32>
    %reduce_max3A_503 = arith.constant dense<0xFF800000> : vector<512xf32>
    %reduce_max3A_504 = vector.multi_reduction <maximumf>, %select_n3A_502, %reduce_max3A_503 [1] : vector<512x512xf32> to vector<512xf32>
    %broadcast_in_dim3A_505 = vector.shape_cast %reduce_max3A_504 : vector<512xf32> to vector<512x1xf32>
    %eq3A_506 = vector.broadcast %broadcast_in_dim3A_505 : vector<512x1xf32> to vector<512x512xf32>
    %eq3A_507 = arith.cmpf oeq, %select_n3A_502, %eq3A_506 : vector<512x512xf32>
    %jit3A_508 = arith.constant 1073741824 : i32
    %broadcast_in_dim3A_509 = vector.broadcast %jit3A_508 : i32 to vector<512x512xi32>
    %select_n3A_510 = arith.select %eq3A_507, %iota3A_412, %broadcast_in_dim3A_509 : vector<512x512xi1>, vector<512x512xi32>
    %reduce_min3A_511 = arith.constant dense<2147483647> : vector<512xi32>
    %reduce_min3A_512 = vector.multi_reduction <minsi>, %select_n3A_510, %reduce_min3A_511 [1] : vector<512x512xi32> to vector<512xi32>
    %broadcast_in_dim3A_513 = vector.shape_cast %reduce_min3A_512 : vector<512xi32> to vector<512x1xi32>
    %neg3A_514 = arith.constant 0.000000e+00 : f32
    %neg3A_515 = vector.broadcast %neg3A_514 : f32 to vector<512x1xf32>
    %neg3A_516 = arith.subf %neg3A_515, %broadcast_in_dim3A_505 : vector<512x1xf32>
    %max3A_517 = arith.constant 0.000000e+00 : f32
    %max3A_518 = vector.broadcast %max3A_517 : f32 to vector<512x1xf32>
    %max3A_519 = arith.maximumf %neg3A_516, %max3A_518 : vector<512x1xf32>
    %add3A_520 = arith.constant 9.99999996E-13 : f32
    %add3A_521 = vector.broadcast %add3A_520 : f32 to vector<512x1xf32>
    %add3A_522 = arith.addf %max3A_519, %add3A_521 : vector<512x1xf32>
    %sqrt3A_523 = math.sqrt %add3A_522 : vector<512x1xf32>
    %eq3A_524 = vector.broadcast %broadcast_in_dim3A_513 : vector<512x1xi32> to vector<512x512xi32>
    %eq3A_525 = arith.cmpi eq, %iota3A_412, %eq3A_524 : vector<512x512xi32>
    %jit3A_526 = arith.constant -3.000000e+38 : f32
    %broadcast_in_dim3A_527 = vector.broadcast %jit3A_526 : f32 to vector<512x512xf32>
    %select_n3A_528 = arith.select %eq3A_525, %broadcast_in_dim3A_527, %select_n3A_502 : vector<512x512xi1>, vector<512x512xf32>
    %reduce_max3A_529 = arith.constant dense<0xFF800000> : vector<512xf32>
    %reduce_max3A_530 = vector.multi_reduction <maximumf>, %select_n3A_528, %reduce_max3A_529 [1] : vector<512x512xf32> to vector<512xf32>
    %broadcast_in_dim3A_531 = vector.shape_cast %reduce_max3A_530 : vector<512xf32> to vector<512x1xf32>
    %eq3A_532 = vector.broadcast %broadcast_in_dim3A_531 : vector<512x1xf32> to vector<512x512xf32>
    %eq3A_533 = arith.cmpf oeq, %select_n3A_528, %eq3A_532 : vector<512x512xf32>
    %jit3A_534 = arith.constant 1073741824 : i32
    %broadcast_in_dim3A_535 = vector.broadcast %jit3A_534 : i32 to vector<512x512xi32>
    %select_n3A_536 = arith.select %eq3A_533, %iota3A_412, %broadcast_in_dim3A_535 : vector<512x512xi1>, vector<512x512xi32>
    %reduce_min3A_537 = arith.constant dense<2147483647> : vector<512xi32>
    %reduce_min3A_538 = vector.multi_reduction <minsi>, %select_n3A_536, %reduce_min3A_537 [1] : vector<512x512xi32> to vector<512xi32>
    %broadcast_in_dim3A_539 = vector.shape_cast %reduce_min3A_538 : vector<512xi32> to vector<512x1xi32>
    %neg3A_540 = arith.constant 0.000000e+00 : f32
    %neg3A_541 = vector.broadcast %neg3A_540 : f32 to vector<512x1xf32>
    %neg3A_542 = arith.subf %neg3A_541, %broadcast_in_dim3A_531 : vector<512x1xf32>
    %max3A_543 = arith.constant 0.000000e+00 : f32
    %max3A_544 = vector.broadcast %max3A_543 : f32 to vector<512x1xf32>
    %max3A_545 = arith.maximumf %neg3A_542, %max3A_544 : vector<512x1xf32>
    %add3A_546 = arith.constant 9.99999996E-13 : f32
    %add3A_547 = vector.broadcast %add3A_546 : f32 to vector<512x1xf32>
    %add3A_548 = arith.addf %max3A_545, %add3A_547 : vector<512x1xf32>
    %sqrt3A_549 = math.sqrt %add3A_548 : vector<512x1xf32>
    %eq3A_550 = vector.broadcast %broadcast_in_dim3A_539 : vector<512x1xi32> to vector<512x512xi32>
    %eq3A_551 = arith.cmpi eq, %iota3A_412, %eq3A_550 : vector<512x512xi32>
    %jit3A_552 = arith.constant -3.000000e+38 : f32
    %broadcast_in_dim3A_553 = vector.broadcast %jit3A_552 : f32 to vector<512x512xf32>
    %select_n3A_554 = arith.select %eq3A_551, %broadcast_in_dim3A_553, %select_n3A_528 : vector<512x512xi1>, vector<512x512xf32>
    %reduce_max3A_555 = arith.constant dense<0xFF800000> : vector<512xf32>
    %reduce_max3A_556 = vector.multi_reduction <maximumf>, %select_n3A_554, %reduce_max3A_555 [1] : vector<512x512xf32> to vector<512xf32>
    %broadcast_in_dim3A_557 = vector.shape_cast %reduce_max3A_556 : vector<512xf32> to vector<512x1xf32>
    %eq3A_558 = vector.broadcast %broadcast_in_dim3A_557 : vector<512x1xf32> to vector<512x512xf32>
    %eq3A_559 = arith.cmpf oeq, %select_n3A_554, %eq3A_558 : vector<512x512xf32>
    %jit3A_560 = arith.constant 1073741824 : i32
    %broadcast_in_dim3A_561 = vector.broadcast %jit3A_560 : i32 to vector<512x512xi32>
    %select_n3A_562 = arith.select %eq3A_559, %iota3A_412, %broadcast_in_dim3A_561 : vector<512x512xi1>, vector<512x512xi32>
    %reduce_min3A_563 = arith.constant dense<2147483647> : vector<512xi32>
    %reduce_min3A_564 = vector.multi_reduction <minsi>, %select_n3A_562, %reduce_min3A_563 [1] : vector<512x512xi32> to vector<512xi32>
    %broadcast_in_dim3A_565 = vector.shape_cast %reduce_min3A_564 : vector<512xi32> to vector<512x1xi32>
    %neg3A_566 = arith.constant 0.000000e+00 : f32
    %neg3A_567 = vector.broadcast %neg3A_566 : f32 to vector<512x1xf32>
    %neg3A_568 = arith.subf %neg3A_567, %broadcast_in_dim3A_557 : vector<512x1xf32>
    %max3A_569 = arith.constant 0.000000e+00 : f32
    %max3A_570 = vector.broadcast %max3A_569 : f32 to vector<512x1xf32>
    %max3A_571 = arith.maximumf %neg3A_568, %max3A_570 : vector<512x1xf32>
    %add3A_572 = arith.constant 9.99999996E-13 : f32
    %add3A_573 = vector.broadcast %add3A_572 : f32 to vector<512x1xf32>
    %add3A_574 = arith.addf %max3A_571, %add3A_573 : vector<512x1xf32>
    %sqrt3A_575 = math.sqrt %add3A_574 : vector<512x1xf32>
    %eq3A_576 = vector.broadcast %broadcast_in_dim3A_565 : vector<512x1xi32> to vector<512x512xi32>
    %eq3A_577 = arith.cmpi eq, %iota3A_412, %eq3A_576 : vector<512x512xi32>
    %jit3A_578 = arith.constant -3.000000e+38 : f32
    %broadcast_in_dim3A_579 = vector.broadcast %jit3A_578 : f32 to vector<512x512xf32>
    %select_n3A_580 = arith.select %eq3A_577, %broadcast_in_dim3A_579, %select_n3A_554 : vector<512x512xi1>, vector<512x512xf32>
    %reduce_max3A_581 = arith.constant dense<0xFF800000> : vector<512xf32>
    %reduce_max3A_582 = vector.multi_reduction <maximumf>, %select_n3A_580, %reduce_max3A_581 [1] : vector<512x512xf32> to vector<512xf32>
    %broadcast_in_dim3A_583 = vector.shape_cast %reduce_max3A_582 : vector<512xf32> to vector<512x1xf32>
    %eq3A_584 = vector.broadcast %broadcast_in_dim3A_583 : vector<512x1xf32> to vector<512x512xf32>
    %eq3A_585 = arith.cmpf oeq, %select_n3A_580, %eq3A_584 : vector<512x512xf32>
    %jit3A_586 = arith.constant 1073741824 : i32
    %broadcast_in_dim3A_587 = vector.broadcast %jit3A_586 : i32 to vector<512x512xi32>
    %select_n3A_588 = arith.select %eq3A_585, %iota3A_412, %broadcast_in_dim3A_587 : vector<512x512xi1>, vector<512x512xi32>
    %reduce_min3A_589 = arith.constant dense<2147483647> : vector<512xi32>
    %reduce_min3A_590 = vector.multi_reduction <minsi>, %select_n3A_588, %reduce_min3A_589 [1] : vector<512x512xi32> to vector<512xi32>
    %broadcast_in_dim3A_591 = vector.shape_cast %reduce_min3A_590 : vector<512xi32> to vector<512x1xi32>
    %neg3A_592 = arith.constant 0.000000e+00 : f32
    %neg3A_593 = vector.broadcast %neg3A_592 : f32 to vector<512x1xf32>
    %neg3A_594 = arith.subf %neg3A_593, %broadcast_in_dim3A_583 : vector<512x1xf32>
    %max3A_595 = arith.constant 0.000000e+00 : f32
    %max3A_596 = vector.broadcast %max3A_595 : f32 to vector<512x1xf32>
    %max3A_597 = arith.maximumf %neg3A_594, %max3A_596 : vector<512x1xf32>
    %add3A_598 = arith.constant 9.99999996E-13 : f32
    %add3A_599 = vector.broadcast %add3A_598 : f32 to vector<512x1xf32>
    %add3A_600 = arith.addf %max3A_597, %add3A_599 : vector<512x1xf32>
    %sqrt3A_601 = math.sqrt %add3A_600 : vector<512x1xf32>
    %eq3A_602 = vector.broadcast %broadcast_in_dim3A_591 : vector<512x1xi32> to vector<512x512xi32>
    %eq3A_603 = arith.cmpi eq, %iota3A_412, %eq3A_602 : vector<512x512xi32>
    %jit3A_604 = arith.constant -3.000000e+38 : f32
    %broadcast_in_dim3A_605 = vector.broadcast %jit3A_604 : f32 to vector<512x512xf32>
    %select_n3A_606 = arith.select %eq3A_603, %broadcast_in_dim3A_605, %select_n3A_580 : vector<512x512xi1>, vector<512x512xf32>
    %reduce_max3A_607 = arith.constant dense<0xFF800000> : vector<512xf32>
    %reduce_max3A_608 = vector.multi_reduction <maximumf>, %select_n3A_606, %reduce_max3A_607 [1] : vector<512x512xf32> to vector<512xf32>
    %broadcast_in_dim3A_609 = vector.shape_cast %reduce_max3A_608 : vector<512xf32> to vector<512x1xf32>
    %eq3A_610 = vector.broadcast %broadcast_in_dim3A_609 : vector<512x1xf32> to vector<512x512xf32>
    %eq3A_611 = arith.cmpf oeq, %select_n3A_606, %eq3A_610 : vector<512x512xf32>
    %jit3A_612 = arith.constant 1073741824 : i32
    %broadcast_in_dim3A_613 = vector.broadcast %jit3A_612 : i32 to vector<512x512xi32>
    %select_n3A_614 = arith.select %eq3A_611, %iota3A_412, %broadcast_in_dim3A_613 : vector<512x512xi1>, vector<512x512xi32>
    %reduce_min3A_615 = arith.constant dense<2147483647> : vector<512xi32>
    %reduce_min3A_616 = vector.multi_reduction <minsi>, %select_n3A_614, %reduce_min3A_615 [1] : vector<512x512xi32> to vector<512xi32>
    %broadcast_in_dim3A_617 = vector.shape_cast %reduce_min3A_616 : vector<512xi32> to vector<512x1xi32>
    %neg3A_618 = arith.constant 0.000000e+00 : f32
    %neg3A_619 = vector.broadcast %neg3A_618 : f32 to vector<512x1xf32>
    %neg3A_620 = arith.subf %neg3A_619, %broadcast_in_dim3A_609 : vector<512x1xf32>
    %max3A_621 = arith.constant 0.000000e+00 : f32
    %max3A_622 = vector.broadcast %max3A_621 : f32 to vector<512x1xf32>
    %max3A_623 = arith.maximumf %neg3A_620, %max3A_622 : vector<512x1xf32>
    %add3A_624 = arith.constant 9.99999996E-13 : f32
    %add3A_625 = vector.broadcast %add3A_624 : f32 to vector<512x1xf32>
    %add3A_626 = arith.addf %max3A_623, %add3A_625 : vector<512x1xf32>
    %sqrt3A_627 = math.sqrt %add3A_626 : vector<512x1xf32>
    %eq3A_628 = vector.broadcast %broadcast_in_dim3A_617 : vector<512x1xi32> to vector<512x512xi32>
    %eq3A_629 = arith.cmpi eq, %iota3A_412, %eq3A_628 : vector<512x512xi32>
    %jit3A_630 = arith.constant -3.000000e+38 : f32
    %broadcast_in_dim3A_631 = vector.broadcast %jit3A_630 : f32 to vector<512x512xf32>
    %select_n3A_632 = arith.select %eq3A_629, %broadcast_in_dim3A_631, %select_n3A_606 : vector<512x512xi1>, vector<512x512xf32>
    %reduce_max3A_633 = arith.constant dense<0xFF800000> : vector<512xf32>
    %reduce_max3A_634 = vector.multi_reduction <maximumf>, %select_n3A_632, %reduce_max3A_633 [1] : vector<512x512xf32> to vector<512xf32>
    %broadcast_in_dim3A_635 = vector.shape_cast %reduce_max3A_634 : vector<512xf32> to vector<512x1xf32>
    %eq3A_636 = vector.broadcast %broadcast_in_dim3A_635 : vector<512x1xf32> to vector<512x512xf32>
    %eq3A_637 = arith.cmpf oeq, %select_n3A_632, %eq3A_636 : vector<512x512xf32>
    %jit3A_638 = arith.constant 1073741824 : i32
    %broadcast_in_dim3A_639 = vector.broadcast %jit3A_638 : i32 to vector<512x512xi32>
    %select_n3A_640 = arith.select %eq3A_637, %iota3A_412, %broadcast_in_dim3A_639 : vector<512x512xi1>, vector<512x512xi32>
    %reduce_min3A_641 = arith.constant dense<2147483647> : vector<512xi32>
    %reduce_min3A_642 = vector.multi_reduction <minsi>, %select_n3A_640, %reduce_min3A_641 [1] : vector<512x512xi32> to vector<512xi32>
    %broadcast_in_dim3A_643 = vector.shape_cast %reduce_min3A_642 : vector<512xi32> to vector<512x1xi32>
    %neg3A_644 = arith.constant 0.000000e+00 : f32
    %neg3A_645 = vector.broadcast %neg3A_644 : f32 to vector<512x1xf32>
    %neg3A_646 = arith.subf %neg3A_645, %broadcast_in_dim3A_635 : vector<512x1xf32>
    %max3A_647 = arith.constant 0.000000e+00 : f32
    %max3A_648 = vector.broadcast %max3A_647 : f32 to vector<512x1xf32>
    %max3A_649 = arith.maximumf %neg3A_646, %max3A_648 : vector<512x1xf32>
    %add3A_650 = arith.constant 9.99999996E-13 : f32
    %add3A_651 = vector.broadcast %add3A_650 : f32 to vector<512x1xf32>
    %add3A_652 = arith.addf %max3A_649, %add3A_651 : vector<512x1xf32>
    %sqrt3A_653 = math.sqrt %add3A_652 : vector<512x1xf32>
    %eq3A_654 = vector.broadcast %broadcast_in_dim3A_643 : vector<512x1xi32> to vector<512x512xi32>
    %eq3A_655 = arith.cmpi eq, %iota3A_412, %eq3A_654 : vector<512x512xi32>
    %jit3A_656 = arith.constant -3.000000e+38 : f32
    %broadcast_in_dim3A_657 = vector.broadcast %jit3A_656 : f32 to vector<512x512xf32>
    %select_n3A_658 = arith.select %eq3A_655, %broadcast_in_dim3A_657, %select_n3A_632 : vector<512x512xi1>, vector<512x512xf32>
    %reduce_max3A_659 = arith.constant dense<0xFF800000> : vector<512xf32>
    %reduce_max3A_660 = vector.multi_reduction <maximumf>, %select_n3A_658, %reduce_max3A_659 [1] : vector<512x512xf32> to vector<512xf32>
    %broadcast_in_dim3A_661 = vector.shape_cast %reduce_max3A_660 : vector<512xf32> to vector<512x1xf32>
    %eq3A_662 = vector.broadcast %broadcast_in_dim3A_661 : vector<512x1xf32> to vector<512x512xf32>
    %eq3A_663 = arith.cmpf oeq, %select_n3A_658, %eq3A_662 : vector<512x512xf32>
    %jit3A_664 = arith.constant 1073741824 : i32
    %broadcast_in_dim3A_665 = vector.broadcast %jit3A_664 : i32 to vector<512x512xi32>
    %select_n3A_666 = arith.select %eq3A_663, %iota3A_412, %broadcast_in_dim3A_665 : vector<512x512xi1>, vector<512x512xi32>
    %reduce_min3A_667 = arith.constant dense<2147483647> : vector<512xi32>
    %reduce_min3A_668 = vector.multi_reduction <minsi>, %select_n3A_666, %reduce_min3A_667 [1] : vector<512x512xi32> to vector<512xi32>
    %broadcast_in_dim3A_669 = vector.shape_cast %reduce_min3A_668 : vector<512xi32> to vector<512x1xi32>
    %neg3A_670 = arith.constant 0.000000e+00 : f32
    %neg3A_671 = vector.broadcast %neg3A_670 : f32 to vector<512x1xf32>
    %neg3A_672 = arith.subf %neg3A_671, %broadcast_in_dim3A_661 : vector<512x1xf32>
    %max3A_673 = arith.constant 0.000000e+00 : f32
    %max3A_674 = vector.broadcast %max3A_673 : f32 to vector<512x1xf32>
    %max3A_675 = arith.maximumf %neg3A_672, %max3A_674 : vector<512x1xf32>
    %add3A_676 = arith.constant 9.99999996E-13 : f32
    %add3A_677 = vector.broadcast %add3A_676 : f32 to vector<512x1xf32>
    %add3A_678 = arith.addf %max3A_675, %add3A_677 : vector<512x1xf32>
    %sqrt3A_679 = math.sqrt %add3A_678 : vector<512x1xf32>
    %eq3A_680 = vector.broadcast %broadcast_in_dim3A_669 : vector<512x1xi32> to vector<512x512xi32>
    %eq3A_681 = arith.cmpi eq, %iota3A_412, %eq3A_680 : vector<512x512xi32>
    %jit3A_682 = arith.constant -3.000000e+38 : f32
    %broadcast_in_dim3A_683 = vector.broadcast %jit3A_682 : f32 to vector<512x512xf32>
    %select_n3A_684 = arith.select %eq3A_681, %broadcast_in_dim3A_683, %select_n3A_658 : vector<512x512xi1>, vector<512x512xf32>
    %reduce_max3A_685 = arith.constant dense<0xFF800000> : vector<512xf32>
    %reduce_max3A_686 = vector.multi_reduction <maximumf>, %select_n3A_684, %reduce_max3A_685 [1] : vector<512x512xf32> to vector<512xf32>
    %broadcast_in_dim3A_687 = vector.shape_cast %reduce_max3A_686 : vector<512xf32> to vector<512x1xf32>
    %eq3A_688 = vector.broadcast %broadcast_in_dim3A_687 : vector<512x1xf32> to vector<512x512xf32>
    %eq3A_689 = arith.cmpf oeq, %select_n3A_684, %eq3A_688 : vector<512x512xf32>
    %jit3A_690 = arith.constant 1073741824 : i32
    %broadcast_in_dim3A_691 = vector.broadcast %jit3A_690 : i32 to vector<512x512xi32>
    %select_n3A_692 = arith.select %eq3A_689, %iota3A_412, %broadcast_in_dim3A_691 : vector<512x512xi1>, vector<512x512xi32>
    %reduce_min3A_693 = arith.constant dense<2147483647> : vector<512xi32>
    %reduce_min3A_694 = vector.multi_reduction <minsi>, %select_n3A_692, %reduce_min3A_693 [1] : vector<512x512xi32> to vector<512xi32>
    %broadcast_in_dim3A_695 = vector.shape_cast %reduce_min3A_694 : vector<512xi32> to vector<512x1xi32>
    %neg3A_696 = arith.constant 0.000000e+00 : f32
    %neg3A_697 = vector.broadcast %neg3A_696 : f32 to vector<512x1xf32>
    %neg3A_698 = arith.subf %neg3A_697, %broadcast_in_dim3A_687 : vector<512x1xf32>
    %max3A_699 = arith.constant 0.000000e+00 : f32
    %max3A_700 = vector.broadcast %max3A_699 : f32 to vector<512x1xf32>
    %max3A_701 = arith.maximumf %neg3A_698, %max3A_700 : vector<512x1xf32>
    %add3A_702 = arith.constant 9.99999996E-13 : f32
    %add3A_703 = vector.broadcast %add3A_702 : f32 to vector<512x1xf32>
    %add3A_704 = arith.addf %max3A_701, %add3A_703 : vector<512x1xf32>
    %sqrt3A_705 = math.sqrt %add3A_704 : vector<512x1xf32>
    %eq3A_706 = vector.broadcast %broadcast_in_dim3A_695 : vector<512x1xi32> to vector<512x512xi32>
    %eq3A_707 = arith.cmpi eq, %iota3A_412, %eq3A_706 : vector<512x512xi32>
    %jit3A_708 = arith.constant -3.000000e+38 : f32
    %broadcast_in_dim3A_709 = vector.broadcast %jit3A_708 : f32 to vector<512x512xf32>
    %select_n3A_710 = arith.select %eq3A_707, %broadcast_in_dim3A_709, %select_n3A_684 : vector<512x512xi1>, vector<512x512xf32>
    %reduce_max3A_711 = arith.constant dense<0xFF800000> : vector<512xf32>
    %reduce_max3A_712 = vector.multi_reduction <maximumf>, %select_n3A_710, %reduce_max3A_711 [1] : vector<512x512xf32> to vector<512xf32>
    %broadcast_in_dim3A_713 = vector.shape_cast %reduce_max3A_712 : vector<512xf32> to vector<512x1xf32>
    %eq3A_714 = vector.broadcast %broadcast_in_dim3A_713 : vector<512x1xf32> to vector<512x512xf32>
    %eq3A_715 = arith.cmpf oeq, %select_n3A_710, %eq3A_714 : vector<512x512xf32>
    %jit3A_716 = arith.constant 1073741824 : i32
    %broadcast_in_dim3A_717 = vector.broadcast %jit3A_716 : i32 to vector<512x512xi32>
    %select_n3A_718 = arith.select %eq3A_715, %iota3A_412, %broadcast_in_dim3A_717 : vector<512x512xi1>, vector<512x512xi32>
    %reduce_min3A_719 = arith.constant dense<2147483647> : vector<512xi32>
    %reduce_min3A_720 = vector.multi_reduction <minsi>, %select_n3A_718, %reduce_min3A_719 [1] : vector<512x512xi32> to vector<512xi32>
    %broadcast_in_dim3A_721 = vector.shape_cast %reduce_min3A_720 : vector<512xi32> to vector<512x1xi32>
    %neg3A_722 = arith.constant 0.000000e+00 : f32
    %neg3A_723 = vector.broadcast %neg3A_722 : f32 to vector<512x1xf32>
    %neg3A_724 = arith.subf %neg3A_723, %broadcast_in_dim3A_713 : vector<512x1xf32>
    %max3A_725 = arith.constant 0.000000e+00 : f32
    %max3A_726 = vector.broadcast %max3A_725 : f32 to vector<512x1xf32>
    %max3A_727 = arith.maximumf %neg3A_724, %max3A_726 : vector<512x1xf32>
    %add3A_728 = arith.constant 9.99999996E-13 : f32
    %add3A_729 = vector.broadcast %add3A_728 : f32 to vector<512x1xf32>
    %add3A_730 = arith.addf %max3A_727, %add3A_729 : vector<512x1xf32>
    %sqrt3A_731 = math.sqrt %add3A_730 : vector<512x1xf32>
    %eq3A_732 = vector.broadcast %broadcast_in_dim3A_721 : vector<512x1xi32> to vector<512x512xi32>
    %eq3A_733 = arith.cmpi eq, %iota3A_412, %eq3A_732 : vector<512x512xi32>
    %jit3A_734 = arith.constant -3.000000e+38 : f32
    %broadcast_in_dim3A_735 = vector.broadcast %jit3A_734 : f32 to vector<512x512xf32>
    %select_n3A_736 = arith.select %eq3A_733, %broadcast_in_dim3A_735, %select_n3A_710 : vector<512x512xi1>, vector<512x512xf32>
    %reduce_max3A_737 = arith.constant dense<0xFF800000> : vector<512xf32>
    %reduce_max3A_738 = vector.multi_reduction <maximumf>, %select_n3A_736, %reduce_max3A_737 [1] : vector<512x512xf32> to vector<512xf32>
    %broadcast_in_dim3A_739 = vector.shape_cast %reduce_max3A_738 : vector<512xf32> to vector<512x1xf32>
    %eq3A_740 = vector.broadcast %broadcast_in_dim3A_739 : vector<512x1xf32> to vector<512x512xf32>
    %eq3A_741 = arith.cmpf oeq, %select_n3A_736, %eq3A_740 : vector<512x512xf32>
    %jit3A_742 = arith.constant 1073741824 : i32
    %broadcast_in_dim3A_743 = vector.broadcast %jit3A_742 : i32 to vector<512x512xi32>
    %select_n3A_744 = arith.select %eq3A_741, %iota3A_412, %broadcast_in_dim3A_743 : vector<512x512xi1>, vector<512x512xi32>
    %reduce_min3A_745 = arith.constant dense<2147483647> : vector<512xi32>
    %reduce_min3A_746 = vector.multi_reduction <minsi>, %select_n3A_744, %reduce_min3A_745 [1] : vector<512x512xi32> to vector<512xi32>
    %broadcast_in_dim3A_747 = vector.shape_cast %reduce_min3A_746 : vector<512xi32> to vector<512x1xi32>
    %neg3A_748 = arith.constant 0.000000e+00 : f32
    %neg3A_749 = vector.broadcast %neg3A_748 : f32 to vector<512x1xf32>
    %neg3A_750 = arith.subf %neg3A_749, %broadcast_in_dim3A_739 : vector<512x1xf32>
    %max3A_751 = arith.constant 0.000000e+00 : f32
    %max3A_752 = vector.broadcast %max3A_751 : f32 to vector<512x1xf32>
    %max3A_753 = arith.maximumf %neg3A_750, %max3A_752 : vector<512x1xf32>
    %add3A_754 = arith.constant 9.99999996E-13 : f32
    %add3A_755 = vector.broadcast %add3A_754 : f32 to vector<512x1xf32>
    %add3A_756 = arith.addf %max3A_753, %add3A_755 : vector<512x1xf32>
    %sqrt3A_757 = math.sqrt %add3A_756 : vector<512x1xf32>
    %eq3A_758 = vector.broadcast %broadcast_in_dim3A_747 : vector<512x1xi32> to vector<512x512xi32>
    %eq3A_759 = arith.cmpi eq, %iota3A_412, %eq3A_758 : vector<512x512xi32>
    %jit3A_760 = arith.constant -3.000000e+38 : f32
    %broadcast_in_dim3A_761 = vector.broadcast %jit3A_760 : f32 to vector<512x512xf32>
    %select_n3A_762 = arith.select %eq3A_759, %broadcast_in_dim3A_761, %select_n3A_736 : vector<512x512xi1>, vector<512x512xf32>
    %reduce_max3A_763 = arith.constant dense<0xFF800000> : vector<512xf32>
    %reduce_max3A_764 = vector.multi_reduction <maximumf>, %select_n3A_762, %reduce_max3A_763 [1] : vector<512x512xf32> to vector<512xf32>
    %broadcast_in_dim3A_765 = vector.shape_cast %reduce_max3A_764 : vector<512xf32> to vector<512x1xf32>
    %eq3A_766 = vector.broadcast %broadcast_in_dim3A_765 : vector<512x1xf32> to vector<512x512xf32>
    %eq3A_767 = arith.cmpf oeq, %select_n3A_762, %eq3A_766 : vector<512x512xf32>
    %jit3A_768 = arith.constant 1073741824 : i32
    %broadcast_in_dim3A_769 = vector.broadcast %jit3A_768 : i32 to vector<512x512xi32>
    %select_n3A_770 = arith.select %eq3A_767, %iota3A_412, %broadcast_in_dim3A_769 : vector<512x512xi1>, vector<512x512xi32>
    %reduce_min3A_771 = arith.constant dense<2147483647> : vector<512xi32>
    %reduce_min3A_772 = vector.multi_reduction <minsi>, %select_n3A_770, %reduce_min3A_771 [1] : vector<512x512xi32> to vector<512xi32>
    %broadcast_in_dim3A_773 = vector.shape_cast %reduce_min3A_772 : vector<512xi32> to vector<512x1xi32>
    %neg3A_774 = arith.constant 0.000000e+00 : f32
    %neg3A_775 = vector.broadcast %neg3A_774 : f32 to vector<512x1xf32>
    %neg3A_776 = arith.subf %neg3A_775, %broadcast_in_dim3A_765 : vector<512x1xf32>
    %max3A_777 = arith.constant 0.000000e+00 : f32
    %max3A_778 = vector.broadcast %max3A_777 : f32 to vector<512x1xf32>
    %max3A_779 = arith.maximumf %neg3A_776, %max3A_778 : vector<512x1xf32>
    %add3A_780 = arith.constant 9.99999996E-13 : f32
    %add3A_781 = vector.broadcast %add3A_780 : f32 to vector<512x1xf32>
    %add3A_782 = arith.addf %max3A_779, %add3A_781 : vector<512x1xf32>
    %sqrt3A_783 = math.sqrt %add3A_782 : vector<512x1xf32>
    %eq3A_784 = vector.broadcast %broadcast_in_dim3A_773 : vector<512x1xi32> to vector<512x512xi32>
    %eq3A_785 = arith.cmpi eq, %iota3A_412, %eq3A_784 : vector<512x512xi32>
    %jit3A_786 = arith.constant -3.000000e+38 : f32
    %broadcast_in_dim3A_787 = vector.broadcast %jit3A_786 : f32 to vector<512x512xf32>
    %select_n3A_788 = arith.select %eq3A_785, %broadcast_in_dim3A_787, %select_n3A_762 : vector<512x512xi1>, vector<512x512xf32>
    %reduce_max3A_789 = arith.constant dense<0xFF800000> : vector<512xf32>
    %reduce_max3A_790 = vector.multi_reduction <maximumf>, %select_n3A_788, %reduce_max3A_789 [1] : vector<512x512xf32> to vector<512xf32>
    %broadcast_in_dim3A_791 = vector.shape_cast %reduce_max3A_790 : vector<512xf32> to vector<512x1xf32>
    %eq3A_792 = vector.broadcast %broadcast_in_dim3A_791 : vector<512x1xf32> to vector<512x512xf32>
    %eq3A_793 = arith.cmpf oeq, %select_n3A_788, %eq3A_792 : vector<512x512xf32>
    %jit3A_794 = arith.constant 1073741824 : i32
    %broadcast_in_dim3A_795 = vector.broadcast %jit3A_794 : i32 to vector<512x512xi32>
    %select_n3A_796 = arith.select %eq3A_793, %iota3A_412, %broadcast_in_dim3A_795 : vector<512x512xi1>, vector<512x512xi32>
    %reduce_min3A_797 = arith.constant dense<2147483647> : vector<512xi32>
    %reduce_min3A_798 = vector.multi_reduction <minsi>, %select_n3A_796, %reduce_min3A_797 [1] : vector<512x512xi32> to vector<512xi32>
    %broadcast_in_dim3A_799 = vector.shape_cast %reduce_min3A_798 : vector<512xi32> to vector<512x1xi32>
    %neg3A_800 = arith.constant 0.000000e+00 : f32
    %neg3A_801 = vector.broadcast %neg3A_800 : f32 to vector<512x1xf32>
    %neg3A_802 = arith.subf %neg3A_801, %broadcast_in_dim3A_791 : vector<512x1xf32>
    %max3A_803 = arith.constant 0.000000e+00 : f32
    %max3A_804 = vector.broadcast %max3A_803 : f32 to vector<512x1xf32>
    %max3A_805 = arith.maximumf %neg3A_802, %max3A_804 : vector<512x1xf32>
    %add3A_806 = arith.constant 9.99999996E-13 : f32
    %add3A_807 = vector.broadcast %add3A_806 : f32 to vector<512x1xf32>
    %add3A_808 = arith.addf %max3A_805, %add3A_807 : vector<512x1xf32>
    %sqrt3A_809 = math.sqrt %add3A_808 : vector<512x1xf32>
    %eq3A_810 = vector.broadcast %broadcast_in_dim3A_799 : vector<512x1xi32> to vector<512x512xi32>
    %eq3A_811 = arith.cmpi eq, %iota3A_412, %eq3A_810 : vector<512x512xi32>
    %jit3A_812 = arith.constant -3.000000e+38 : f32
    %broadcast_in_dim3A_813 = vector.broadcast %jit3A_812 : f32 to vector<512x512xf32>
    %select_n3A_814 = arith.select %eq3A_811, %broadcast_in_dim3A_813, %select_n3A_788 : vector<512x512xi1>, vector<512x512xf32>
    %reduce_max3A_815 = arith.constant dense<0xFF800000> : vector<512xf32>
    %reduce_max3A_816 = vector.multi_reduction <maximumf>, %select_n3A_814, %reduce_max3A_815 [1] : vector<512x512xf32> to vector<512xf32>
    %broadcast_in_dim3A_817 = vector.shape_cast %reduce_max3A_816 : vector<512xf32> to vector<512x1xf32>
    %eq3A_818 = vector.broadcast %broadcast_in_dim3A_817 : vector<512x1xf32> to vector<512x512xf32>
    %eq3A_819 = arith.cmpf oeq, %select_n3A_814, %eq3A_818 : vector<512x512xf32>
    %jit3A_820 = arith.constant 1073741824 : i32
    %broadcast_in_dim3A_821 = vector.broadcast %jit3A_820 : i32 to vector<512x512xi32>
    %select_n3A_822 = arith.select %eq3A_819, %iota3A_412, %broadcast_in_dim3A_821 : vector<512x512xi1>, vector<512x512xi32>
    %reduce_min3A_823 = arith.constant dense<2147483647> : vector<512xi32>
    %reduce_min3A_824 = vector.multi_reduction <minsi>, %select_n3A_822, %reduce_min3A_823 [1] : vector<512x512xi32> to vector<512xi32>
    %broadcast_in_dim3A_825 = vector.shape_cast %reduce_min3A_824 : vector<512xi32> to vector<512x1xi32>
    %neg3A_826 = arith.constant 0.000000e+00 : f32
    %neg3A_827 = vector.broadcast %neg3A_826 : f32 to vector<512x1xf32>
    %neg3A_828 = arith.subf %neg3A_827, %broadcast_in_dim3A_817 : vector<512x1xf32>
    %max3A_829 = arith.constant 0.000000e+00 : f32
    %max3A_830 = vector.broadcast %max3A_829 : f32 to vector<512x1xf32>
    %max3A_831 = arith.maximumf %neg3A_828, %max3A_830 : vector<512x1xf32>
    %add3A_832 = arith.constant 9.99999996E-13 : f32
    %add3A_833 = vector.broadcast %add3A_832 : f32 to vector<512x1xf32>
    %add3A_834 = arith.addf %max3A_831, %add3A_833 : vector<512x1xf32>
    %sqrt3A_835 = math.sqrt %add3A_834 : vector<512x1xf32>
    %eq3A_836 = vector.broadcast %broadcast_in_dim3A_825 : vector<512x1xi32> to vector<512x512xi32>
    %eq3A_837 = arith.cmpi eq, %iota3A_412, %eq3A_836 : vector<512x512xi32>
    %jit3A_838 = arith.constant -3.000000e+38 : f32
    %broadcast_in_dim3A_839 = vector.broadcast %jit3A_838 : f32 to vector<512x512xf32>
    %select_n3A_840 = arith.select %eq3A_837, %broadcast_in_dim3A_839, %select_n3A_814 : vector<512x512xi1>, vector<512x512xf32>
    %reduce_max3A_841 = arith.constant dense<0xFF800000> : vector<512xf32>
    %reduce_max3A_842 = vector.multi_reduction <maximumf>, %select_n3A_840, %reduce_max3A_841 [1] : vector<512x512xf32> to vector<512xf32>
    %broadcast_in_dim3A_843 = vector.shape_cast %reduce_max3A_842 : vector<512xf32> to vector<512x1xf32>
    %eq3A_844 = vector.broadcast %broadcast_in_dim3A_843 : vector<512x1xf32> to vector<512x512xf32>
    %eq3A_845 = arith.cmpf oeq, %select_n3A_840, %eq3A_844 : vector<512x512xf32>
    %jit3A_846 = arith.constant 1073741824 : i32
    %broadcast_in_dim3A_847 = vector.broadcast %jit3A_846 : i32 to vector<512x512xi32>
    %select_n3A_848 = arith.select %eq3A_845, %iota3A_412, %broadcast_in_dim3A_847 : vector<512x512xi1>, vector<512x512xi32>
    %reduce_min3A_849 = arith.constant dense<2147483647> : vector<512xi32>
    %reduce_min3A_850 = vector.multi_reduction <minsi>, %select_n3A_848, %reduce_min3A_849 [1] : vector<512x512xi32> to vector<512xi32>
    %broadcast_in_dim3A_851 = vector.shape_cast %reduce_min3A_850 : vector<512xi32> to vector<512x1xi32>
    %neg3A_852 = arith.constant 0.000000e+00 : f32
    %neg3A_853 = vector.broadcast %neg3A_852 : f32 to vector<512x1xf32>
    %neg3A_854 = arith.subf %neg3A_853, %broadcast_in_dim3A_843 : vector<512x1xf32>
    %max3A_855 = arith.constant 0.000000e+00 : f32
    %max3A_856 = vector.broadcast %max3A_855 : f32 to vector<512x1xf32>
    %max3A_857 = arith.maximumf %neg3A_854, %max3A_856 : vector<512x1xf32>
    %add3A_858 = arith.constant 9.99999996E-13 : f32
    %add3A_859 = vector.broadcast %add3A_858 : f32 to vector<512x1xf32>
    %add3A_860 = arith.addf %max3A_857, %add3A_859 : vector<512x1xf32>
    %sqrt3A_861 = math.sqrt %add3A_860 : vector<512x1xf32>
    %eq3A_862 = vector.broadcast %broadcast_in_dim3A_851 : vector<512x1xi32> to vector<512x512xi32>
    %eq3A_863 = arith.cmpi eq, %iota3A_412, %eq3A_862 : vector<512x512xi32>
    %jit3A_864 = arith.constant -3.000000e+38 : f32
    %broadcast_in_dim3A_865 = vector.broadcast %jit3A_864 : f32 to vector<512x512xf32>
    %select_n3A_866 = arith.select %eq3A_863, %broadcast_in_dim3A_865, %select_n3A_840 : vector<512x512xi1>, vector<512x512xf32>
    %reduce_max3A_867 = arith.constant dense<0xFF800000> : vector<512xf32>
    %reduce_max3A_868 = vector.multi_reduction <maximumf>, %select_n3A_866, %reduce_max3A_867 [1] : vector<512x512xf32> to vector<512xf32>
    %broadcast_in_dim3A_869 = vector.shape_cast %reduce_max3A_868 : vector<512xf32> to vector<512x1xf32>
    %eq3A_870 = vector.broadcast %broadcast_in_dim3A_869 : vector<512x1xf32> to vector<512x512xf32>
    %eq3A_871 = arith.cmpf oeq, %select_n3A_866, %eq3A_870 : vector<512x512xf32>
    %jit3A_872 = arith.constant 1073741824 : i32
    %broadcast_in_dim3A_873 = vector.broadcast %jit3A_872 : i32 to vector<512x512xi32>
    %select_n3A_874 = arith.select %eq3A_871, %iota3A_412, %broadcast_in_dim3A_873 : vector<512x512xi1>, vector<512x512xi32>
    %reduce_min3A_875 = arith.constant dense<2147483647> : vector<512xi32>
    %reduce_min3A_876 = vector.multi_reduction <minsi>, %select_n3A_874, %reduce_min3A_875 [1] : vector<512x512xi32> to vector<512xi32>
    %broadcast_in_dim3A_877 = vector.shape_cast %reduce_min3A_876 : vector<512xi32> to vector<512x1xi32>
    %neg3A_878 = arith.constant 0.000000e+00 : f32
    %neg3A_879 = vector.broadcast %neg3A_878 : f32 to vector<512x1xf32>
    %neg3A_880 = arith.subf %neg3A_879, %broadcast_in_dim3A_869 : vector<512x1xf32>
    %max3A_881 = arith.constant 0.000000e+00 : f32
    %max3A_882 = vector.broadcast %max3A_881 : f32 to vector<512x1xf32>
    %max3A_883 = arith.maximumf %neg3A_880, %max3A_882 : vector<512x1xf32>
    %add3A_884 = arith.constant 9.99999996E-13 : f32
    %add3A_885 = vector.broadcast %add3A_884 : f32 to vector<512x1xf32>
    %add3A_886 = arith.addf %max3A_883, %add3A_885 : vector<512x1xf32>
    %sqrt3A_887 = math.sqrt %add3A_886 : vector<512x1xf32>
    %eq3A_888 = vector.broadcast %broadcast_in_dim3A_877 : vector<512x1xi32> to vector<512x512xi32>
    %eq3A_889 = arith.cmpi eq, %iota3A_412, %eq3A_888 : vector<512x512xi32>
    %jit3A_890 = arith.constant -3.000000e+38 : f32
    %broadcast_in_dim3A_891 = vector.broadcast %jit3A_890 : f32 to vector<512x512xf32>
    %select_n3A_892 = arith.select %eq3A_889, %broadcast_in_dim3A_891, %select_n3A_866 : vector<512x512xi1>, vector<512x512xf32>
    %reduce_max3A_893 = arith.constant dense<0xFF800000> : vector<512xf32>
    %reduce_max3A_894 = vector.multi_reduction <maximumf>, %select_n3A_892, %reduce_max3A_893 [1] : vector<512x512xf32> to vector<512xf32>
    %broadcast_in_dim3A_895 = vector.shape_cast %reduce_max3A_894 : vector<512xf32> to vector<512x1xf32>
    %eq3A_896 = vector.broadcast %broadcast_in_dim3A_895 : vector<512x1xf32> to vector<512x512xf32>
    %eq3A_897 = arith.cmpf oeq, %select_n3A_892, %eq3A_896 : vector<512x512xf32>
    %jit3A_898 = arith.constant 1073741824 : i32
    %broadcast_in_dim3A_899 = vector.broadcast %jit3A_898 : i32 to vector<512x512xi32>
    %select_n3A_900 = arith.select %eq3A_897, %iota3A_412, %broadcast_in_dim3A_899 : vector<512x512xi1>, vector<512x512xi32>
    %reduce_min3A_901 = arith.constant dense<2147483647> : vector<512xi32>
    %reduce_min3A_902 = vector.multi_reduction <minsi>, %select_n3A_900, %reduce_min3A_901 [1] : vector<512x512xi32> to vector<512xi32>
    %broadcast_in_dim3A_903 = vector.shape_cast %reduce_min3A_902 : vector<512xi32> to vector<512x1xi32>
    %neg3A_904 = arith.constant 0.000000e+00 : f32
    %neg3A_905 = vector.broadcast %neg3A_904 : f32 to vector<512x1xf32>
    %neg3A_906 = arith.subf %neg3A_905, %broadcast_in_dim3A_895 : vector<512x1xf32>
    %max3A_907 = arith.constant 0.000000e+00 : f32
    %max3A_908 = vector.broadcast %max3A_907 : f32 to vector<512x1xf32>
    %max3A_909 = arith.maximumf %neg3A_906, %max3A_908 : vector<512x1xf32>
    %add3A_910 = arith.constant 9.99999996E-13 : f32
    %add3A_911 = vector.broadcast %add3A_910 : f32 to vector<512x1xf32>
    %add3A_912 = arith.addf %max3A_909, %add3A_911 : vector<512x1xf32>
    %sqrt3A_913 = math.sqrt %add3A_912 : vector<512x1xf32>
    %eq3A_914 = vector.broadcast %broadcast_in_dim3A_903 : vector<512x1xi32> to vector<512x512xi32>
    %eq3A_915 = arith.cmpi eq, %iota3A_412, %eq3A_914 : vector<512x512xi32>
    %jit3A_916 = arith.constant -3.000000e+38 : f32
    %broadcast_in_dim3A_917 = vector.broadcast %jit3A_916 : f32 to vector<512x512xf32>
    %select_n3A_918 = arith.select %eq3A_915, %broadcast_in_dim3A_917, %select_n3A_892 : vector<512x512xi1>, vector<512x512xf32>
    %reduce_max3A_919 = arith.constant dense<0xFF800000> : vector<512xf32>
    %reduce_max3A_920 = vector.multi_reduction <maximumf>, %select_n3A_918, %reduce_max3A_919 [1] : vector<512x512xf32> to vector<512xf32>
    %broadcast_in_dim3A_921 = vector.shape_cast %reduce_max3A_920 : vector<512xf32> to vector<512x1xf32>
    %eq3A_922 = vector.broadcast %broadcast_in_dim3A_921 : vector<512x1xf32> to vector<512x512xf32>
    %eq3A_923 = arith.cmpf oeq, %select_n3A_918, %eq3A_922 : vector<512x512xf32>
    %jit3A_924 = arith.constant 1073741824 : i32
    %broadcast_in_dim3A_925 = vector.broadcast %jit3A_924 : i32 to vector<512x512xi32>
    %select_n3A_926 = arith.select %eq3A_923, %iota3A_412, %broadcast_in_dim3A_925 : vector<512x512xi1>, vector<512x512xi32>
    %reduce_min3A_927 = arith.constant dense<2147483647> : vector<512xi32>
    %reduce_min3A_928 = vector.multi_reduction <minsi>, %select_n3A_926, %reduce_min3A_927 [1] : vector<512x512xi32> to vector<512xi32>
    %broadcast_in_dim3A_929 = vector.shape_cast %reduce_min3A_928 : vector<512xi32> to vector<512x1xi32>
    %neg3A_930 = arith.constant 0.000000e+00 : f32
    %neg3A_931 = vector.broadcast %neg3A_930 : f32 to vector<512x1xf32>
    %neg3A_932 = arith.subf %neg3A_931, %broadcast_in_dim3A_921 : vector<512x1xf32>
    %max3A_933 = arith.constant 0.000000e+00 : f32
    %max3A_934 = vector.broadcast %max3A_933 : f32 to vector<512x1xf32>
    %max3A_935 = arith.maximumf %neg3A_932, %max3A_934 : vector<512x1xf32>
    %add3A_936 = arith.constant 9.99999996E-13 : f32
    %add3A_937 = vector.broadcast %add3A_936 : f32 to vector<512x1xf32>
    %add3A_938 = arith.addf %max3A_935, %add3A_937 : vector<512x1xf32>
    %sqrt3A_939 = math.sqrt %add3A_938 : vector<512x1xf32>
    %eq3A_940 = vector.broadcast %broadcast_in_dim3A_929 : vector<512x1xi32> to vector<512x512xi32>
    %eq3A_941 = arith.cmpi eq, %iota3A_412, %eq3A_940 : vector<512x512xi32>
    %jit3A_942 = arith.constant -3.000000e+38 : f32
    %broadcast_in_dim3A_943 = vector.broadcast %jit3A_942 : f32 to vector<512x512xf32>
    %select_n3A_944 = arith.select %eq3A_941, %broadcast_in_dim3A_943, %select_n3A_918 : vector<512x512xi1>, vector<512x512xf32>
    %reduce_max3A_945 = arith.constant dense<0xFF800000> : vector<512xf32>
    %reduce_max3A_946 = vector.multi_reduction <maximumf>, %select_n3A_944, %reduce_max3A_945 [1] : vector<512x512xf32> to vector<512xf32>
    %broadcast_in_dim3A_947 = vector.shape_cast %reduce_max3A_946 : vector<512xf32> to vector<512x1xf32>
    %eq3A_948 = vector.broadcast %broadcast_in_dim3A_947 : vector<512x1xf32> to vector<512x512xf32>
    %eq3A_949 = arith.cmpf oeq, %select_n3A_944, %eq3A_948 : vector<512x512xf32>
    %jit3A_950 = arith.constant 1073741824 : i32
    %broadcast_in_dim3A_951 = vector.broadcast %jit3A_950 : i32 to vector<512x512xi32>
    %select_n3A_952 = arith.select %eq3A_949, %iota3A_412, %broadcast_in_dim3A_951 : vector<512x512xi1>, vector<512x512xi32>
    %reduce_min3A_953 = arith.constant dense<2147483647> : vector<512xi32>
    %reduce_min3A_954 = vector.multi_reduction <minsi>, %select_n3A_952, %reduce_min3A_953 [1] : vector<512x512xi32> to vector<512xi32>
    %broadcast_in_dim3A_955 = vector.shape_cast %reduce_min3A_954 : vector<512xi32> to vector<512x1xi32>
    %neg3A_956 = arith.constant 0.000000e+00 : f32
    %neg3A_957 = vector.broadcast %neg3A_956 : f32 to vector<512x1xf32>
    %neg3A_958 = arith.subf %neg3A_957, %broadcast_in_dim3A_947 : vector<512x1xf32>
    %max3A_959 = arith.constant 0.000000e+00 : f32
    %max3A_960 = vector.broadcast %max3A_959 : f32 to vector<512x1xf32>
    %max3A_961 = arith.maximumf %neg3A_958, %max3A_960 : vector<512x1xf32>
    %add3A_962 = arith.constant 9.99999996E-13 : f32
    %add3A_963 = vector.broadcast %add3A_962 : f32 to vector<512x1xf32>
    %add3A_964 = arith.addf %max3A_961, %add3A_963 : vector<512x1xf32>
    %sqrt3A_965 = math.sqrt %add3A_964 : vector<512x1xf32>
    %eq3A_966 = vector.broadcast %broadcast_in_dim3A_955 : vector<512x1xi32> to vector<512x512xi32>
    %eq3A_967 = arith.cmpi eq, %iota3A_412, %eq3A_966 : vector<512x512xi32>
    %jit3A_968 = arith.constant -3.000000e+38 : f32
    %broadcast_in_dim3A_969 = vector.broadcast %jit3A_968 : f32 to vector<512x512xf32>
    %select_n3A_970 = arith.select %eq3A_967, %broadcast_in_dim3A_969, %select_n3A_944 : vector<512x512xi1>, vector<512x512xf32>
    %reduce_max3A_971 = arith.constant dense<0xFF800000> : vector<512xf32>
    %reduce_max3A_972 = vector.multi_reduction <maximumf>, %select_n3A_970, %reduce_max3A_971 [1] : vector<512x512xf32> to vector<512xf32>
    %broadcast_in_dim3A_973 = vector.shape_cast %reduce_max3A_972 : vector<512xf32> to vector<512x1xf32>
    %eq3A_974 = vector.broadcast %broadcast_in_dim3A_973 : vector<512x1xf32> to vector<512x512xf32>
    %eq3A_975 = arith.cmpf oeq, %select_n3A_970, %eq3A_974 : vector<512x512xf32>
    %jit3A_976 = arith.constant 1073741824 : i32
    %broadcast_in_dim3A_977 = vector.broadcast %jit3A_976 : i32 to vector<512x512xi32>
    %select_n3A_978 = arith.select %eq3A_975, %iota3A_412, %broadcast_in_dim3A_977 : vector<512x512xi1>, vector<512x512xi32>
    %reduce_min3A_979 = arith.constant dense<2147483647> : vector<512xi32>
    %reduce_min3A_980 = vector.multi_reduction <minsi>, %select_n3A_978, %reduce_min3A_979 [1] : vector<512x512xi32> to vector<512xi32>
    %broadcast_in_dim3A_981 = vector.shape_cast %reduce_min3A_980 : vector<512xi32> to vector<512x1xi32>
    %neg3A_982 = arith.constant 0.000000e+00 : f32
    %neg3A_983 = vector.broadcast %neg3A_982 : f32 to vector<512x1xf32>
    %neg3A_984 = arith.subf %neg3A_983, %broadcast_in_dim3A_973 : vector<512x1xf32>
    %max3A_985 = arith.constant 0.000000e+00 : f32
    %max3A_986 = vector.broadcast %max3A_985 : f32 to vector<512x1xf32>
    %max3A_987 = arith.maximumf %neg3A_984, %max3A_986 : vector<512x1xf32>
    %add3A_988 = arith.constant 9.99999996E-13 : f32
    %add3A_989 = vector.broadcast %add3A_988 : f32 to vector<512x1xf32>
    %add3A_990 = arith.addf %max3A_987, %add3A_989 : vector<512x1xf32>
    %sqrt3A_991 = math.sqrt %add3A_990 : vector<512x1xf32>
    %eq3A_992 = vector.broadcast %broadcast_in_dim3A_981 : vector<512x1xi32> to vector<512x512xi32>
    %eq3A_993 = arith.cmpi eq, %iota3A_412, %eq3A_992 : vector<512x512xi32>
    %jit3A_994 = arith.constant -3.000000e+38 : f32
    %broadcast_in_dim3A_995 = vector.broadcast %jit3A_994 : f32 to vector<512x512xf32>
    %select_n3A_996 = arith.select %eq3A_993, %broadcast_in_dim3A_995, %select_n3A_970 : vector<512x512xi1>, vector<512x512xf32>
    %reduce_max3A_997 = arith.constant dense<0xFF800000> : vector<512xf32>
    %reduce_max3A_998 = vector.multi_reduction <maximumf>, %select_n3A_996, %reduce_max3A_997 [1] : vector<512x512xf32> to vector<512xf32>
    %broadcast_in_dim3A_999 = vector.shape_cast %reduce_max3A_998 : vector<512xf32> to vector<512x1xf32>
    %eq3A_1000 = vector.broadcast %broadcast_in_dim3A_999 : vector<512x1xf32> to vector<512x512xf32>
    %eq3A_1001 = arith.cmpf oeq, %select_n3A_996, %eq3A_1000 : vector<512x512xf32>
    %jit3A_1002 = arith.constant 1073741824 : i32
    %broadcast_in_dim3A_1003 = vector.broadcast %jit3A_1002 : i32 to vector<512x512xi32>
    %select_n3A_1004 = arith.select %eq3A_1001, %iota3A_412, %broadcast_in_dim3A_1003 : vector<512x512xi1>, vector<512x512xi32>
    %reduce_min3A_1005 = arith.constant dense<2147483647> : vector<512xi32>
    %reduce_min3A_1006 = vector.multi_reduction <minsi>, %select_n3A_1004, %reduce_min3A_1005 [1] : vector<512x512xi32> to vector<512xi32>
    %broadcast_in_dim3A_1007 = vector.shape_cast %reduce_min3A_1006 : vector<512xi32> to vector<512x1xi32>
    %neg3A_1008 = arith.constant 0.000000e+00 : f32
    %neg3A_1009 = vector.broadcast %neg3A_1008 : f32 to vector<512x1xf32>
    %neg3A_1010 = arith.subf %neg3A_1009, %broadcast_in_dim3A_999 : vector<512x1xf32>
    %max3A_1011 = arith.constant 0.000000e+00 : f32
    %max3A_1012 = vector.broadcast %max3A_1011 : f32 to vector<512x1xf32>
    %max3A_1013 = arith.maximumf %neg3A_1010, %max3A_1012 : vector<512x1xf32>
    %add3A_1014 = arith.constant 9.99999996E-13 : f32
    %add3A_1015 = vector.broadcast %add3A_1014 : f32 to vector<512x1xf32>
    %add3A_1016 = arith.addf %max3A_1013, %add3A_1015 : vector<512x1xf32>
    %sqrt3A_1017 = math.sqrt %add3A_1016 : vector<512x1xf32>
    %eq3A_1018 = vector.broadcast %broadcast_in_dim3A_1007 : vector<512x1xi32> to vector<512x512xi32>
    %eq3A_1019 = arith.cmpi eq, %iota3A_412, %eq3A_1018 : vector<512x512xi32>
    %jit3A_1020 = arith.constant -3.000000e+38 : f32
    %broadcast_in_dim3A_1021 = vector.broadcast %jit3A_1020 : f32 to vector<512x512xf32>
    %select_n3A_1022 = arith.select %eq3A_1019, %broadcast_in_dim3A_1021, %select_n3A_996 : vector<512x512xi1>, vector<512x512xf32>
    %reduce_max3A_1023 = arith.constant dense<0xFF800000> : vector<512xf32>
    %reduce_max3A_1024 = vector.multi_reduction <maximumf>, %select_n3A_1022, %reduce_max3A_1023 [1] : vector<512x512xf32> to vector<512xf32>
    %broadcast_in_dim3A_1025 = vector.shape_cast %reduce_max3A_1024 : vector<512xf32> to vector<512x1xf32>
    %eq3A_1026 = vector.broadcast %broadcast_in_dim3A_1025 : vector<512x1xf32> to vector<512x512xf32>
    %eq3A_1027 = arith.cmpf oeq, %select_n3A_1022, %eq3A_1026 : vector<512x512xf32>
    %jit3A_1028 = arith.constant 1073741824 : i32
    %broadcast_in_dim3A_1029 = vector.broadcast %jit3A_1028 : i32 to vector<512x512xi32>
    %select_n3A_1030 = arith.select %eq3A_1027, %iota3A_412, %broadcast_in_dim3A_1029 : vector<512x512xi1>, vector<512x512xi32>
    %reduce_min3A_1031 = arith.constant dense<2147483647> : vector<512xi32>
    %reduce_min3A_1032 = vector.multi_reduction <minsi>, %select_n3A_1030, %reduce_min3A_1031 [1] : vector<512x512xi32> to vector<512xi32>
    %broadcast_in_dim3A_1033 = vector.shape_cast %reduce_min3A_1032 : vector<512xi32> to vector<512x1xi32>
    %neg3A_1034 = arith.constant 0.000000e+00 : f32
    %neg3A_1035 = vector.broadcast %neg3A_1034 : f32 to vector<512x1xf32>
    %neg3A_1036 = arith.subf %neg3A_1035, %broadcast_in_dim3A_1025 : vector<512x1xf32>
    %max3A_1037 = arith.constant 0.000000e+00 : f32
    %max3A_1038 = vector.broadcast %max3A_1037 : f32 to vector<512x1xf32>
    %max3A_1039 = arith.maximumf %neg3A_1036, %max3A_1038 : vector<512x1xf32>
    %add3A_1040 = arith.constant 9.99999996E-13 : f32
    %add3A_1041 = vector.broadcast %add3A_1040 : f32 to vector<512x1xf32>
    %add3A_1042 = arith.addf %max3A_1039, %add3A_1041 : vector<512x1xf32>
    %sqrt3A_1043 = math.sqrt %add3A_1042 : vector<512x1xf32>
    %eq3A_1044 = vector.broadcast %broadcast_in_dim3A_1033 : vector<512x1xi32> to vector<512x512xi32>
    %eq3A_1045 = arith.cmpi eq, %iota3A_412, %eq3A_1044 : vector<512x512xi32>
    %jit3A_1046 = arith.constant -3.000000e+38 : f32
    %broadcast_in_dim3A_1047 = vector.broadcast %jit3A_1046 : f32 to vector<512x512xf32>
    %select_n3A_1048 = arith.select %eq3A_1045, %broadcast_in_dim3A_1047, %select_n3A_1022 : vector<512x512xi1>, vector<512x512xf32>
    %reduce_max3A_1049 = arith.constant dense<0xFF800000> : vector<512xf32>
    %reduce_max3A_1050 = vector.multi_reduction <maximumf>, %select_n3A_1048, %reduce_max3A_1049 [1] : vector<512x512xf32> to vector<512xf32>
    %broadcast_in_dim3A_1051 = vector.shape_cast %reduce_max3A_1050 : vector<512xf32> to vector<512x1xf32>
    %eq3A_1052 = vector.broadcast %broadcast_in_dim3A_1051 : vector<512x1xf32> to vector<512x512xf32>
    %eq3A_1053 = arith.cmpf oeq, %select_n3A_1048, %eq3A_1052 : vector<512x512xf32>
    %jit3A_1054 = arith.constant 1073741824 : i32
    %broadcast_in_dim3A_1055 = vector.broadcast %jit3A_1054 : i32 to vector<512x512xi32>
    %select_n3A_1056 = arith.select %eq3A_1053, %iota3A_412, %broadcast_in_dim3A_1055 : vector<512x512xi1>, vector<512x512xi32>
    %reduce_min3A_1057 = arith.constant dense<2147483647> : vector<512xi32>
    %reduce_min3A_1058 = vector.multi_reduction <minsi>, %select_n3A_1056, %reduce_min3A_1057 [1] : vector<512x512xi32> to vector<512xi32>
    %broadcast_in_dim3A_1059 = vector.shape_cast %reduce_min3A_1058 : vector<512xi32> to vector<512x1xi32>
    %neg3A_1060 = arith.constant 0.000000e+00 : f32
    %neg3A_1061 = vector.broadcast %neg3A_1060 : f32 to vector<512x1xf32>
    %neg3A_1062 = arith.subf %neg3A_1061, %broadcast_in_dim3A_1051 : vector<512x1xf32>
    %max3A_1063 = arith.constant 0.000000e+00 : f32
    %max3A_1064 = vector.broadcast %max3A_1063 : f32 to vector<512x1xf32>
    %max3A_1065 = arith.maximumf %neg3A_1062, %max3A_1064 : vector<512x1xf32>
    %add3A_1066 = arith.constant 9.99999996E-13 : f32
    %add3A_1067 = vector.broadcast %add3A_1066 : f32 to vector<512x1xf32>
    %add3A_1068 = arith.addf %max3A_1065, %add3A_1067 : vector<512x1xf32>
    %sqrt3A_1069 = math.sqrt %add3A_1068 : vector<512x1xf32>
    %eq3A_1070 = vector.broadcast %broadcast_in_dim3A_1059 : vector<512x1xi32> to vector<512x512xi32>
    %eq3A_1071 = arith.cmpi eq, %iota3A_412, %eq3A_1070 : vector<512x512xi32>
    %jit3A_1072 = arith.constant -3.000000e+38 : f32
    %broadcast_in_dim3A_1073 = vector.broadcast %jit3A_1072 : f32 to vector<512x512xf32>
    %select_n3A_1074 = arith.select %eq3A_1071, %broadcast_in_dim3A_1073, %select_n3A_1048 : vector<512x512xi1>, vector<512x512xf32>
    %reduce_max3A_1075 = arith.constant dense<0xFF800000> : vector<512xf32>
    %reduce_max3A_1076 = vector.multi_reduction <maximumf>, %select_n3A_1074, %reduce_max3A_1075 [1] : vector<512x512xf32> to vector<512xf32>
    %broadcast_in_dim3A_1077 = vector.shape_cast %reduce_max3A_1076 : vector<512xf32> to vector<512x1xf32>
    %eq3A_1078 = vector.broadcast %broadcast_in_dim3A_1077 : vector<512x1xf32> to vector<512x512xf32>
    %eq3A_1079 = arith.cmpf oeq, %select_n3A_1074, %eq3A_1078 : vector<512x512xf32>
    %jit3A_1080 = arith.constant 1073741824 : i32
    %broadcast_in_dim3A_1081 = vector.broadcast %jit3A_1080 : i32 to vector<512x512xi32>
    %select_n3A_1082 = arith.select %eq3A_1079, %iota3A_412, %broadcast_in_dim3A_1081 : vector<512x512xi1>, vector<512x512xi32>
    %reduce_min3A_1083 = arith.constant dense<2147483647> : vector<512xi32>
    %reduce_min3A_1084 = vector.multi_reduction <minsi>, %select_n3A_1082, %reduce_min3A_1083 [1] : vector<512x512xi32> to vector<512xi32>
    %broadcast_in_dim3A_1085 = vector.shape_cast %reduce_min3A_1084 : vector<512xi32> to vector<512x1xi32>
    %neg3A_1086 = arith.constant 0.000000e+00 : f32
    %neg3A_1087 = vector.broadcast %neg3A_1086 : f32 to vector<512x1xf32>
    %neg3A_1088 = arith.subf %neg3A_1087, %broadcast_in_dim3A_1077 : vector<512x1xf32>
    %max3A_1089 = arith.constant 0.000000e+00 : f32
    %max3A_1090 = vector.broadcast %max3A_1089 : f32 to vector<512x1xf32>
    %max3A_1091 = arith.maximumf %neg3A_1088, %max3A_1090 : vector<512x1xf32>
    %add3A_1092 = arith.constant 9.99999996E-13 : f32
    %add3A_1093 = vector.broadcast %add3A_1092 : f32 to vector<512x1xf32>
    %add3A_1094 = arith.addf %max3A_1091, %add3A_1093 : vector<512x1xf32>
    %sqrt3A_1095 = math.sqrt %add3A_1094 : vector<512x1xf32>
    %eq3A_1096 = vector.broadcast %broadcast_in_dim3A_1085 : vector<512x1xi32> to vector<512x512xi32>
    %eq3A_1097 = arith.cmpi eq, %iota3A_412, %eq3A_1096 : vector<512x512xi32>
    %jit3A_1098 = arith.constant -3.000000e+38 : f32
    %broadcast_in_dim3A_1099 = vector.broadcast %jit3A_1098 : f32 to vector<512x512xf32>
    %select_n3A_1100 = arith.select %eq3A_1097, %broadcast_in_dim3A_1099, %select_n3A_1074 : vector<512x512xi1>, vector<512x512xf32>
    %reduce_max3A_1101 = arith.constant dense<0xFF800000> : vector<512xf32>
    %reduce_max3A_1102 = vector.multi_reduction <maximumf>, %select_n3A_1100, %reduce_max3A_1101 [1] : vector<512x512xf32> to vector<512xf32>
    %broadcast_in_dim3A_1103 = vector.shape_cast %reduce_max3A_1102 : vector<512xf32> to vector<512x1xf32>
    %eq3A_1104 = vector.broadcast %broadcast_in_dim3A_1103 : vector<512x1xf32> to vector<512x512xf32>
    %eq3A_1105 = arith.cmpf oeq, %select_n3A_1100, %eq3A_1104 : vector<512x512xf32>
    %jit3A_1106 = arith.constant 1073741824 : i32
    %broadcast_in_dim3A_1107 = vector.broadcast %jit3A_1106 : i32 to vector<512x512xi32>
    %select_n3A_1108 = arith.select %eq3A_1105, %iota3A_412, %broadcast_in_dim3A_1107 : vector<512x512xi1>, vector<512x512xi32>
    %reduce_min3A_1109 = arith.constant dense<2147483647> : vector<512xi32>
    %reduce_min3A_1110 = vector.multi_reduction <minsi>, %select_n3A_1108, %reduce_min3A_1109 [1] : vector<512x512xi32> to vector<512xi32>
    %broadcast_in_dim3A_1111 = vector.shape_cast %reduce_min3A_1110 : vector<512xi32> to vector<512x1xi32>
    %neg3A_1112 = arith.constant 0.000000e+00 : f32
    %neg3A_1113 = vector.broadcast %neg3A_1112 : f32 to vector<512x1xf32>
    %neg3A_1114 = arith.subf %neg3A_1113, %broadcast_in_dim3A_1103 : vector<512x1xf32>
    %max3A_1115 = arith.constant 0.000000e+00 : f32
    %max3A_1116 = vector.broadcast %max3A_1115 : f32 to vector<512x1xf32>
    %max3A_1117 = arith.maximumf %neg3A_1114, %max3A_1116 : vector<512x1xf32>
    %add3A_1118 = arith.constant 9.99999996E-13 : f32
    %add3A_1119 = vector.broadcast %add3A_1118 : f32 to vector<512x1xf32>
    %add3A_1120 = arith.addf %max3A_1117, %add3A_1119 : vector<512x1xf32>
    %sqrt3A_1121 = math.sqrt %add3A_1120 : vector<512x1xf32>
    %eq3A_1122 = vector.broadcast %broadcast_in_dim3A_1111 : vector<512x1xi32> to vector<512x512xi32>
    %eq3A_1123 = arith.cmpi eq, %iota3A_412, %eq3A_1122 : vector<512x512xi32>
    %jit3A_1124 = arith.constant -3.000000e+38 : f32
    %broadcast_in_dim3A_1125 = vector.broadcast %jit3A_1124 : f32 to vector<512x512xf32>
    %select_n3A_1126 = arith.select %eq3A_1123, %broadcast_in_dim3A_1125, %select_n3A_1100 : vector<512x512xi1>, vector<512x512xf32>
    %reduce_max3A_1127 = arith.constant dense<0xFF800000> : vector<512xf32>
    %reduce_max3A_1128 = vector.multi_reduction <maximumf>, %select_n3A_1126, %reduce_max3A_1127 [1] : vector<512x512xf32> to vector<512xf32>
    %broadcast_in_dim3A_1129 = vector.shape_cast %reduce_max3A_1128 : vector<512xf32> to vector<512x1xf32>
    %eq3A_1130 = vector.broadcast %broadcast_in_dim3A_1129 : vector<512x1xf32> to vector<512x512xf32>
    %eq3A_1131 = arith.cmpf oeq, %select_n3A_1126, %eq3A_1130 : vector<512x512xf32>
    %jit3A_1132 = arith.constant 1073741824 : i32
    %broadcast_in_dim3A_1133 = vector.broadcast %jit3A_1132 : i32 to vector<512x512xi32>
    %select_n3A_1134 = arith.select %eq3A_1131, %iota3A_412, %broadcast_in_dim3A_1133 : vector<512x512xi1>, vector<512x512xi32>
    %reduce_min3A_1135 = arith.constant dense<2147483647> : vector<512xi32>
    %reduce_min3A_1136 = vector.multi_reduction <minsi>, %select_n3A_1134, %reduce_min3A_1135 [1] : vector<512x512xi32> to vector<512xi32>
    %broadcast_in_dim3A_1137 = vector.shape_cast %reduce_min3A_1136 : vector<512xi32> to vector<512x1xi32>
    %neg3A_1138 = arith.constant 0.000000e+00 : f32
    %neg3A_1139 = vector.broadcast %neg3A_1138 : f32 to vector<512x1xf32>
    %neg3A_1140 = arith.subf %neg3A_1139, %broadcast_in_dim3A_1129 : vector<512x1xf32>
    %max3A_1141 = arith.constant 0.000000e+00 : f32
    %max3A_1142 = vector.broadcast %max3A_1141 : f32 to vector<512x1xf32>
    %max3A_1143 = arith.maximumf %neg3A_1140, %max3A_1142 : vector<512x1xf32>
    %add3A_1144 = arith.constant 9.99999996E-13 : f32
    %add3A_1145 = vector.broadcast %add3A_1144 : f32 to vector<512x1xf32>
    %add3A_1146 = arith.addf %max3A_1143, %add3A_1145 : vector<512x1xf32>
    %sqrt3A_1147 = math.sqrt %add3A_1146 : vector<512x1xf32>
    %eq3A_1148 = vector.broadcast %broadcast_in_dim3A_1137 : vector<512x1xi32> to vector<512x512xi32>
    %eq3A_1149 = arith.cmpi eq, %iota3A_412, %eq3A_1148 : vector<512x512xi32>
    %jit3A_1150 = arith.constant -3.000000e+38 : f32
    %broadcast_in_dim3A_1151 = vector.broadcast %jit3A_1150 : f32 to vector<512x512xf32>
    %select_n3A_1152 = arith.select %eq3A_1149, %broadcast_in_dim3A_1151, %select_n3A_1126 : vector<512x512xi1>, vector<512x512xf32>
    %reduce_max3A_1153 = arith.constant dense<0xFF800000> : vector<512xf32>
    %reduce_max3A_1154 = vector.multi_reduction <maximumf>, %select_n3A_1152, %reduce_max3A_1153 [1] : vector<512x512xf32> to vector<512xf32>
    %broadcast_in_dim3A_1155 = vector.shape_cast %reduce_max3A_1154 : vector<512xf32> to vector<512x1xf32>
    %eq3A_1156 = vector.broadcast %broadcast_in_dim3A_1155 : vector<512x1xf32> to vector<512x512xf32>
    %eq3A_1157 = arith.cmpf oeq, %select_n3A_1152, %eq3A_1156 : vector<512x512xf32>
    %jit3A_1158 = arith.constant 1073741824 : i32
    %broadcast_in_dim3A_1159 = vector.broadcast %jit3A_1158 : i32 to vector<512x512xi32>
    %select_n3A_1160 = arith.select %eq3A_1157, %iota3A_412, %broadcast_in_dim3A_1159 : vector<512x512xi1>, vector<512x512xi32>
    %reduce_min3A_1161 = arith.constant dense<2147483647> : vector<512xi32>
    %reduce_min3A_1162 = vector.multi_reduction <minsi>, %select_n3A_1160, %reduce_min3A_1161 [1] : vector<512x512xi32> to vector<512xi32>
    %broadcast_in_dim3A_1163 = vector.shape_cast %reduce_min3A_1162 : vector<512xi32> to vector<512x1xi32>
    %neg3A_1164 = arith.constant 0.000000e+00 : f32
    %neg3A_1165 = vector.broadcast %neg3A_1164 : f32 to vector<512x1xf32>
    %neg3A_1166 = arith.subf %neg3A_1165, %broadcast_in_dim3A_1155 : vector<512x1xf32>
    %max3A_1167 = arith.constant 0.000000e+00 : f32
    %max3A_1168 = vector.broadcast %max3A_1167 : f32 to vector<512x1xf32>
    %max3A_1169 = arith.maximumf %neg3A_1166, %max3A_1168 : vector<512x1xf32>
    %add3A_1170 = arith.constant 9.99999996E-13 : f32
    %add3A_1171 = vector.broadcast %add3A_1170 : f32 to vector<512x1xf32>
    %add3A_1172 = arith.addf %max3A_1169, %add3A_1171 : vector<512x1xf32>
    %sqrt3A_1173 = math.sqrt %add3A_1172 : vector<512x1xf32>
    %eq3A_1174 = vector.broadcast %broadcast_in_dim3A_1163 : vector<512x1xi32> to vector<512x512xi32>
    %eq3A_1175 = arith.cmpi eq, %iota3A_412, %eq3A_1174 : vector<512x512xi32>
    %jit3A_1176 = arith.constant -3.000000e+38 : f32
    %broadcast_in_dim3A_1177 = vector.broadcast %jit3A_1176 : f32 to vector<512x512xf32>
    %select_n3A_1178 = arith.select %eq3A_1175, %broadcast_in_dim3A_1177, %select_n3A_1152 : vector<512x512xi1>, vector<512x512xf32>
    %reduce_max3A_1179 = arith.constant dense<0xFF800000> : vector<512xf32>
    %reduce_max3A_1180 = vector.multi_reduction <maximumf>, %select_n3A_1178, %reduce_max3A_1179 [1] : vector<512x512xf32> to vector<512xf32>
    %broadcast_in_dim3A_1181 = vector.shape_cast %reduce_max3A_1180 : vector<512xf32> to vector<512x1xf32>
    %eq3A_1182 = vector.broadcast %broadcast_in_dim3A_1181 : vector<512x1xf32> to vector<512x512xf32>
    %eq3A_1183 = arith.cmpf oeq, %select_n3A_1178, %eq3A_1182 : vector<512x512xf32>
    %jit3A_1184 = arith.constant 1073741824 : i32
    %broadcast_in_dim3A_1185 = vector.broadcast %jit3A_1184 : i32 to vector<512x512xi32>
    %select_n3A_1186 = arith.select %eq3A_1183, %iota3A_412, %broadcast_in_dim3A_1185 : vector<512x512xi1>, vector<512x512xi32>
    %reduce_min3A_1187 = arith.constant dense<2147483647> : vector<512xi32>
    %reduce_min3A_1188 = vector.multi_reduction <minsi>, %select_n3A_1186, %reduce_min3A_1187 [1] : vector<512x512xi32> to vector<512xi32>
    %broadcast_in_dim3A_1189 = vector.shape_cast %reduce_min3A_1188 : vector<512xi32> to vector<512x1xi32>
    %neg3A_1190 = arith.constant 0.000000e+00 : f32
    %neg3A_1191 = vector.broadcast %neg3A_1190 : f32 to vector<512x1xf32>
    %neg3A_1192 = arith.subf %neg3A_1191, %broadcast_in_dim3A_1181 : vector<512x1xf32>
    %max3A_1193 = arith.constant 0.000000e+00 : f32
    %max3A_1194 = vector.broadcast %max3A_1193 : f32 to vector<512x1xf32>
    %max3A_1195 = arith.maximumf %neg3A_1192, %max3A_1194 : vector<512x1xf32>
    %add3A_1196 = arith.constant 9.99999996E-13 : f32
    %add3A_1197 = vector.broadcast %add3A_1196 : f32 to vector<512x1xf32>
    %add3A_1198 = arith.addf %max3A_1195, %add3A_1197 : vector<512x1xf32>
    %sqrt3A_1199 = math.sqrt %add3A_1198 : vector<512x1xf32>
    %concatenate3A_1200 = tpu.concatenate %broadcast_in_dim3A_435, %broadcast_in_dim3A_461, %broadcast_in_dim3A_487, %broadcast_in_dim3A_513, %broadcast_in_dim3A_539, %broadcast_in_dim3A_565, %broadcast_in_dim3A_591, %broadcast_in_dim3A_617, %broadcast_in_dim3A_643, %broadcast_in_dim3A_669, %broadcast_in_dim3A_695, %broadcast_in_dim3A_721, %broadcast_in_dim3A_747, %broadcast_in_dim3A_773, %broadcast_in_dim3A_799, %broadcast_in_dim3A_825, %broadcast_in_dim3A_851, %broadcast_in_dim3A_877, %broadcast_in_dim3A_903, %broadcast_in_dim3A_929, %broadcast_in_dim3A_955, %broadcast_in_dim3A_981, %broadcast_in_dim3A_1007, %broadcast_in_dim3A_1033, %broadcast_in_dim3A_1059, %broadcast_in_dim3A_1085, %broadcast_in_dim3A_1111, %broadcast_in_dim3A_1137, %broadcast_in_dim3A_1163, %broadcast_in_dim3A_1189 in 1 : vector<512x1xi32>, vector<512x1xi32>, vector<512x1xi32>, vector<512x1xi32>, vector<512x1xi32>, vector<512x1xi32>, vector<512x1xi32>, vector<512x1xi32>, vector<512x1xi32>, vector<512x1xi32>, vector<512x1xi32>, vector<512x1xi32>, vector<512x1xi32>, vector<512x1xi32>, vector<512x1xi32>, vector<512x1xi32>, vector<512x1xi32>, vector<512x1xi32>, vector<512x1xi32>, vector<512x1xi32>, vector<512x1xi32>, vector<512x1xi32>, vector<512x1xi32>, vector<512x1xi32>, vector<512x1xi32>, vector<512x1xi32>, vector<512x1xi32>, vector<512x1xi32>, vector<512x1xi32>, vector<512x1xi32> -> vector<512x30xi32>
    %mul3A_1201 = arith.constant 512 : i32
    %mul3A_1202 = arith.muli %add3A_1, %mul3A_1201 : i32
    %add3A_1203 = vector.broadcast %mul3A_1202 : i32 to vector<512x30xi32>
    %add3A_1204 = arith.addi %concatenate3A_1200, %add3A_1203 : vector<512x30xi32>
    %swap3A_1205 = arith.constant 0 : index
    %swap3A_1206 = arith.constant 0 : index
    %swap3A_1207 = arith.constant 0 : index
    %swap3A_1208 = vector.load %arg17[%swap3A_1205, %swap3A_1206, %swap3A_1207] : memref<1x512x30xi32, #tpu.memory_space<vmem>>, vector<1x512x30xi32>
    %swap3A_1209 = vector.shape_cast %swap3A_1208 : vector<1x512x30xi32> to vector<512x30xi32>
    %swap3A_1210 = vector.shape_cast %add3A_1204 : vector<512x30xi32> to vector<1x512x30xi32>
    tpu.vector_store %arg17[%swap3A_1205, %swap3A_1206, %swap3A_1207], %swap3A_1210 {strides = array<i32>} : memref<1x512x30xi32, #tpu.memory_space<vmem>>, vector<1x512x30xi32>,
    %concatenate3A_1211 = tpu.concatenate %sqrt3A_445, %sqrt3A_471, %sqrt3A_497, %sqrt3A_523, %sqrt3A_549, %sqrt3A_575, %sqrt3A_601, %sqrt3A_627, %sqrt3A_653, %sqrt3A_679, %sqrt3A_705, %sqrt3A_731, %sqrt3A_757, %sqrt3A_783, %sqrt3A_809, %sqrt3A_835, %sqrt3A_861, %sqrt3A_887, %sqrt3A_913, %sqrt3A_939, %sqrt3A_965, %sqrt3A_991, %sqrt3A_1017, %sqrt3A_1043, %sqrt3A_1069, %sqrt3A_1095, %sqrt3A_1121, %sqrt3A_1147, %sqrt3A_1173, %sqrt3A_1199 in 1 : vector<512x1xf32>, vector<512x1xf32>, vector<512x1xf32>, vector<512x1xf32>, vector<512x1xf32>, vector<512x1xf32>, vector<512x1xf32>, vector<512x1xf32>, vector<512x1xf32>, vector<512x1xf32>, vector<512x1xf32>, vector<512x1xf32>, vector<512x1xf32>, vector<512x1xf32>, vector<512x1xf32>, vector<512x1xf32>, vector<512x1xf32>, vector<512x1xf32>, vector<512x1xf32>, vector<512x1xf32>, vector<512x1xf32>, vector<512x1xf32>, vector<512x1xf32>, vector<512x1xf32>, vector<512x1xf32>, vector<512x1xf32>, vector<512x1xf32>, vector<512x1xf32>, vector<512x1xf32>, vector<512x1xf32> -> vector<512x30xf32>
    %swap3A_1212 = arith.constant 0 : index
    %swap3A_1213 = arith.constant 0 : index
    %swap3A_1214 = arith.constant 0 : index
    %swap3A_1215 = vector.load %arg18[%swap3A_1212, %swap3A_1213, %swap3A_1214] : memref<1x512x30xf32, #tpu.memory_space<vmem>>, vector<1x512x30xf32>
    %swap3A_1216 = vector.shape_cast %swap3A_1215 : vector<1x512x30xf32> to vector<512x30xf32>
    %swap3A_1217 = vector.shape_cast %concatenate3A_1211 : vector<512x30xf32> to vector<1x512x30xf32>
    tpu.vector_store %arg18[%swap3A_1212, %swap3A_1213, %swap3A_1214], %swap3A_1217 {strides = array<i32>} : memref<1x512x30xf32, #tpu.memory_space<vmem>>, vector<1x512x30xf32>,
    return
  }
  func.func @transform_0(%arg0: i32) -> (i32, i32, i32) {
    %c0_i32 = arith.constant 0 : i32
    %c0_i32_0 = arith.constant 0 : i32
    %c0_i32_1 = arith.constant 0 : i32
    return %arg0, %c0_i32, %c0_i32_0 : i32, i32, i32
  }
  func.func @transform_1(%arg0: i32) -> (i32, i32, i32) {
    %c0_i32 = arith.constant 0 : i32
    %c0_i32_0 = arith.constant 0 : i32
    %c0_i32_1 = arith.constant 0 : i32
    return %arg0, %c0_i32, %c0_i32_0 : i32, i32, i32
  }
  func.func @transform_2(%arg0: i32) -> (i32, i32, i32) {
    %c0_i32 = arith.constant 0 : i32
    %c0_i32_0 = arith.constant 0 : i32
    %c0_i32_1 = arith.constant 0 : i32
    return %arg0, %c0_i32, %c0_i32_0 : i32, i32, i32
  }
  func.func @transform_3(%arg0: i32) -> (i32, i32, i32) {
    %c0_i32 = arith.constant 0 : i32
    %c0_i32_0 = arith.constant 0 : i32
    %c0_i32_1 = arith.constant 0 : i32
    return %arg0, %c0_i32, %c0_i32_0 : i32, i32, i32
  }
  func.func @transform_4(%arg0: i32) -> (i32, i32, i32) {
    %c0_i32 = arith.constant 0 : i32
    %c0_i32_0 = arith.constant 0 : i32
    %c0_i32_1 = arith.constant 0 : i32
    return %arg0, %c0_i32, %c0_i32_0 : i32, i32, i32
  }
  func.func @transform_5(%arg0: i32) -> (i32, i32, i32) {
    %c0_i32 = arith.constant 0 : i32
    %c0_i32_0 = arith.constant 0 : i32
    %c0_i32_1 = arith.constant 0 : i32
    return %arg0, %c0_i32, %c0_i32_0 : i32, i32, i32
  }
  func.func @transform_6(%arg0: i32) -> (i32, i32, i32) {
    %c0_i32 = arith.constant 0 : i32
    %c0_i32_0 = arith.constant 0 : i32
    %c0_i32_1 = arith.constant 0 : i32
    return %arg0, %c0_i32, %c0_i32_0 : i32, i32, i32
  }
  func.func @transform_7(%arg0: i32) -> (i32, i32, i32) {
    %c0_i32 = arith.constant 0 : i32
    %c0_i32_0 = arith.constant 0 : i32
    %c0_i32_1 = arith.constant 0 : i32
    return %arg0, %c0_i32, %c0_i32_0 : i32, i32, i32
  }
  func.func @transform_8(%arg0: i32) -> (i32, i32) {
    %c0_i32 = arith.constant 0 : i32
    %c0_i32_0 = arith.constant 0 : i32
    %c0_i32_1 = arith.constant 0 : i32
    return %c0_i32, %c0_i32_0 : i32, i32
  }
  func.func @transform_9(%arg0: i32) -> (i32, i32) {
    %c0_i32 = arith.constant 0 : i32
    %c0_i32_0 = arith.constant 0 : i32
    %c0_i32_1 = arith.constant 0 : i32
    return %c0_i32, %c0_i32_0 : i32, i32
  }
  func.func @transform_10(%arg0: i32) -> (i32, i32) {
    %c0_i32 = arith.constant 0 : i32
    %c0_i32_0 = arith.constant 0 : i32
    %c0_i32_1 = arith.constant 0 : i32
    return %c0_i32, %c0_i32_0 : i32, i32
  }
  func.func @transform_11(%arg0: i32) -> (i32, i32) {
    %c0_i32 = arith.constant 0 : i32
    %c0_i32_0 = arith.constant 0 : i32
    %c0_i32_1 = arith.constant 0 : i32
    return %c0_i32, %c0_i32_0 : i32, i32
  }
  func.func @transform_12(%arg0: i32) -> (i32, i32) {
    %c0_i32 = arith.constant 0 : i32
    %c0_i32_0 = arith.constant 0 : i32
    %c0_i32_1 = arith.constant 0 : i32
    return %c0_i32, %c0_i32_0 : i32, i32
  }
  func.func @transform_13(%arg0: i32) -> (i32, i32) {
    %c0_i32 = arith.constant 0 : i32
    %c0_i32_0 = arith.constant 0 : i32
    %c0_i32_1 = arith.constant 0 : i32
    return %c0_i32, %c0_i32_0 : i32, i32
  }
  func.func @transform_14(%arg0: i32) -> (i32, i32) {
    %c0_i32 = arith.constant 0 : i32
    %c0_i32_0 = arith.constant 0 : i32
    return %arg0, %c0_i32 : i32, i32
  }
  func.func @transform_15(%arg0: i32) -> (i32, i32) {
    %c0_i32 = arith.constant 0 : i32
    %c0_i32_0 = arith.constant 0 : i32
    return %arg0, %c0_i32 : i32, i32
  }
  func.func @transform_16(%arg0: i32) -> (i32, i32, i32) {
    %c0_i32 = arith.constant 0 : i32
    %c0_i32_0 = arith.constant 0 : i32
    %c0_i32_1 = arith.constant 0 : i32
    return %arg0, %c0_i32, %c0_i32_0 : i32, i32, i32
  }
  func.func @transform_17(%arg0: i32) -> (i32, i32, i32) {
    %c0_i32 = arith.constant 0 : i32
    %c0_i32_0 = arith.constant 0 : i32
    %c0_i32_1 = arith.constant 0 : i32
    return %arg0, %c0_i32, %c0_i32_0 : i32, i32, i32
  }
}

module attributes {stable_mosaic.version = 14 : i64} {
  func.func @_layer_body(%arg0: i32, %arg1: memref<7680x128xf32, #tpu.memory_space<vmem>>, %arg2: memref<7680x1xf32, #tpu.memory_space<vmem>>, %arg3: memref<256x256xf32, #tpu.memory_space<vmem>>, %arg4: memref<32x256xf32, #tpu.memory_space<vmem>>, %arg5: memref<1x256xf32, #tpu.memory_space<vmem>>, %arg6: memref<1x256xf32, #tpu.memory_space<vmem>>, %arg7: memref<256x256xf32, #tpu.memory_space<vmem>>, %arg8: memref<1x256xf32, #tpu.memory_space<vmem>>, %arg9: memref<256x256xf32, #tpu.memory_space<vmem>>, %arg10: memref<256x256xf32, #tpu.memory_space<vmem>>, %arg11: memref<1x256xf32, #tpu.memory_space<vmem>>, %arg12: memref<1x256xf32, #tpu.memory_space<vmem>>, %arg13: memref<1x256xf32, #tpu.memory_space<vmem>>, %arg14: memref<256x256xf32, #tpu.memory_space<vmem>>, %arg15: memref<1x256xf32, #tpu.memory_space<vmem>>, %arg16: memref<256x256xf32, #tpu.memory_space<vmem>>, %arg17: memref<1x256xf32, #tpu.memory_space<vmem>>, %arg18: memref<256x256xf32, #tpu.memory_space<vmem>>, %arg19: memref<256x128xf32, #tpu.memory_space<vmem>>) attributes {dimension_semantics = [#tpu.dimension_semantics<arbitrary>], iteration_bounds = array<i64: 16>, scalar_prefetch = 0 : i64, scratch_operands = 0 : i64, tpu.core_type = #tpu.core_type<tc>, window_params = [{transform_indices = @transform_0, window_bounds = array<i64: 7680, 128>}, {transform_indices = @transform_1, window_bounds = array<i64: 7680, 1>}, {transform_indices = @transform_2, window_bounds = array<i64: 256, 256>}, {pipeline_mode = #tpu.pipeline_mode<synchronous>, transform_indices = @transform_3, window_bounds = array<i64: 32, 256>}, {pipeline_mode = #tpu.pipeline_mode<synchronous>, transform_indices = @transform_4, window_bounds = array<i64: 1, 256>}, {pipeline_mode = #tpu.pipeline_mode<synchronous>, transform_indices = @transform_5, window_bounds = array<i64: 1, 256>}, {pipeline_mode = #tpu.pipeline_mode<synchronous>, transform_indices = @transform_6, window_bounds = array<i64: 256, 256>}, {pipeline_mode = #tpu.pipeline_mode<synchronous>, transform_indices = @transform_7, window_bounds = array<i64: 1, 256>}, {pipeline_mode = #tpu.pipeline_mode<synchronous>, transform_indices = @transform_8, window_bounds = array<i64: 256, 256>}, {pipeline_mode = #tpu.pipeline_mode<synchronous>, transform_indices = @transform_9, window_bounds = array<i64: 256, 256>}, {pipeline_mode = #tpu.pipeline_mode<synchronous>, transform_indices = @transform_10, window_bounds = array<i64: 1, 256>}, {pipeline_mode = #tpu.pipeline_mode<synchronous>, transform_indices = @transform_11, window_bounds = array<i64: 1, 256>}, {pipeline_mode = #tpu.pipeline_mode<synchronous>, transform_indices = @transform_12, window_bounds = array<i64: 1, 256>}, {pipeline_mode = #tpu.pipeline_mode<synchronous>, transform_indices = @transform_13, window_bounds = array<i64: 256, 256>}, {pipeline_mode = #tpu.pipeline_mode<synchronous>, transform_indices = @transform_14, window_bounds = array<i64: 1, 256>}, {pipeline_mode = #tpu.pipeline_mode<synchronous>, transform_indices = @transform_15, window_bounds = array<i64: 256, 256>}, {pipeline_mode = #tpu.pipeline_mode<synchronous>, transform_indices = @transform_16, window_bounds = array<i64: 1, 256>}, {transform_indices = @transform_17, window_bounds = array<i64: 256, 256>}, {transform_indices = @transform_18, window_bounds = array<i64: 256, 128>}]} {
    %get3A = arith.constant 0 : index
    %get3A_0 = arith.constant 0 : index
    %get3A_1 = vector.load %arg2[%get3A, %get3A_0] : memref<7680x1xf32, #tpu.memory_space<vmem>>, vector<7680x1xf32>
    %iota3A = tpu.iota {dimensions = array<i32: 1>} : vector<1x32xi32>
    %convert_element_type3A = arith.sitofp %iota3A : vector<1x32xi32> to vector<1x32xf32>
    %mul3A = arith.constant 0.645161271 : f32
    %mul3A_2 = vector.broadcast %mul3A : f32 to vector<1x32xf32>
    %mul3A_3 = arith.mulf %convert_element_type3A, %mul3A_2 : vector<1x32xf32>
    %sub3A = vector.broadcast %get3A_1 : vector<7680x1xf32> to vector<7680x32xf32>
    %sub3A_4 = vector.broadcast %mul3A_3 : vector<1x32xf32> to vector<7680x32xf32>
    %sub3A_5 = arith.subf %sub3A, %sub3A_4 : vector<7680x32xf32>
    %mul3A_6 = arith.constant 1.600000e+00 : f32
    %mul3A_7 = vector.broadcast %mul3A_6 : f32 to vector<7680x32xf32>
    %mul3A_8 = arith.mulf %sub3A_5, %mul3A_7 : vector<7680x32xf32>
    %mul3A_9 = arith.constant -5.000000e-01 : f32
    %mul3A_10 = vector.broadcast %mul3A_9 : f32 to vector<7680x32xf32>
    %mul3A_11 = arith.mulf %mul3A_10, %mul3A_8 : vector<7680x32xf32>
    %mul3A_12 = arith.mulf %mul3A_11, %mul3A_8 : vector<7680x32xf32>
    %exp3A = math.exp %mul3A_12 : vector<7680x32xf32>
    %get3A_13 = arith.constant 0 : index
    %get3A_14 = arith.constant 0 : index
    %get3A_15 = vector.load %arg1[%get3A_13, %get3A_14] : memref<7680x128xf32, #tpu.memory_space<vmem>>, vector<7680x128xf32>
    %bitcast_convert_type3A = tpu.bitcast %get3A_15 : vector<7680x128xf32> -> vector<7680x128xi32>
    %shift_left3A = arith.constant 16 : i32
    %shift_left3A_16 = vector.broadcast %shift_left3A : i32 to vector<7680x128xi32>
    %shift_left3A_17 = arith.shli %bitcast_convert_type3A, %shift_left3A_16 : vector<7680x128xi32>
    %bitcast_convert_type3A_18 = tpu.bitcast %shift_left3A_17 : vector<7680x128xi32> -> vector<7680x128xf32>
    %and3A = arith.constant -65536 : i32
    %and3A_19 = vector.broadcast %and3A : i32 to vector<7680x128xi32>
    %and3A_20 = arith.andi %bitcast_convert_type3A, %and3A_19 : vector<7680x128xi32>
    %bitcast_convert_type3A_21 = tpu.bitcast %and3A_20 : vector<7680x128xi32> -> vector<7680x128xf32>
    %concatenate3A = tpu.concatenate %bitcast_convert_type3A_18, %bitcast_convert_type3A_21 in 1 : vector<7680x128xf32>, vector<7680x128xf32> -> vector<7680x256xf32>
    %get3A_22 = arith.constant 0 : index
    %get3A_23 = arith.constant 0 : index
    %get3A_24 = vector.load %arg4[%get3A_22, %get3A_23] : memref<32x256xf32, #tpu.memory_space<vmem>>, vector<32x256xf32>
    %dot_general3A = arith.constant dense<0.000000e+00> : vector<7680x256xf32>
    %dot_general3A_25 = tpu.matmul %exp3A, %get3A_24, %dot_general3A {dimension_numbers = #tpu.dot_dimension_numbers<[1], [0], [0], [1], [0, 0, 1, 1], [], []>, transpose_lhs_hint = false} : vector<7680x32xf32>, vector<32x256xf32>, vector<7680x256xf32> -> vector<7680x256xf32>
    %add3A = arith.addf %concatenate3A, %dot_general3A_25 : vector<7680x256xf32>
    %get3A_26 = arith.constant 0 : index
    %get3A_27 = arith.constant 0 : index
    %get3A_28 = vector.load %arg5[%get3A_26, %get3A_27] : memref<1x256xf32, #tpu.memory_space<vmem>>, vector<1x256xf32>
    %get3A_29 = arith.constant 0 : index
    %get3A_30 = arith.constant 0 : index
    %get3A_31 = vector.load %arg6[%get3A_29, %get3A_30] : memref<1x256xf32, #tpu.memory_space<vmem>>, vector<1x256xf32>
    %reduce_sum3A = arith.constant dense<0.000000e+00> : vector<7680xf32>
    %reduce_sum3A_32 = vector.multi_reduction <add>, %add3A, %reduce_sum3A [1] : vector<7680x256xf32> to vector<7680xf32>
    %broadcast_in_dim3A = vector.shape_cast %reduce_sum3A_32 : vector<7680xf32> to vector<7680x1xf32>
    %div3A = arith.constant 2.560000e+02 : f32
    %div3A_33 = vector.broadcast %div3A : f32 to vector<7680x1xf32>
    %div3A_34 = arith.divf %broadcast_in_dim3A, %div3A_33 : vector<7680x1xf32>
    %sub3A_35 = vector.broadcast %div3A_34 : vector<7680x1xf32> to vector<7680x256xf32>
    %sub3A_36 = arith.subf %add3A, %sub3A_35 : vector<7680x256xf32>
    %integer_pow3A = arith.mulf %sub3A_36, %sub3A_36 : vector<7680x256xf32>
    %reduce_sum3A_37 = arith.constant dense<0.000000e+00> : vector<7680xf32>
    %reduce_sum3A_38 = vector.multi_reduction <add>, %integer_pow3A, %reduce_sum3A_37 [1] : vector<7680x256xf32> to vector<7680xf32>
    %broadcast_in_dim3A_39 = vector.shape_cast %reduce_sum3A_38 : vector<7680xf32> to vector<7680x1xf32>
    %div3A_40 = arith.constant 2.560000e+02 : f32
    %div3A_41 = vector.broadcast %div3A_40 : f32 to vector<7680x1xf32>
    %div3A_42 = arith.divf %broadcast_in_dim3A_39, %div3A_41 : vector<7680x1xf32>
    %sub3A_43 = vector.broadcast %div3A_34 : vector<7680x1xf32> to vector<7680x256xf32>
    %sub3A_44 = arith.subf %add3A, %sub3A_43 : vector<7680x256xf32>
    %add3A_45 = arith.constant 9.99999974E-6 : f32
    %add3A_46 = vector.broadcast %add3A_45 : f32 to vector<7680x1xf32>
    %add3A_47 = arith.addf %div3A_42, %add3A_46 : vector<7680x1xf32>
    %sqrt3A = math.sqrt %add3A_47 : vector<7680x1xf32>
    %div3A_48 = vector.broadcast %sqrt3A : vector<7680x1xf32> to vector<7680x256xf32>
    %div3A_49 = arith.divf %sub3A_44, %div3A_48 : vector<7680x256xf32>
    %mul3A_50 = vector.broadcast %get3A_28 : vector<1x256xf32> to vector<7680x256xf32>
    %mul3A_51 = arith.mulf %div3A_49, %mul3A_50 : vector<7680x256xf32>
    %add3A_52 = vector.broadcast %get3A_31 : vector<1x256xf32> to vector<7680x256xf32>
    %add3A_53 = arith.addf %mul3A_51, %add3A_52 : vector<7680x256xf32>
    %max3A = arith.constant 0.000000e+00 : f32
    %max3A_54 = vector.broadcast %max3A : f32 to vector<7680x256xf32>
    %max3A_55 = arith.maximumf %add3A_53, %max3A_54 : vector<7680x256xf32>
    %reshape3A = vector.shape_cast %max3A_55 : vector<7680x256xf32> to vector<256x30x256xf32>
    %reduce_sum3A_56 = arith.constant dense<0.000000e+00> : vector<256x256xf32>
    %reduce_sum3A_57 = vector.multi_reduction <add>, %reshape3A, %reduce_sum3A_56 [1] : vector<256x30x256xf32> to vector<256x256xf32>
    %get3A_58 = arith.constant 0 : index
    %get3A_59 = arith.constant 0 : index
    %get3A_60 = vector.load %arg7[%get3A_58, %get3A_59] : memref<256x256xf32, #tpu.memory_space<vmem>>, vector<256x256xf32>
    %dot_general3A_61 = arith.constant dense<0.000000e+00> : vector<256x256xf32>
    %dot_general3A_62 = tpu.matmul %reduce_sum3A_57, %get3A_60, %dot_general3A_61 {dimension_numbers = #tpu.dot_dimension_numbers<[1], [0], [0], [1], [0, 0, 1, 1], [], []>, transpose_lhs_hint = false} : vector<256x256xf32>, vector<256x256xf32>, vector<256x256xf32> -> vector<256x256xf32>
    %get3A_63 = arith.constant 0 : index
    %get3A_64 = arith.constant 0 : index
    %get3A_65 = vector.load %arg8[%get3A_63, %get3A_64] : memref<1x256xf32, #tpu.memory_space<vmem>>, vector<1x256xf32>
    %mul3A_66 = arith.constant 3.000000e+01 : f32
    %mul3A_67 = vector.broadcast %mul3A_66 : f32 to vector<1x256xf32>
    %mul3A_68 = arith.mulf %mul3A_67, %get3A_65 : vector<1x256xf32>
    %add3A_69 = vector.broadcast %mul3A_68 : vector<1x256xf32> to vector<256x256xf32>
    %add3A_70 = arith.addf %dot_general3A_62, %add3A_69 : vector<256x256xf32>
    %get3A_71 = arith.constant 0 : index
    %get3A_72 = arith.constant 0 : index
    %get3A_73 = vector.load %arg3[%get3A_71, %get3A_72] : memref<256x256xf32, #tpu.memory_space<vmem>>, vector<256x256xf32>
    %get3A_74 = arith.constant 0 : index
    %get3A_75 = arith.constant 0 : index
    %get3A_76 = vector.load %arg9[%get3A_74, %get3A_75] : memref<256x256xf32, #tpu.memory_space<vmem>>, vector<256x256xf32>
    %dot_general3A_77 = arith.constant dense<0.000000e+00> : vector<256x256xf32>
    %dot_general3A_78 = tpu.matmul %get3A_73, %get3A_76, %dot_general3A_77 {dimension_numbers = #tpu.dot_dimension_numbers<[1], [0], [0], [1], [0, 0, 1, 1], [], []>, transpose_lhs_hint = false} : vector<256x256xf32>, vector<256x256xf32>, vector<256x256xf32> -> vector<256x256xf32>
    %get3A_79 = arith.constant 0 : index
    %get3A_80 = arith.constant 0 : index
    %get3A_81 = vector.load %arg10[%get3A_79, %get3A_80] : memref<256x256xf32, #tpu.memory_space<vmem>>, vector<256x256xf32>
    %dot_general3A_82 = arith.constant dense<0.000000e+00> : vector<256x256xf32>
    %dot_general3A_83 = tpu.matmul %add3A_70, %get3A_81, %dot_general3A_82 {dimension_numbers = #tpu.dot_dimension_numbers<[1], [0], [0], [1], [0, 0, 1, 1], [], []>, transpose_lhs_hint = false} : vector<256x256xf32>, vector<256x256xf32>, vector<256x256xf32> -> vector<256x256xf32>
    %add3A_84 = arith.addf %dot_general3A_78, %dot_general3A_83 : vector<256x256xf32>
    %get3A_85 = arith.constant 0 : index
    %get3A_86 = arith.constant 0 : index
    %get3A_87 = vector.load %arg11[%get3A_85, %get3A_86] : memref<1x256xf32, #tpu.memory_space<vmem>>, vector<1x256xf32>
    %add3A_88 = vector.broadcast %get3A_87 : vector<1x256xf32> to vector<256x256xf32>
    %add3A_89 = arith.addf %add3A_84, %add3A_88 : vector<256x256xf32>
    %get3A_90 = arith.constant 0 : index
    %get3A_91 = arith.constant 0 : index
    %get3A_92 = vector.load %arg12[%get3A_90, %get3A_91] : memref<1x256xf32, #tpu.memory_space<vmem>>, vector<1x256xf32>
    %get3A_93 = arith.constant 0 : index
    %get3A_94 = arith.constant 0 : index
    %get3A_95 = vector.load %arg13[%get3A_93, %get3A_94] : memref<1x256xf32, #tpu.memory_space<vmem>>, vector<1x256xf32>
    %reduce_sum3A_96 = arith.constant dense<0.000000e+00> : vector<256xf32>
    %reduce_sum3A_97 = vector.multi_reduction <add>, %add3A_89, %reduce_sum3A_96 [1] : vector<256x256xf32> to vector<256xf32>
    %broadcast_in_dim3A_98 = vector.shape_cast %reduce_sum3A_97 : vector<256xf32> to vector<256x1xf32>
    %div3A_99 = arith.constant 2.560000e+02 : f32
    %div3A_100 = vector.broadcast %div3A_99 : f32 to vector<256x1xf32>
    %div3A_101 = arith.divf %broadcast_in_dim3A_98, %div3A_100 : vector<256x1xf32>
    %sub3A_102 = vector.broadcast %div3A_101 : vector<256x1xf32> to vector<256x256xf32>
    %sub3A_103 = arith.subf %add3A_89, %sub3A_102 : vector<256x256xf32>
    %integer_pow3A_104 = arith.mulf %sub3A_103, %sub3A_103 : vector<256x256xf32>
    %reduce_sum3A_105 = arith.constant dense<0.000000e+00> : vector<256xf32>
    %reduce_sum3A_106 = vector.multi_reduction <add>, %integer_pow3A_104, %reduce_sum3A_105 [1] : vector<256x256xf32> to vector<256xf32>
    %broadcast_in_dim3A_107 = vector.shape_cast %reduce_sum3A_106 : vector<256xf32> to vector<256x1xf32>
    %div3A_108 = arith.constant 2.560000e+02 : f32
    %div3A_109 = vector.broadcast %div3A_108 : f32 to vector<256x1xf32>
    %div3A_110 = arith.divf %broadcast_in_dim3A_107, %div3A_109 : vector<256x1xf32>
    %sub3A_111 = vector.broadcast %div3A_101 : vector<256x1xf32> to vector<256x256xf32>
    %sub3A_112 = arith.subf %add3A_89, %sub3A_111 : vector<256x256xf32>
    %add3A_113 = arith.constant 9.99999974E-6 : f32
    %add3A_114 = vector.broadcast %add3A_113 : f32 to vector<256x1xf32>
    %add3A_115 = arith.addf %div3A_110, %add3A_114 : vector<256x1xf32>
    %sqrt3A_116 = math.sqrt %add3A_115 : vector<256x1xf32>
    %div3A_117 = vector.broadcast %sqrt3A_116 : vector<256x1xf32> to vector<256x256xf32>
    %div3A_118 = arith.divf %sub3A_112, %div3A_117 : vector<256x256xf32>
    %mul3A_119 = vector.broadcast %get3A_92 : vector<1x256xf32> to vector<256x256xf32>
    %mul3A_120 = arith.mulf %div3A_118, %mul3A_119 : vector<256x256xf32>
    %add3A_121 = vector.broadcast %get3A_95 : vector<1x256xf32> to vector<256x256xf32>
    %add3A_122 = arith.addf %mul3A_120, %add3A_121 : vector<256x256xf32>
    %max3A_123 = arith.constant 0.000000e+00 : f32
    %max3A_124 = vector.broadcast %max3A_123 : f32 to vector<256x256xf32>
    %max3A_125 = arith.maximumf %add3A_122, %max3A_124 : vector<256x256xf32>
    %get3A_126 = arith.constant 0 : index
    %get3A_127 = arith.constant 0 : index
    %get3A_128 = vector.load %arg14[%get3A_126, %get3A_127] : memref<256x256xf32, #tpu.memory_space<vmem>>, vector<256x256xf32>
    %dot_general3A_129 = arith.constant dense<0.000000e+00> : vector<256x256xf32>
    %dot_general3A_130 = tpu.matmul %max3A_125, %get3A_128, %dot_general3A_129 {dimension_numbers = #tpu.dot_dimension_numbers<[1], [0], [0], [1], [0, 0, 1, 1], [], []>, transpose_lhs_hint = false} : vector<256x256xf32>, vector<256x256xf32>, vector<256x256xf32> -> vector<256x256xf32>
    %get3A_131 = arith.constant 0 : index
    %get3A_132 = arith.constant 0 : index
    %get3A_133 = vector.load %arg15[%get3A_131, %get3A_132] : memref<1x256xf32, #tpu.memory_space<vmem>>, vector<1x256xf32>
    %add3A_134 = vector.broadcast %get3A_133 : vector<1x256xf32> to vector<256x256xf32>
    %add3A_135 = arith.addf %dot_general3A_130, %add3A_134 : vector<256x256xf32>
    %swap3A = arith.constant 0 : index
    %swap3A_136 = arith.constant 0 : index
    %swap3A_137 = vector.load %arg18[%swap3A, %swap3A_136] : memref<256x256xf32, #tpu.memory_space<vmem>>, vector<256x256xf32>
    tpu.vector_store %arg18[%swap3A, %swap3A_136], %add3A_135 {strides = array<i32>} : memref<256x256xf32, #tpu.memory_space<vmem>>, vector<256x256xf32>,
    %get3A_138 = arith.constant 0 : index
    %get3A_139 = arith.constant 0 : index
    %get3A_140 = vector.load %arg16[%get3A_138, %get3A_139] : memref<256x256xf32, #tpu.memory_space<vmem>>, vector<256x256xf32>
    %dot_general3A_141 = arith.constant dense<0.000000e+00> : vector<256x256xf32>
    %dot_general3A_142 = tpu.matmul %add3A_135, %get3A_140, %dot_general3A_141 {dimension_numbers = #tpu.dot_dimension_numbers<[1], [0], [0], [1], [0, 0, 1, 1], [], []>, transpose_lhs_hint = false} : vector<256x256xf32>, vector<256x256xf32>, vector<256x256xf32> -> vector<256x256xf32>
    %get3A_143 = arith.constant 0 : index
    %get3A_144 = arith.constant 0 : index
    %get3A_145 = vector.load %arg17[%get3A_143, %get3A_144] : memref<1x256xf32, #tpu.memory_space<vmem>>, vector<1x256xf32>
    %add3A_146 = vector.broadcast %get3A_145 : vector<1x256xf32> to vector<256x256xf32>
    %add3A_147 = arith.addf %dot_general3A_142, %add3A_146 : vector<256x256xf32>
    %slice3A = vector.extract_strided_slice %add3A_147 {offsets = [0, 0], sizes = [256, 128], strides = [1, 1]} : vector<256x256xf32> to vector<256x128xf32>
    %bitcast_convert_type3A_148 = tpu.bitcast %slice3A : vector<256x128xf32> -> vector<256x128xi32>
    %slice3A_149 = vector.extract_strided_slice %add3A_147 {offsets = [0, 128], sizes = [256, 128], strides = [1, 1]} : vector<256x256xf32> to vector<256x128xf32>
    %bitcast_convert_type3A_150 = tpu.bitcast %slice3A_149 : vector<256x128xf32> -> vector<256x128xi32>
    %add3A_151 = arith.constant 32767 : i32
    %add3A_152 = vector.broadcast %add3A_151 : i32 to vector<256x128xi32>
    %add3A_153 = arith.addi %bitcast_convert_type3A_148, %add3A_152 : vector<256x128xi32>
    %shift_right_logical3A = arith.constant 16 : i32
    %shift_right_logical3A_154 = vector.broadcast %shift_right_logical3A : i32 to vector<256x128xi32>
    %shift_right_logical3A_155 = arith.shrui %bitcast_convert_type3A_148, %shift_right_logical3A_154 : vector<256x128xi32>
    %and3A_156 = arith.constant 1 : i32
    %and3A_157 = vector.broadcast %and3A_156 : i32 to vector<256x128xi32>
    %and3A_158 = arith.andi %shift_right_logical3A_155, %and3A_157 : vector<256x128xi32>
    %add3A_159 = arith.addi %add3A_153, %and3A_158 : vector<256x128xi32>
    %shift_right_logical3A_160 = arith.constant 16 : i32
    %shift_right_logical3A_161 = vector.broadcast %shift_right_logical3A_160 : i32 to vector<256x128xi32>
    %shift_right_logical3A_162 = arith.shrui %add3A_159, %shift_right_logical3A_161 : vector<256x128xi32>
    %add3A_163 = arith.constant 32767 : i32
    %add3A_164 = vector.broadcast %add3A_163 : i32 to vector<256x128xi32>
    %add3A_165 = arith.addi %bitcast_convert_type3A_150, %add3A_164 : vector<256x128xi32>
    %shift_right_logical3A_166 = arith.constant 16 : i32
    %shift_right_logical3A_167 = vector.broadcast %shift_right_logical3A_166 : i32 to vector<256x128xi32>
    %shift_right_logical3A_168 = arith.shrui %bitcast_convert_type3A_150, %shift_right_logical3A_167 : vector<256x128xi32>
    %and3A_169 = arith.constant 1 : i32
    %and3A_170 = vector.broadcast %and3A_169 : i32 to vector<256x128xi32>
    %and3A_171 = arith.andi %shift_right_logical3A_168, %and3A_170 : vector<256x128xi32>
    %add3A_172 = arith.addi %add3A_165, %and3A_171 : vector<256x128xi32>
    %shift_right_logical3A_173 = arith.constant 16 : i32
    %shift_right_logical3A_174 = vector.broadcast %shift_right_logical3A_173 : i32 to vector<256x128xi32>
    %shift_right_logical3A_175 = arith.shrui %add3A_172, %shift_right_logical3A_174 : vector<256x128xi32>
    %shift_left3A_176 = arith.constant 16 : i32
    %shift_left3A_177 = vector.broadcast %shift_left3A_176 : i32 to vector<256x128xi32>
    %shift_left3A_178 = arith.shli %shift_right_logical3A_175, %shift_left3A_177 : vector<256x128xi32>
    %or3A = arith.ori %shift_right_logical3A_162, %shift_left3A_178 : vector<256x128xi32>
    %bitcast_convert_type3A_179 = tpu.bitcast %or3A : vector<256x128xi32> -> vector<256x128xf32>
    %swap3A_180 = arith.constant 0 : index
    %swap3A_181 = arith.constant 0 : index
    %swap3A_182 = vector.load %arg19[%swap3A_180, %swap3A_181] : memref<256x128xf32, #tpu.memory_space<vmem>>, vector<256x128xf32>
    tpu.vector_store %arg19[%swap3A_180, %swap3A_181], %bitcast_convert_type3A_179 {strides = array<i32>} : memref<256x128xf32, #tpu.memory_space<vmem>>, vector<256x128xf32>,
    return
  }
  func.func @transform_0(%arg0: i32) -> (i32, i32) {
    %c0_i32 = arith.constant 0 : i32
    %c0_i32_0 = arith.constant 0 : i32
    return %arg0, %c0_i32 : i32, i32
  }
  func.func @transform_1(%arg0: i32) -> (i32, i32) {
    %c0_i32 = arith.constant 0 : i32
    %c0_i32_0 = arith.constant 0 : i32
    return %arg0, %c0_i32 : i32, i32
  }
  func.func @transform_2(%arg0: i32) -> (i32, i32) {
    %c0_i32 = arith.constant 0 : i32
    %c0_i32_0 = arith.constant 0 : i32
    return %arg0, %c0_i32 : i32, i32
  }
  func.func @transform_3(%arg0: i32) -> (i32, i32) {
    %c0_i32 = arith.constant 0 : i32
    %c0_i32_0 = arith.constant 0 : i32
    %c0_i32_1 = arith.constant 0 : i32
    return %c0_i32, %c0_i32_0 : i32, i32
  }
  func.func @transform_4(%arg0: i32) -> (i32, i32) {
    %c0_i32 = arith.constant 0 : i32
    %c0_i32_0 = arith.constant 0 : i32
    %c0_i32_1 = arith.constant 0 : i32
    return %c0_i32, %c0_i32_0 : i32, i32
  }
  func.func @transform_5(%arg0: i32) -> (i32, i32) {
    %c0_i32 = arith.constant 0 : i32
    %c0_i32_0 = arith.constant 0 : i32
    %c0_i32_1 = arith.constant 0 : i32
    return %c0_i32, %c0_i32_0 : i32, i32
  }
  func.func @transform_6(%arg0: i32) -> (i32, i32) {
    %c0_i32 = arith.constant 0 : i32
    %c0_i32_0 = arith.constant 0 : i32
    %c0_i32_1 = arith.constant 0 : i32
    return %c0_i32, %c0_i32_0 : i32, i32
  }
  func.func @transform_7(%arg0: i32) -> (i32, i32) {
    %c0_i32 = arith.constant 0 : i32
    %c0_i32_0 = arith.constant 0 : i32
    %c0_i32_1 = arith.constant 0 : i32
    return %c0_i32, %c0_i32_0 : i32, i32
  }
  func.func @transform_8(%arg0: i32) -> (i32, i32) {
    %c0_i32 = arith.constant 0 : i32
    %c0_i32_0 = arith.constant 0 : i32
    %c0_i32_1 = arith.constant 0 : i32
    return %c0_i32, %c0_i32_0 : i32, i32
  }
  func.func @transform_9(%arg0: i32) -> (i32, i32) {
    %c0_i32 = arith.constant 0 : i32
    %c0_i32_0 = arith.constant 0 : i32
    %c0_i32_1 = arith.constant 0 : i32
    return %c0_i32, %c0_i32_0 : i32, i32
  }
  func.func @transform_10(%arg0: i32) -> (i32, i32) {
    %c0_i32 = arith.constant 0 : i32
    %c0_i32_0 = arith.constant 0 : i32
    %c0_i32_1 = arith.constant 0 : i32
    return %c0_i32, %c0_i32_0 : i32, i32
  }
  func.func @transform_11(%arg0: i32) -> (i32, i32) {
    %c0_i32 = arith.constant 0 : i32
    %c0_i32_0 = arith.constant 0 : i32
    %c0_i32_1 = arith.constant 0 : i32
    return %c0_i32, %c0_i32_0 : i32, i32
  }
  func.func @transform_12(%arg0: i32) -> (i32, i32) {
    %c0_i32 = arith.constant 0 : i32
    %c0_i32_0 = arith.constant 0 : i32
    %c0_i32_1 = arith.constant 0 : i32
    return %c0_i32, %c0_i32_0 : i32, i32
  }
  func.func @transform_13(%arg0: i32) -> (i32, i32) {
    %c0_i32 = arith.constant 0 : i32
    %c0_i32_0 = arith.constant 0 : i32
    %c0_i32_1 = arith.constant 0 : i32
    return %c0_i32, %c0_i32_0 : i32, i32
  }
  func.func @transform_14(%arg0: i32) -> (i32, i32) {
    %c0_i32 = arith.constant 0 : i32
    %c0_i32_0 = arith.constant 0 : i32
    %c0_i32_1 = arith.constant 0 : i32
    return %c0_i32, %c0_i32_0 : i32, i32
  }
  func.func @transform_15(%arg0: i32) -> (i32, i32) {
    %c0_i32 = arith.constant 0 : i32
    %c0_i32_0 = arith.constant 0 : i32
    %c0_i32_1 = arith.constant 0 : i32
    return %c0_i32, %c0_i32_0 : i32, i32
  }
  func.func @transform_16(%arg0: i32) -> (i32, i32) {
    %c0_i32 = arith.constant 0 : i32
    %c0_i32_0 = arith.constant 0 : i32
    %c0_i32_1 = arith.constant 0 : i32
    return %c0_i32, %c0_i32_0 : i32, i32
  }
  func.func @transform_17(%arg0: i32) -> (i32, i32) {
    %c0_i32 = arith.constant 0 : i32
    %c0_i32_0 = arith.constant 0 : i32
    return %arg0, %c0_i32 : i32, i32
  }
  func.func @transform_18(%arg0: i32) -> (i32, i32) {
    %c0_i32 = arith.constant 0 : i32
    %c0_i32_0 = arith.constant 0 : i32
    return %arg0, %c0_i32 : i32, i32
  }
}

module attributes {stable_mosaic.version = 14 : i64} {
  func.func @_layer_body(%arg0: i32, %arg1: memref<7680x128xf32, #tpu.memory_space<vmem>>, %arg2: memref<7680x1xf32, #tpu.memory_space<vmem>>, %arg3: memref<256x256xf32, #tpu.memory_space<vmem>>, %arg4: memref<32x256xf32, #tpu.memory_space<vmem>>, %arg5: memref<1x256xf32, #tpu.memory_space<vmem>>, %arg6: memref<1x256xf32, #tpu.memory_space<vmem>>, %arg7: memref<256x256xf32, #tpu.memory_space<vmem>>, %arg8: memref<1x256xf32, #tpu.memory_space<vmem>>, %arg9: memref<256x256xf32, #tpu.memory_space<vmem>>, %arg10: memref<256x256xf32, #tpu.memory_space<vmem>>, %arg11: memref<1x256xf32, #tpu.memory_space<vmem>>, %arg12: memref<1x256xf32, #tpu.memory_space<vmem>>, %arg13: memref<1x256xf32, #tpu.memory_space<vmem>>, %arg14: memref<256x256xf32, #tpu.memory_space<vmem>>, %arg15: memref<1x256xf32, #tpu.memory_space<vmem>>, %arg16: memref<256x256xf32, #tpu.memory_space<vmem>>, %arg17: memref<1x256xf32, #tpu.memory_space<vmem>>, %arg18: memref<256x256xf32, #tpu.memory_space<vmem>>, %arg19: memref<256x128xf32, #tpu.memory_space<vmem>>) attributes {dimension_semantics = [#tpu.dimension_semantics<arbitrary>], iteration_bounds = array<i64: 16>, scalar_prefetch = 0 : i64, scratch_operands = 0 : i64, tpu.core_type = #tpu.core_type<tc>, window_params = [{transform_indices = @transform_0, window_bounds = array<i64: 7680, 128>}, {transform_indices = @transform_1, window_bounds = array<i64: 7680, 1>}, {transform_indices = @transform_2, window_bounds = array<i64: 256, 256>}, {pipeline_mode = #tpu.pipeline_mode<synchronous>, transform_indices = @transform_3, window_bounds = array<i64: 32, 256>}, {pipeline_mode = #tpu.pipeline_mode<synchronous>, transform_indices = @transform_4, window_bounds = array<i64: 1, 256>}, {pipeline_mode = #tpu.pipeline_mode<synchronous>, transform_indices = @transform_5, window_bounds = array<i64: 1, 256>}, {pipeline_mode = #tpu.pipeline_mode<synchronous>, transform_indices = @transform_6, window_bounds = array<i64: 256, 256>}, {pipeline_mode = #tpu.pipeline_mode<synchronous>, transform_indices = @transform_7, window_bounds = array<i64: 1, 256>}, {pipeline_mode = #tpu.pipeline_mode<synchronous>, transform_indices = @transform_8, window_bounds = array<i64: 256, 256>}, {pipeline_mode = #tpu.pipeline_mode<synchronous>, transform_indices = @transform_9, window_bounds = array<i64: 256, 256>}, {pipeline_mode = #tpu.pipeline_mode<synchronous>, transform_indices = @transform_10, window_bounds = array<i64: 1, 256>}, {pipeline_mode = #tpu.pipeline_mode<synchronous>, transform_indices = @transform_11, window_bounds = array<i64: 1, 256>}, {pipeline_mode = #tpu.pipeline_mode<synchronous>, transform_indices = @transform_12, window_bounds = array<i64: 1, 256>}, {pipeline_mode = #tpu.pipeline_mode<synchronous>, transform_indices = @transform_13, window_bounds = array<i64: 256, 256>}, {pipeline_mode = #tpu.pipeline_mode<synchronous>, transform_indices = @transform_14, window_bounds = array<i64: 1, 256>}, {pipeline_mode = #tpu.pipeline_mode<synchronous>, transform_indices = @transform_15, window_bounds = array<i64: 256, 256>}, {pipeline_mode = #tpu.pipeline_mode<synchronous>, transform_indices = @transform_16, window_bounds = array<i64: 1, 256>}, {transform_indices = @transform_17, window_bounds = array<i64: 256, 256>}, {transform_indices = @transform_18, window_bounds = array<i64: 256, 128>}]} {
    %get3A = arith.constant 0 : index
    %get3A_0 = arith.constant 0 : index
    %get3A_1 = vector.load %arg2[%get3A, %get3A_0] : memref<7680x1xf32, #tpu.memory_space<vmem>>, vector<7680x1xf32>
    %iota3A = tpu.iota {dimensions = array<i32: 1>} : vector<1x32xi32>
    %convert_element_type3A = arith.sitofp %iota3A : vector<1x32xi32> to vector<1x32xf32>
    %mul3A = arith.constant 0.645161271 : f32
    %mul3A_2 = vector.broadcast %mul3A : f32 to vector<1x32xf32>
    %mul3A_3 = arith.mulf %convert_element_type3A, %mul3A_2 : vector<1x32xf32>
    %sub3A = vector.broadcast %get3A_1 : vector<7680x1xf32> to vector<7680x32xf32>
    %sub3A_4 = vector.broadcast %mul3A_3 : vector<1x32xf32> to vector<7680x32xf32>
    %sub3A_5 = arith.subf %sub3A, %sub3A_4 : vector<7680x32xf32>
    %mul3A_6 = arith.constant 1.600000e+00 : f32
    %mul3A_7 = vector.broadcast %mul3A_6 : f32 to vector<7680x32xf32>
    %mul3A_8 = arith.mulf %sub3A_5, %mul3A_7 : vector<7680x32xf32>
    %mul3A_9 = arith.constant -5.000000e-01 : f32
    %mul3A_10 = vector.broadcast %mul3A_9 : f32 to vector<7680x32xf32>
    %mul3A_11 = arith.mulf %mul3A_10, %mul3A_8 : vector<7680x32xf32>
    %mul3A_12 = arith.mulf %mul3A_11, %mul3A_8 : vector<7680x32xf32>
    %exp3A = math.exp %mul3A_12 : vector<7680x32xf32>
    %get3A_13 = arith.constant 0 : index
    %get3A_14 = arith.constant 0 : index
    %get3A_15 = vector.load %arg1[%get3A_13, %get3A_14] : memref<7680x128xf32, #tpu.memory_space<vmem>>, vector<7680x128xf32>
    %bitcast_convert_type3A = tpu.bitcast %get3A_15 : vector<7680x128xf32> -> vector<7680x128xi32>
    %shift_left3A = arith.constant 16 : i32
    %shift_left3A_16 = vector.broadcast %shift_left3A : i32 to vector<7680x128xi32>
    %shift_left3A_17 = arith.shli %bitcast_convert_type3A, %shift_left3A_16 : vector<7680x128xi32>
    %bitcast_convert_type3A_18 = tpu.bitcast %shift_left3A_17 : vector<7680x128xi32> -> vector<7680x128xf32>
    %and3A = arith.constant -65536 : i32
    %and3A_19 = vector.broadcast %and3A : i32 to vector<7680x128xi32>
    %and3A_20 = arith.andi %bitcast_convert_type3A, %and3A_19 : vector<7680x128xi32>
    %bitcast_convert_type3A_21 = tpu.bitcast %and3A_20 : vector<7680x128xi32> -> vector<7680x128xf32>
    %concatenate3A = tpu.concatenate %bitcast_convert_type3A_18, %bitcast_convert_type3A_21 in 1 : vector<7680x128xf32>, vector<7680x128xf32> -> vector<7680x256xf32>
    %get3A_22 = arith.constant 0 : index
    %get3A_23 = arith.constant 0 : index
    %get3A_24 = vector.load %arg4[%get3A_22, %get3A_23] : memref<32x256xf32, #tpu.memory_space<vmem>>, vector<32x256xf32>
    %dot_general3A = arith.constant dense<0.000000e+00> : vector<7680x256xf32>
    %dot_general3A_25 = tpu.matmul %exp3A, %get3A_24, %dot_general3A {dimension_numbers = #tpu.dot_dimension_numbers<[1], [0], [0], [1], [0, 0, 1, 1], [], []>, transpose_lhs_hint = false} : vector<7680x32xf32>, vector<32x256xf32>, vector<7680x256xf32> -> vector<7680x256xf32>
    %add3A = arith.addf %concatenate3A, %dot_general3A_25 : vector<7680x256xf32>
    %get3A_26 = arith.constant 0 : index
    %get3A_27 = arith.constant 0 : index
    %get3A_28 = vector.load %arg5[%get3A_26, %get3A_27] : memref<1x256xf32, #tpu.memory_space<vmem>>, vector<1x256xf32>
    %get3A_29 = arith.constant 0 : index
    %get3A_30 = arith.constant 0 : index
    %get3A_31 = vector.load %arg6[%get3A_29, %get3A_30] : memref<1x256xf32, #tpu.memory_space<vmem>>, vector<1x256xf32>
    %reduce_sum3A = arith.constant dense<0.000000e+00> : vector<7680xf32>
    %reduce_sum3A_32 = vector.multi_reduction <add>, %add3A, %reduce_sum3A [1] : vector<7680x256xf32> to vector<7680xf32>
    %broadcast_in_dim3A = vector.shape_cast %reduce_sum3A_32 : vector<7680xf32> to vector<7680x1xf32>
    %div3A = arith.constant 2.560000e+02 : f32
    %div3A_33 = vector.broadcast %div3A : f32 to vector<7680x1xf32>
    %div3A_34 = arith.divf %broadcast_in_dim3A, %div3A_33 : vector<7680x1xf32>
    %sub3A_35 = vector.broadcast %div3A_34 : vector<7680x1xf32> to vector<7680x256xf32>
    %sub3A_36 = arith.subf %add3A, %sub3A_35 : vector<7680x256xf32>
    %integer_pow3A = arith.mulf %sub3A_36, %sub3A_36 : vector<7680x256xf32>
    %reduce_sum3A_37 = arith.constant dense<0.000000e+00> : vector<7680xf32>
    %reduce_sum3A_38 = vector.multi_reduction <add>, %integer_pow3A, %reduce_sum3A_37 [1] : vector<7680x256xf32> to vector<7680xf32>
    %broadcast_in_dim3A_39 = vector.shape_cast %reduce_sum3A_38 : vector<7680xf32> to vector<7680x1xf32>
    %div3A_40 = arith.constant 2.560000e+02 : f32
    %div3A_41 = vector.broadcast %div3A_40 : f32 to vector<7680x1xf32>
    %div3A_42 = arith.divf %broadcast_in_dim3A_39, %div3A_41 : vector<7680x1xf32>
    %sub3A_43 = vector.broadcast %div3A_34 : vector<7680x1xf32> to vector<7680x256xf32>
    %sub3A_44 = arith.subf %add3A, %sub3A_43 : vector<7680x256xf32>
    %add3A_45 = arith.constant 9.99999974E-6 : f32
    %add3A_46 = vector.broadcast %add3A_45 : f32 to vector<7680x1xf32>
    %add3A_47 = arith.addf %div3A_42, %add3A_46 : vector<7680x1xf32>
    %sqrt3A = math.sqrt %add3A_47 : vector<7680x1xf32>
    %div3A_48 = vector.broadcast %sqrt3A : vector<7680x1xf32> to vector<7680x256xf32>
    %div3A_49 = arith.divf %sub3A_44, %div3A_48 : vector<7680x256xf32>
    %mul3A_50 = vector.broadcast %get3A_28 : vector<1x256xf32> to vector<7680x256xf32>
    %mul3A_51 = arith.mulf %div3A_49, %mul3A_50 : vector<7680x256xf32>
    %add3A_52 = vector.broadcast %get3A_31 : vector<1x256xf32> to vector<7680x256xf32>
    %add3A_53 = arith.addf %mul3A_51, %add3A_52 : vector<7680x256xf32>
    %max3A = arith.constant 0.000000e+00 : f32
    %max3A_54 = vector.broadcast %max3A : f32 to vector<7680x256xf32>
    %max3A_55 = arith.maximumf %add3A_53, %max3A_54 : vector<7680x256xf32>
    %reshape3A = vector.shape_cast %max3A_55 : vector<7680x256xf32> to vector<256x30x256xf32>
    %reduce_sum3A_56 = arith.constant dense<0.000000e+00> : vector<256x256xf32>
    %reduce_sum3A_57 = vector.multi_reduction <add>, %reshape3A, %reduce_sum3A_56 [1] : vector<256x30x256xf32> to vector<256x256xf32>
    %get3A_58 = arith.constant 0 : index
    %get3A_59 = arith.constant 0 : index
    %get3A_60 = vector.load %arg7[%get3A_58, %get3A_59] : memref<256x256xf32, #tpu.memory_space<vmem>>, vector<256x256xf32>
    %dot_general3A_61 = arith.constant dense<0.000000e+00> : vector<256x256xf32>
    %dot_general3A_62 = tpu.matmul %reduce_sum3A_57, %get3A_60, %dot_general3A_61 {dimension_numbers = #tpu.dot_dimension_numbers<[1], [0], [0], [1], [0, 0, 1, 1], [], []>, transpose_lhs_hint = false} : vector<256x256xf32>, vector<256x256xf32>, vector<256x256xf32> -> vector<256x256xf32>
    %get3A_63 = arith.constant 0 : index
    %get3A_64 = arith.constant 0 : index
    %get3A_65 = vector.load %arg8[%get3A_63, %get3A_64] : memref<1x256xf32, #tpu.memory_space<vmem>>, vector<1x256xf32>
    %mul3A_66 = arith.constant 3.000000e+01 : f32
    %mul3A_67 = vector.broadcast %mul3A_66 : f32 to vector<1x256xf32>
    %mul3A_68 = arith.mulf %mul3A_67, %get3A_65 : vector<1x256xf32>
    %add3A_69 = vector.broadcast %mul3A_68 : vector<1x256xf32> to vector<256x256xf32>
    %add3A_70 = arith.addf %dot_general3A_62, %add3A_69 : vector<256x256xf32>
    %get3A_71 = arith.constant 0 : index
    %get3A_72 = arith.constant 0 : index
    %get3A_73 = vector.load %arg3[%get3A_71, %get3A_72] : memref<256x256xf32, #tpu.memory_space<vmem>>, vector<256x256xf32>
    %get3A_74 = arith.constant 0 : index
    %get3A_75 = arith.constant 0 : index
    %get3A_76 = vector.load %arg9[%get3A_74, %get3A_75] : memref<256x256xf32, #tpu.memory_space<vmem>>, vector<256x256xf32>
    %dot_general3A_77 = arith.constant dense<0.000000e+00> : vector<256x256xf32>
    %dot_general3A_78 = tpu.matmul %get3A_73, %get3A_76, %dot_general3A_77 {dimension_numbers = #tpu.dot_dimension_numbers<[1], [0], [0], [1], [0, 0, 1, 1], [], []>, transpose_lhs_hint = false} : vector<256x256xf32>, vector<256x256xf32>, vector<256x256xf32> -> vector<256x256xf32>
    %get3A_79 = arith.constant 0 : index
    %get3A_80 = arith.constant 0 : index
    %get3A_81 = vector.load %arg10[%get3A_79, %get3A_80] : memref<256x256xf32, #tpu.memory_space<vmem>>, vector<256x256xf32>
    %dot_general3A_82 = arith.constant dense<0.000000e+00> : vector<256x256xf32>
    %dot_general3A_83 = tpu.matmul %add3A_70, %get3A_81, %dot_general3A_82 {dimension_numbers = #tpu.dot_dimension_numbers<[1], [0], [0], [1], [0, 0, 1, 1], [], []>, transpose_lhs_hint = false} : vector<256x256xf32>, vector<256x256xf32>, vector<256x256xf32> -> vector<256x256xf32>
    %add3A_84 = arith.addf %dot_general3A_78, %dot_general3A_83 : vector<256x256xf32>
    %get3A_85 = arith.constant 0 : index
    %get3A_86 = arith.constant 0 : index
    %get3A_87 = vector.load %arg11[%get3A_85, %get3A_86] : memref<1x256xf32, #tpu.memory_space<vmem>>, vector<1x256xf32>
    %add3A_88 = vector.broadcast %get3A_87 : vector<1x256xf32> to vector<256x256xf32>
    %add3A_89 = arith.addf %add3A_84, %add3A_88 : vector<256x256xf32>
    %get3A_90 = arith.constant 0 : index
    %get3A_91 = arith.constant 0 : index
    %get3A_92 = vector.load %arg12[%get3A_90, %get3A_91] : memref<1x256xf32, #tpu.memory_space<vmem>>, vector<1x256xf32>
    %get3A_93 = arith.constant 0 : index
    %get3A_94 = arith.constant 0 : index
    %get3A_95 = vector.load %arg13[%get3A_93, %get3A_94] : memref<1x256xf32, #tpu.memory_space<vmem>>, vector<1x256xf32>
    %reduce_sum3A_96 = arith.constant dense<0.000000e+00> : vector<256xf32>
    %reduce_sum3A_97 = vector.multi_reduction <add>, %add3A_89, %reduce_sum3A_96 [1] : vector<256x256xf32> to vector<256xf32>
    %broadcast_in_dim3A_98 = vector.shape_cast %reduce_sum3A_97 : vector<256xf32> to vector<256x1xf32>
    %div3A_99 = arith.constant 2.560000e+02 : f32
    %div3A_100 = vector.broadcast %div3A_99 : f32 to vector<256x1xf32>
    %div3A_101 = arith.divf %broadcast_in_dim3A_98, %div3A_100 : vector<256x1xf32>
    %sub3A_102 = vector.broadcast %div3A_101 : vector<256x1xf32> to vector<256x256xf32>
    %sub3A_103 = arith.subf %add3A_89, %sub3A_102 : vector<256x256xf32>
    %integer_pow3A_104 = arith.mulf %sub3A_103, %sub3A_103 : vector<256x256xf32>
    %reduce_sum3A_105 = arith.constant dense<0.000000e+00> : vector<256xf32>
    %reduce_sum3A_106 = vector.multi_reduction <add>, %integer_pow3A_104, %reduce_sum3A_105 [1] : vector<256x256xf32> to vector<256xf32>
    %broadcast_in_dim3A_107 = vector.shape_cast %reduce_sum3A_106 : vector<256xf32> to vector<256x1xf32>
    %div3A_108 = arith.constant 2.560000e+02 : f32
    %div3A_109 = vector.broadcast %div3A_108 : f32 to vector<256x1xf32>
    %div3A_110 = arith.divf %broadcast_in_dim3A_107, %div3A_109 : vector<256x1xf32>
    %sub3A_111 = vector.broadcast %div3A_101 : vector<256x1xf32> to vector<256x256xf32>
    %sub3A_112 = arith.subf %add3A_89, %sub3A_111 : vector<256x256xf32>
    %add3A_113 = arith.constant 9.99999974E-6 : f32
    %add3A_114 = vector.broadcast %add3A_113 : f32 to vector<256x1xf32>
    %add3A_115 = arith.addf %div3A_110, %add3A_114 : vector<256x1xf32>
    %sqrt3A_116 = math.sqrt %add3A_115 : vector<256x1xf32>
    %div3A_117 = vector.broadcast %sqrt3A_116 : vector<256x1xf32> to vector<256x256xf32>
    %div3A_118 = arith.divf %sub3A_112, %div3A_117 : vector<256x256xf32>
    %mul3A_119 = vector.broadcast %get3A_92 : vector<1x256xf32> to vector<256x256xf32>
    %mul3A_120 = arith.mulf %div3A_118, %mul3A_119 : vector<256x256xf32>
    %add3A_121 = vector.broadcast %get3A_95 : vector<1x256xf32> to vector<256x256xf32>
    %add3A_122 = arith.addf %mul3A_120, %add3A_121 : vector<256x256xf32>
    %max3A_123 = arith.constant 0.000000e+00 : f32
    %max3A_124 = vector.broadcast %max3A_123 : f32 to vector<256x256xf32>
    %max3A_125 = arith.maximumf %add3A_122, %max3A_124 : vector<256x256xf32>
    %get3A_126 = arith.constant 0 : index
    %get3A_127 = arith.constant 0 : index
    %get3A_128 = vector.load %arg14[%get3A_126, %get3A_127] : memref<256x256xf32, #tpu.memory_space<vmem>>, vector<256x256xf32>
    %dot_general3A_129 = arith.constant dense<0.000000e+00> : vector<256x256xf32>
    %dot_general3A_130 = tpu.matmul %max3A_125, %get3A_128, %dot_general3A_129 {dimension_numbers = #tpu.dot_dimension_numbers<[1], [0], [0], [1], [0, 0, 1, 1], [], []>, transpose_lhs_hint = false} : vector<256x256xf32>, vector<256x256xf32>, vector<256x256xf32> -> vector<256x256xf32>
    %get3A_131 = arith.constant 0 : index
    %get3A_132 = arith.constant 0 : index
    %get3A_133 = vector.load %arg15[%get3A_131, %get3A_132] : memref<1x256xf32, #tpu.memory_space<vmem>>, vector<1x256xf32>
    %add3A_134 = vector.broadcast %get3A_133 : vector<1x256xf32> to vector<256x256xf32>
    %add3A_135 = arith.addf %dot_general3A_130, %add3A_134 : vector<256x256xf32>
    %swap3A = arith.constant 0 : index
    %swap3A_136 = arith.constant 0 : index
    %swap3A_137 = vector.load %arg18[%swap3A, %swap3A_136] : memref<256x256xf32, #tpu.memory_space<vmem>>, vector<256x256xf32>
    tpu.vector_store %arg18[%swap3A, %swap3A_136], %add3A_135 {strides = array<i32>} : memref<256x256xf32, #tpu.memory_space<vmem>>, vector<256x256xf32>,
    %get3A_138 = arith.constant 0 : index
    %get3A_139 = arith.constant 0 : index
    %get3A_140 = vector.load %arg16[%get3A_138, %get3A_139] : memref<256x256xf32, #tpu.memory_space<vmem>>, vector<256x256xf32>
    %dot_general3A_141 = arith.constant dense<0.000000e+00> : vector<256x256xf32>
    %dot_general3A_142 = tpu.matmul %add3A_135, %get3A_140, %dot_general3A_141 {dimension_numbers = #tpu.dot_dimension_numbers<[1], [0], [0], [1], [0, 0, 1, 1], [], []>, transpose_lhs_hint = false} : vector<256x256xf32>, vector<256x256xf32>, vector<256x256xf32> -> vector<256x256xf32>
    %get3A_143 = arith.constant 0 : index
    %get3A_144 = arith.constant 0 : index
    %get3A_145 = vector.load %arg17[%get3A_143, %get3A_144] : memref<1x256xf32, #tpu.memory_space<vmem>>, vector<1x256xf32>
    %add3A_146 = vector.broadcast %get3A_145 : vector<1x256xf32> to vector<256x256xf32>
    %add3A_147 = arith.addf %dot_general3A_142, %add3A_146 : vector<256x256xf32>
    %slice3A = vector.extract_strided_slice %add3A_147 {offsets = [0, 0], sizes = [256, 128], strides = [1, 1]} : vector<256x256xf32> to vector<256x128xf32>
    %bitcast_convert_type3A_148 = tpu.bitcast %slice3A : vector<256x128xf32> -> vector<256x128xi32>
    %slice3A_149 = vector.extract_strided_slice %add3A_147 {offsets = [0, 128], sizes = [256, 128], strides = [1, 1]} : vector<256x256xf32> to vector<256x128xf32>
    %bitcast_convert_type3A_150 = tpu.bitcast %slice3A_149 : vector<256x128xf32> -> vector<256x128xi32>
    %add3A_151 = arith.constant 32767 : i32
    %add3A_152 = vector.broadcast %add3A_151 : i32 to vector<256x128xi32>
    %add3A_153 = arith.addi %bitcast_convert_type3A_148, %add3A_152 : vector<256x128xi32>
    %shift_right_logical3A = arith.constant 16 : i32
    %shift_right_logical3A_154 = vector.broadcast %shift_right_logical3A : i32 to vector<256x128xi32>
    %shift_right_logical3A_155 = arith.shrui %bitcast_convert_type3A_148, %shift_right_logical3A_154 : vector<256x128xi32>
    %and3A_156 = arith.constant 1 : i32
    %and3A_157 = vector.broadcast %and3A_156 : i32 to vector<256x128xi32>
    %and3A_158 = arith.andi %shift_right_logical3A_155, %and3A_157 : vector<256x128xi32>
    %add3A_159 = arith.addi %add3A_153, %and3A_158 : vector<256x128xi32>
    %shift_right_logical3A_160 = arith.constant 16 : i32
    %shift_right_logical3A_161 = vector.broadcast %shift_right_logical3A_160 : i32 to vector<256x128xi32>
    %shift_right_logical3A_162 = arith.shrui %add3A_159, %shift_right_logical3A_161 : vector<256x128xi32>
    %add3A_163 = arith.constant 32767 : i32
    %add3A_164 = vector.broadcast %add3A_163 : i32 to vector<256x128xi32>
    %add3A_165 = arith.addi %bitcast_convert_type3A_150, %add3A_164 : vector<256x128xi32>
    %shift_right_logical3A_166 = arith.constant 16 : i32
    %shift_right_logical3A_167 = vector.broadcast %shift_right_logical3A_166 : i32 to vector<256x128xi32>
    %shift_right_logical3A_168 = arith.shrui %bitcast_convert_type3A_150, %shift_right_logical3A_167 : vector<256x128xi32>
    %and3A_169 = arith.constant 1 : i32
    %and3A_170 = vector.broadcast %and3A_169 : i32 to vector<256x128xi32>
    %and3A_171 = arith.andi %shift_right_logical3A_168, %and3A_170 : vector<256x128xi32>
    %add3A_172 = arith.addi %add3A_165, %and3A_171 : vector<256x128xi32>
    %shift_right_logical3A_173 = arith.constant 16 : i32
    %shift_right_logical3A_174 = vector.broadcast %shift_right_logical3A_173 : i32 to vector<256x128xi32>
    %shift_right_logical3A_175 = arith.shrui %add3A_172, %shift_right_logical3A_174 : vector<256x128xi32>
    %shift_left3A_176 = arith.constant 16 : i32
    %shift_left3A_177 = vector.broadcast %shift_left3A_176 : i32 to vector<256x128xi32>
    %shift_left3A_178 = arith.shli %shift_right_logical3A_175, %shift_left3A_177 : vector<256x128xi32>
    %or3A = arith.ori %shift_right_logical3A_162, %shift_left3A_178 : vector<256x128xi32>
    %bitcast_convert_type3A_179 = tpu.bitcast %or3A : vector<256x128xi32> -> vector<256x128xf32>
    %swap3A_180 = arith.constant 0 : index
    %swap3A_181 = arith.constant 0 : index
    %swap3A_182 = vector.load %arg19[%swap3A_180, %swap3A_181] : memref<256x128xf32, #tpu.memory_space<vmem>>, vector<256x128xf32>
    tpu.vector_store %arg19[%swap3A_180, %swap3A_181], %bitcast_convert_type3A_179 {strides = array<i32>} : memref<256x128xf32, #tpu.memory_space<vmem>>, vector<256x128xf32>,
    return
  }
  func.func @transform_0(%arg0: i32) -> (i32, i32) {
    %c0_i32 = arith.constant 0 : i32
    %c0_i32_0 = arith.constant 0 : i32
    return %arg0, %c0_i32 : i32, i32
  }
  func.func @transform_1(%arg0: i32) -> (i32, i32) {
    %c0_i32 = arith.constant 0 : i32
    %c0_i32_0 = arith.constant 0 : i32
    return %arg0, %c0_i32 : i32, i32
  }
  func.func @transform_2(%arg0: i32) -> (i32, i32) {
    %c0_i32 = arith.constant 0 : i32
    %c0_i32_0 = arith.constant 0 : i32
    return %arg0, %c0_i32 : i32, i32
  }
  func.func @transform_3(%arg0: i32) -> (i32, i32) {
    %c0_i32 = arith.constant 0 : i32
    %c0_i32_0 = arith.constant 0 : i32
    %c0_i32_1 = arith.constant 0 : i32
    return %c0_i32, %c0_i32_0 : i32, i32
  }
  func.func @transform_4(%arg0: i32) -> (i32, i32) {
    %c0_i32 = arith.constant 0 : i32
    %c0_i32_0 = arith.constant 0 : i32
    %c0_i32_1 = arith.constant 0 : i32
    return %c0_i32, %c0_i32_0 : i32, i32
  }
  func.func @transform_5(%arg0: i32) -> (i32, i32) {
    %c0_i32 = arith.constant 0 : i32
    %c0_i32_0 = arith.constant 0 : i32
    %c0_i32_1 = arith.constant 0 : i32
    return %c0_i32, %c0_i32_0 : i32, i32
  }
  func.func @transform_6(%arg0: i32) -> (i32, i32) {
    %c0_i32 = arith.constant 0 : i32
    %c0_i32_0 = arith.constant 0 : i32
    %c0_i32_1 = arith.constant 0 : i32
    return %c0_i32, %c0_i32_0 : i32, i32
  }
  func.func @transform_7(%arg0: i32) -> (i32, i32) {
    %c0_i32 = arith.constant 0 : i32
    %c0_i32_0 = arith.constant 0 : i32
    %c0_i32_1 = arith.constant 0 : i32
    return %c0_i32, %c0_i32_0 : i32, i32
  }
  func.func @transform_8(%arg0: i32) -> (i32, i32) {
    %c0_i32 = arith.constant 0 : i32
    %c0_i32_0 = arith.constant 0 : i32
    %c0_i32_1 = arith.constant 0 : i32
    return %c0_i32, %c0_i32_0 : i32, i32
  }
  func.func @transform_9(%arg0: i32) -> (i32, i32) {
    %c0_i32 = arith.constant 0 : i32
    %c0_i32_0 = arith.constant 0 : i32
    %c0_i32_1 = arith.constant 0 : i32
    return %c0_i32, %c0_i32_0 : i32, i32
  }
  func.func @transform_10(%arg0: i32) -> (i32, i32) {
    %c0_i32 = arith.constant 0 : i32
    %c0_i32_0 = arith.constant 0 : i32
    %c0_i32_1 = arith.constant 0 : i32
    return %c0_i32, %c0_i32_0 : i32, i32
  }
  func.func @transform_11(%arg0: i32) -> (i32, i32) {
    %c0_i32 = arith.constant 0 : i32
    %c0_i32_0 = arith.constant 0 : i32
    %c0_i32_1 = arith.constant 0 : i32
    return %c0_i32, %c0_i32_0 : i32, i32
  }
  func.func @transform_12(%arg0: i32) -> (i32, i32) {
    %c0_i32 = arith.constant 0 : i32
    %c0_i32_0 = arith.constant 0 : i32
    %c0_i32_1 = arith.constant 0 : i32
    return %c0_i32, %c0_i32_0 : i32, i32
  }
  func.func @transform_13(%arg0: i32) -> (i32, i32) {
    %c0_i32 = arith.constant 0 : i32
    %c0_i32_0 = arith.constant 0 : i32
    %c0_i32_1 = arith.constant 0 : i32
    return %c0_i32, %c0_i32_0 : i32, i32
  }
  func.func @transform_14(%arg0: i32) -> (i32, i32) {
    %c0_i32 = arith.constant 0 : i32
    %c0_i32_0 = arith.constant 0 : i32
    %c0_i32_1 = arith.constant 0 : i32
    return %c0_i32, %c0_i32_0 : i32, i32
  }
  func.func @transform_15(%arg0: i32) -> (i32, i32) {
    %c0_i32 = arith.constant 0 : i32
    %c0_i32_0 = arith.constant 0 : i32
    %c0_i32_1 = arith.constant 0 : i32
    return %c0_i32, %c0_i32_0 : i32, i32
  }
  func.func @transform_16(%arg0: i32) -> (i32, i32) {
    %c0_i32 = arith.constant 0 : i32
    %c0_i32_0 = arith.constant 0 : i32
    %c0_i32_1 = arith.constant 0 : i32
    return %c0_i32, %c0_i32_0 : i32, i32
  }
  func.func @transform_17(%arg0: i32) -> (i32, i32) {
    %c0_i32 = arith.constant 0 : i32
    %c0_i32_0 = arith.constant 0 : i32
    return %arg0, %c0_i32 : i32, i32
  }
  func.func @transform_18(%arg0: i32) -> (i32, i32) {
    %c0_i32 = arith.constant 0 : i32
    %c0_i32_0 = arith.constant 0 : i32
    return %arg0, %c0_i32 : i32, i32
  }
}

</mosaic_0001>

<sc_bundles>
// kernel: kernel.12.cloned.1.call-start
scs
__scs_entry_jumppad:
0x0: {  	(pc) =	sbr.rel $0x88, $3  }
0x1: {  	(tag) =	ssettag $0x0;
	lr =	simm.s32 $0x1  }
0x2: {  	[smem:$0x3F78] =	sst lr;
	_ =	strace $0xD0000000  }
0x3: {  	_ = 	snop  }
0x4: {  	_ = 	snop  }
0x5: {  	_ = 	snop  }
0x6: {  	_ = 	snop  }
0x7: {  	_ = 	snop  }
__scs_overlays_trampoline_lowered:
0x8: {  	[smem:$0x3F87] =	sst s0  }
0x9: {  	[smem:$0x3F88] =	sst s1  }
0xa: {  	[smem:$0x3F89] =	sst s2  }
0xb: {  	[smem:$0x3F8A] =	sst s3  }
0xc: {  	[smem:$0x3F8B] =	sst s4  }
0xd: {  	[smem:$0x3F8C] =	sst s5  }
0xe: {  	[smem:$0x3F8D] =	sst s6  }
0xf: {  	[smem:$0x3F8E] =	sst s7  }
0x10: {  	[smem:$0x3F8F] =	sst s8  }
0x11: {  	[smem:$0x3F90] =	sst s9;
	s0 =	simm.s32 @!p0 $0x0  }
0x12: {  	s1 =	sld [smem:$0x3F76];
	s0 =	simm.s32 @p0 $0x1  }
0x13: {  	[smem:$0x3F91] =	sst s0;
	s0 =	simm.s32 @!p1 $0x0  }
0x14: {  	s2 =	sld [smem:$0x3F75];
	s0 =	simm.s32 @p1 $0x1  }
0x15: {  	[smem:$0x3F92] =	sst s0;
	s0 =	simm.s32 @!p2 $0x0  }
0x16: {  	s3 =	sld [smem:$0x3FDB];
	s0 =	simm.s32 @p2 $0x1  }
0x17: {  	s4 =	simm.s32 $0x1BF5;
	[smem:$0x3F94] =	sst s0  }
0x18: {  	s0 =	sld [smem:$0x3F77];
	_ =	swait.ge [sflag:s4], $0x0  }
0x19: {  	s7 =	sld [smem:$0x3F78]  }
0x1a: {  	s8 =	sadd.s32 $0xFFFFE003, lr  }
0x1b: {  	s9 =	sadd.s32 $0xFFFFFEF7, lr;
	s5 =	simm.s32 $0xFFFFFFFF;
	p2 =	slt.u32 s8, $0xFFFFF086  }
0x1c: {  	p1 =	slt.u32 s9, $0xF7A;
	s5 =	simm.s32 @!p2 $0x0  }
0x1d: {  	s5 =	simm.s32 @p1 $0x1;
	p0 =	seq.s32 s7, s2  }
0x1e: {  	s7 =	smul.u32 @!p0 $0xF7A, s2;
	p2 =	seq.s32 @!p0 s5, $0x0  }
0x1f: {  	s9 =	smul.u32 $0xF7A, s1;
	s8 =	simm.s32 @!p0 $0x1BF5;
	p2 =	por !p2, p0  }
0x20: {  	[sflag:s8] =	ssyncset.s32 @!p0 $0xFFFFF086;
	s6 =	sadd.s32 @!p0 s3, s7;
	s7 =	simm.s32 @!p0 $0x108  }
0x21: {  	s3 =	sadd.s32 s3, s9;
	s6 =	sadd.s32 @!p0 $0x88, s6;
	s7 =	simm.s32 @p2 $0x1082  }
0x22: {  	[simem:s7], [sflag:s8] =	dma.local @!p0 [hbm:s6], $0xF7A  }
0x23: {  	s9 =	sor.u32 $0xD0000000, s2;
	s6 =	simm.s32 $0x108;
	_ =	swait.ge @!p0 [sflag:s8], $0x0  }
0x24: {  	s3 =	sadd.s32 $0x88, s3;
	s6 =	simm.s32 @!p1 $0x1082;
	[sflag:s4] =	ssyncset.s32 $0xFFFFF086  }
0x25: {  	[simem:s6], [sflag:s4] =	dma.local [hbm:s3], $0xF7A  }
0x26: {  	[smem:$0x3F78] =	sst s1;
	(tag) =	ssettag s2;
	_ =	strace s9  }
0x27: {  	s1 =	sld [smem:$0x3F88]  }
0x28: {  	s2 =	sld [smem:$0x3F89]  }
0x29: {  	s4 =	sld [smem:$0x3F8B]  }
0x2a: {  	p0 =	seq.s32 s5, $0x0;
	s5 =	sld [smem:$0x3F8C]  }
0x2b: {  	s6 =	sld [smem:$0x3F8D]  }
0x2c: {  	s7 =	sld [smem:$0x3F8E]  }
0x2d: {  	s3 =	simm.s32 $0x108;
	s8 =	sld [smem:$0x3F8F]  }
0x2e: {  	s3 =	simm.s32 @!p0 $0x1082;
	s9 =	sld [smem:$0x3F90]  }
0x2f: {  	lr =	sadd.s32 s0, s3;
	s0 =	sld [smem:$0x3F87]  }
0x30: {  	s3 =	sld [smem:$0x3F8A]  }
0x31: {  	[smem:$0x3F93] =	sst s10  }
0x32: {  	s10 =	sld [smem:$0x3F91];
	_ =	sdelay $0x3  }
0x33: {  	p0 =	seq.s32 s10, $0x1;
	s10 =	sld [smem:$0x3F93];
	_ =	sdelay $0x3  }
0x34: {  	[smem:$0x3F93] =	sst s10  }
0x35: {  	s10 =	sld [smem:$0x3F92];
	_ =	sdelay $0x3  }
0x36: {  	p1 =	seq.s32 s10, $0x1;
	s10 =	sld [smem:$0x3F93];
	_ =	sdelay $0x3  }
0x37: {  	[smem:$0x3F93] =	sst s10  }
0x38: {  	s10 =	sld [smem:$0x3F94]  }
0x39: {  	_ = 	snop;
	(pc) =	sbr.ind lr, $3  }
0x3a: {  	_ = 	snop  }
0x3b: {  	_ = 	snop  }
0x3c: {  	p2 =	seq.s32 s10, $0x1;
	s10 =	sld [smem:$0x3F93]  }
0x3d: {  	_ =	shalt  }
0x3e: {  	_ =	shalt  }
0x3f: {  	_ =	shalt  }
0x40: {  	_ =	shalt  }
0x41: {  	_ =	shalt  }
0x42: {  	_ =	shalt  }
0x43: {  	_ =	shalt  }
0x44: {  	_ =	shalt  }
0x45: {  	_ =	shalt  }
0x46: {  	_ =	shalt  }
0x47: {  	_ =	shalt  }
0x48: {  	_ =	shalt  }
0x49: {  	_ =	shalt  }
0x4a: {  	_ =	shalt  }
0x4b: {  	_ =	shalt  }
0x4c: {  	_ =	shalt  }
0x4d: {  	_ =	shalt  }
0x4e: {  	_ =	shalt  }
0x4f: {  	_ =	shalt  }
0x50: {  	_ =	shalt  }
0x51: {  	_ =	shalt  }
0x52: {  	_ =	shalt  }
0x53: {  	_ =	shalt  }
0x54: {  	_ =	shalt  }
0x55: {  	_ =	shalt  }
0x56: {  	_ =	shalt  }
0x57: {  	_ =	shalt  }
0x58: {  	_ =	shalt  }
0x59: {  	_ =	shalt  }
0x5a: {  	_ =	shalt  }
0x5b: {  	_ =	shalt  }
0x5c: {  	_ =	shalt  }
0x5d: {  	_ =	shalt  }
0x5e: {  	_ =	shalt  }
0x5f: {  	_ =	shalt  }
0x60: {  	_ =	shalt  }
0x61: {  	_ =	shalt  }
0x62: {  	_ =	shalt  }
0x63: {  	_ =	shalt  }
0x64: {  	_ =	shalt  }
0x65: {  	_ =	shalt  }
0x66: {  	_ =	shalt  }
0x67: {  	_ =	shalt  }
0x68: {  	_ =	shalt  }
0x69: {  	_ =	shalt  }
0x6a: {  	_ =	shalt  }
0x6b: {  	_ =	shalt  }
0x6c: {  	_ =	shalt  }
0x6d: {  	_ =	shalt  }
0x6e: {  	_ =	shalt  }
0x6f: {  	_ =	shalt  }
0x70: {  	_ =	shalt  }
0x71: {  	_ =	shalt  }
0x72: {  	_ =	shalt  }
0x73: {  	_ =	shalt  }
0x74: {  	_ =	shalt  }
0x75: {  	_ =	shalt  }
0x76: {  	_ =	shalt  }
0x77: {  	_ =	shalt  }
0x78: {  	_ =	shalt  }
0x79: {  	_ =	shalt  }
0x7a: {  	_ =	shalt  }
0x7b: {  	_ =	shalt  }
0x7c: {  	_ =	shalt  }
0x7d: {  	_ =	shalt  }
0x7e: {  	_ =	shalt  }
0x7f: {  	_ =	shalt  }
0x80: {  	_ =	shalt  }
0x81: {  	_ =	shalt  }
0x82: {  	_ =	shalt  }
0x83: {  	_ =	shalt  }
0x84: {  	_ =	shalt  }
0x85: {  	_ =	shalt  }
0x86: {  	_ =	shalt  }
0x87: {  	_ =	shalt  }
.Lfunc_end0:
.L_simem_size_0:
called_computation.1_lowered:
.L_overlay_start_0:
0x88: {  	s2 =	sld [smem:$0x3FD9]  }
0x89: {  	s3 =	sld [smem:$0x3FFE];
	_ =	sdelay $0x1  }
0x8a: {  	s1 =	srdreg.scid  }
0x8b: {  	s0 =	sand.u32 $0x1, s1  }
0x8c: {  	s17 =	sshll.u32 s0, $0xA;
	s2 =	sadd.s32 s3, s2  }
0x8d: {  	s2 =	sadd.s32 s2, s17  }
0x8e: {  	[smem:$0x3F9F] =	sst s2  }
0x8f: {  	_ = 	snop  }
0x90: {  	s2 =	sld [smem:$0x3FD0];
	(tm) =	ssettm $0x1  }
0x91: {  	s18 =	sld [smem:$0x3FFB];
	_ =	sdelay $0x3  }
0x92: {  	_ =	strace s18  }
0x93: {  	s3 =	sld [smem:$0x3FFC];
	_ =	sdelay $0x3  }
0x94: {  	_ =	strace s3  }
0x95: {  	s3 =	sld [smem:$0x3FFD];
	_ =	sdelay $0x3  }
0x96: {  	_ =	strace s3  }
0x97: {  	_ =	strace $0x8FFFFFFF  }
0x98: {  	s19 =	sld [smem:$0x3FDB];
	_ =	sdelay $0x1  }
0x99: {  	s4 =	simm.s32 $_scs_section_size  }
0x9a: {  	s5 =	simm.s32 $_size__tile_overlayer_lowered;
	s6 =	simm.s32 $_tile_overlayer_lowered  }
0x9b: {  	s22 =	simm.s32 $0x1BFF;
	s21 =	sshll.u32 s6, $0x1;
	s3 =	sadd.s32 s4, s19  }
0x9c: {  	s7 =	simm.s32 $0x0;
	s20 =	sshll.u32 s5, $0x1;
	s5 =	sadd.s32 s21, s3  }
0x9d: {  	[timem:s7], [sflag:s22] =	dma.local [hbm:s5], s20  }
0x9e: {  	_ =	swait.ge [sflag:s22], s20  }
0x9f: {  	s4 =	ssub.s32 $0x0, s20;
	[sflag:s22] =	ssyncset.done $0x0  }
0xa0: {  	[sflag:s22] =	ssyncadd.s32 s4;
	_ =	sdelay $0x1  }
0xa1: {  	s23 =	simm.s32 $0x1B8B  }
0xa2: {  	_ =	swait.ge [sflag:s23], $0x1  }
0xa3: {  	[sflag:s23] =	ssyncset.done $0x0  }
0xa4: {  	s25 =	simm.s32 $0x1B8E;
	s24 =	sld [smem:$0x3FFE];
	[sflag:s23] =	ssyncadd.s32 $0xFFFFFFFF  }
0xa5: {  	s26 =	simm.s32 $execute0_lowered;
	[smem:$0x3FD2] =	sst s25  }
0xa6: {  	s5 =	sshll.u32 s26, $0x1;
	_ =	strace $0x80000049;
	[dreg:$0x1] =	wrdreg $0xFFFFFFFF  }
0xa7: {  	s28 =	simm.s32 $_size_execute0_lowered;
	s3 =	sadd.s32 s3, s5;
	[dreg:$0x0] =	wrdreg $0x0  }
0xa8: {  	s5 =	sshll.u32 s28, $0x1;
	[dreg:$0x2] =	wrdreg s3  }
0xa9: {  	[dreg:$0x3] =	wrdreg s5  }
0xaa: {  	[dreg:$0x4] =	wrdreg $0xC0  }
0xab: {  	_ =	task [dreg:s7], $0x5FFFF  }
0xac: {  	[dreg:$0x1] =	wrdreg $0xFFFFFFFF  }
0xad: {  	[dreg:$0x0] =	wrdreg $0x60  }
0xae: {  	[dreg:$0x2] =	wrdreg s2  }
0xaf: {  	[dreg:$0x3] =	wrdreg s24  }
0xb0: {  	[dreg:$0x4] =	wrdreg $0x9  }
0xb1: {  	_ =	task.clear_ibuf [dreg:s7], $0x5FFFF;
	_ =	strace $0x90000049  }
0xb2: {  	s29 =	simm.s32 $0x9;
	_ =	strace $0x8000004B  }
0xb3: {  	_ =	swait.ge [sflag:s29], $0x1  }
0xb4: {  	[sflag:s29] =	ssyncadd.s32 $0xFFFFFFFF  }
0xb5: {  	_ =	strace $0x9000004B  }
0xb6: {  	_ =	sfence  }
0xb7: {  	s30 =	sld [smem:$0x0];
	_ =	sdelay $0x2  }
0xb8: {  	s31 =	sshll.u32 s1, $0xD;
	s1 =	sshrl.u32 s1, $0x2  }
0xb9: {  	s3 =	sand.u32 $0x4000, s31;
	s1 =	sadd.s32 s1, s30  }
0xba: {  	s0 =	sor.u32 s3, s0;
	s1 =	sshll.u32 s1, $0x11  }
0xbb: {  	s0 =	sor.u32 s1, s0  }
0xbc: {  	s0 =	sadd.s32 $0x8F2B, s0  }
0xbd: {  	[sflag:s0] =	ssyncadd.remote.s32 $0x1  }
0xbe: {  	_ =	sfence.sel $0xFFFF  }
0xbf: {  	[dreg:$0x0] =	wrdreg $0xFFFFFFFF;
	(pc) =	sbr.abs _section_cstart, $3  }
0xc0: {  	[dreg:$0x1] =	wrdreg $0xFFFFFFFF  }
0xc1: {  	_ =	task.clear_ibuf [dreg:s7], $0x2FFFF;
	_ =	strace $0x9FFFFFFF  }
0xc2: {  	(tm) =	ssettm $0x7FFFFFFF  }
0xc3: {  	_ =	shalt  }
tec
execute0_lowered:
.L_overlay_start_1:
0x0: {  	(tag) =	ssettag $0x1  }
0x1: {  	s2 =	rddreg [dreg:$0x0]  }
0x2: {  	s4 =	rddreg [dreg:$0x1]  }
0x3: {  	s0 =	rddreg [dreg:$0x2]  }
0x4: {  	s3 =	srdreg.scid;
	s1 =	stileid.u32  }
0x5: {  	s9 =	simm.s32 $0xF00;
	s10 =	simm.s32 $0x1;
	s11 =	simm.s32 $0x0  }
0x6: {  	s5 =	sand.u32 $0x1, s3;
	s6 =	sshll.u32 s1, $0x1;
	s7 =	smul.u32 $0xF0000, s1  }
0x7: {  	s3 =	simm.s32 $0x0;
	s6 =	sor.u32 s5, s6;
	s8 =	smul.u32 $0x78000, s5  }
0x8: {  	[smem:$0x7FF] =	sst s3;
	s5 =	ssub.s32 $0x2, s5;
	s6 =	smul.u32 $0x1E0, s6  }
0x9: {  	_ =	strace $0x8000004A;
	s31 =	sshrl.u32 s5, $0x1;
	s7 =	sadd.s32 s8, s7  }
0xa: {  	s5 =	ssub.s32 s5, s31;
	s8 =	simm.s32 $0x80;
	s7 =	sshrl.u32 s7, $0x3  }
0xb: {  	s6 =	sadd.s32 s6, s4;
	s5 =	smax.u32 s5, $0x1;
	s7 =	sadd.s32 s7, s4  }
0xc: {  	s4 =	sadd.s32 $0x17600, s6;
	s6 =	sadd.s32 $0x1B200, s7;
	s7 =	simm.s32 $0x2  }
.LBB2_1:
0xd: {  	[tilespmem:s3], [sflag:$0x2] =	stream.linear.gather [hbm4b:s4+s3], $0xF00, $0x38;
	[tilespmem:$0x4F00] =	vst v63  }
0xe: {  	_ =	swait.ge [sflag:s7], $0xF00  }
0xf: {  	[sflag:s7] =	ssyncset.done $0x0  }
0x10: {  	s12 =	simm.s32 $0x0;
	[sflag:s7] =	ssyncadd.s32 $0xFFFFF100  }
0x11: {  	[tilespmem:s9], [sflag:$0x1] =	stream.indirect.gather [hbm4b:s2+s8], $0x80, s12, s8, $0xb8;
	[tilespmem:$0x4F00] =	vst v63  }
0x12: {  	_ =	swait.ge [sflag:s10], $0x4000  }
0x13: {  	[sflag:s10] =	ssyncset.done $0x0  }
0x14: {  	[sflag:s10] =	ssyncadd.s32 $0xFFFFC000  }
0x15: {  	[hbm4b:s6+s3] =	stream.linear.scatter [tilespmem:s9], [sflag:$0x2], $0x4000, $0x38;
	[tilespmem:$0x4F00] =	vst v63  }
0x16: {  	s13 =	simm.s32 $0x200;
	_ =	swait.ge [sflag:s7], $0x4000  }
0x17: {  	s14 =	simm.s32 $0x400;
	s12 =	sadd.s32 $0x800, s6;
	[sflag:s7] =	ssyncset.done $0x0  }
.LBB2_2:
0x18: {  	s15 =	sshra.s32 s13, $0x2  }
0x19: {  	[sflag:s7] =	ssyncadd.s32 $0xFFFFC000;
	s13 =	smov.u32 s14;
	s16 =	sadd.s32 $0x200, s14  }
0x1a: {  	[tilespmem:s9], [sflag:$0x1] =	stream.indirect.gather [hbm4b:s2+s8], $0x80, s15, s8, $0xb8;
	[tilespmem:$0x4F00] =	vst v63  }
0x1b: {  	p0 =	sne.s32 s14, $0x3A00;
	_ =	swait.ge [sflag:s10], $0x4000  }
.Ltmp0:
0x1c: {  	[sflag:s10] =	ssyncset.done $0x0;
	(pc) =	sbr.rel @p0 .LBB2_2-.Ltmp0, $4  }
0x1d: {  	[sflag:s10] =	ssyncadd.s32 $0xFFFFC000  }
0x1e: {  	[hbm4b:s12+s3] =	stream.linear.scatter [tilespmem:s9], [sflag:$0x2], $0x4000, $0x38;
	[tilespmem:$0x4F00] =	vst v63  }
0x1f: {  	_ =	swait.ge [sflag:s7], $0x4000  }
0x20: {  	s14 =	smov.u32 s16;
	s12 =	sadd.s32 $0x800, s12;
	[sflag:s7] =	ssyncset.done $0x0  }
0x21: {  	s13 =	sshra.s32 s13, $0x2;
	[sflag:s7] =	ssyncadd.s32 $0xFFFFC000  }
0x22: {  	[tilespmem:s9], [sflag:$0x1] =	stream.indirect.gather [hbm4b:s2+s8], $0x80, s13, s8, $0xb8;
	[tilespmem:$0x4F00] =	vst v63  }
0x23: {  	s11 =	sadd.s32 $0x1, s11;
	_ =	swait.ge [sflag:s10], $0x4000  }
0x24: {  	p0 =	sne.s32 s11, s5;
	[sflag:s10] =	ssyncset.done $0x0  }
.Ltmp1:
0x25: {  	[sflag:s10] =	ssyncadd.s32 $0xFFFFC000;
	(pc) =	sbr.rel @p0 .LBB2_1-.Ltmp1, $4  }
0x26: {  	[hbm4b:s12+s3] =	stream.linear.scatter [tilespmem:s9], [sflag:$0x2], $0x4000, $0x38;
	[tilespmem:$0x4F00] =	vst v63  }
0x27: {  	_ =	swait.ge [sflag:s7], $0x4000  }
0x28: {  	[sflag:s7] =	ssyncset.done $0x0  }
0x29: {  	[sflag:s7] =	ssyncadd.s32 $0xFFFFC000  }
0x2a: {  	_ =	sfence.sel $0x180000  }
0x2b: {  	[bflag:$0x0] =	sbarrier.arrive $0xFFFF  }
0x2c: {  	p0 =	sne.s32 s1, $0x0;
	_ =	strace $0x9000004A  }
0x2d: {  	s0 =	sadd.s32 @!p0 $0x100000, s0;
	[bflag:$0x2] =	sbarrier.arrive $0xFFFF  }
0x2e: {  	[sflag:s0] =	ssyncadd.tile.s32 @!p0 $0x1;
	_ =	shalt  }
.Lfunc_end2:
_tile_overlayer_lowered:
.L_overlay_start_2:
0x2f: {  	(tag) =	ssettag $0x2  }
0x30: {  	s0 =	rddreg [dreg:$0x0];
	s2 =	stileid.u32  }
0x31: {  	s1 =	rddreg [dreg:$0x1];
	p0 =	sne.s32 s2, $0x0  }
0x32: {  	s3 =	rddreg [dreg:$0x2];
	[bflag:$0x3] =	sbarrier.arrive $0xFFFF;
	s2 =	simm.s32 @!p0 $0x1C02  }
0x33: {  	[timem:s3], [sflag:s2] =	dma.local @!p0 [hbm:s0], s1  }
0x34: {  	s0 =	simm.s32 @!p0 $0x2  }
0x35: {  	_ =	swait.ge @!p0 [sflag:s0], s1  }
0x36: {  	s1 =	ssub.s32 @!p0 $0x0, s1;
	[sflag:s0] =	ssyncset.done @!p0 $0x0  }
0x37: {  	[sflag:s0] =	ssyncadd.s32 @!p0 s1  }
0x38: {  	[bflag:$0x3] =	sbarrier.arrive $0xFFFF  }
0x39: {  	_ =	shalt  }

// kernel: kernel.15.cloned.1.call-start
scs
__scs_entry_jumppad:
0x0: {  	(pc) =	sbr.rel $0x88, $3  }
0x1: {  	(tag) =	ssettag $0x0;
	lr =	simm.s32 $0x1  }
0x2: {  	[smem:$0x3F78] =	sst lr;
	_ =	strace $0xD0000000  }
0x3: {  	_ = 	snop  }
0x4: {  	_ = 	snop  }
0x5: {  	_ = 	snop  }
0x6: {  	_ = 	snop  }
0x7: {  	_ = 	snop  }
__scs_overlays_trampoline_lowered:
0x8: {  	[smem:$0x3F87] =	sst s0  }
0x9: {  	[smem:$0x3F88] =	sst s1  }
0xa: {  	[smem:$0x3F89] =	sst s2  }
0xb: {  	[smem:$0x3F8A] =	sst s3  }
0xc: {  	[smem:$0x3F8B] =	sst s4  }
0xd: {  	[smem:$0x3F8C] =	sst s5  }
0xe: {  	[smem:$0x3F8D] =	sst s6  }
0xf: {  	[smem:$0x3F8E] =	sst s7  }
0x10: {  	[smem:$0x3F8F] =	sst s8  }
0x11: {  	[smem:$0x3F90] =	sst s9;
	s0 =	simm.s32 @!p0 $0x0  }
0x12: {  	s1 =	sld [smem:$0x3F76];
	s0 =	simm.s32 @p0 $0x1  }
0x13: {  	[smem:$0x3F91] =	sst s0;
	s0 =	simm.s32 @!p1 $0x0  }
0x14: {  	s2 =	sld [smem:$0x3F75];
	s0 =	simm.s32 @p1 $0x1  }
0x15: {  	[smem:$0x3F92] =	sst s0;
	s0 =	simm.s32 @!p2 $0x0  }
0x16: {  	s3 =	sld [smem:$0x3FDB];
	s0 =	simm.s32 @p2 $0x1  }
0x17: {  	s4 =	simm.s32 $0x1BF5;
	[smem:$0x3F94] =	sst s0  }
0x18: {  	s0 =	sld [smem:$0x3F77];
	_ =	swait.ge [sflag:s4], $0x0  }
0x19: {  	s7 =	sld [smem:$0x3F78]  }
0x1a: {  	s8 =	sadd.s32 $0xFFFFE003, lr  }
0x1b: {  	s9 =	sadd.s32 $0xFFFFFEF7, lr;
	s5 =	simm.s32 $0xFFFFFFFF;
	p2 =	slt.u32 s8, $0xFFFFF086  }
0x1c: {  	p1 =	slt.u32 s9, $0xF7A;
	s5 =	simm.s32 @!p2 $0x0  }
0x1d: {  	s5 =	simm.s32 @p1 $0x1;
	p0 =	seq.s32 s7, s2  }
0x1e: {  	s7 =	smul.u32 @!p0 $0xF7A, s2;
	p2 =	seq.s32 @!p0 s5, $0x0  }
0x1f: {  	s9 =	smul.u32 $0xF7A, s1;
	s8 =	simm.s32 @!p0 $0x1BF5;
	p2 =	por !p2, p0  }
0x20: {  	[sflag:s8] =	ssyncset.s32 @!p0 $0xFFFFF086;
	s6 =	sadd.s32 @!p0 s3, s7;
	s7 =	simm.s32 @!p0 $0x108  }
0x21: {  	s3 =	sadd.s32 s3, s9;
	s6 =	sadd.s32 @!p0 $0x88, s6;
	s7 =	simm.s32 @p2 $0x1082  }
0x22: {  	[simem:s7], [sflag:s8] =	dma.local @!p0 [hbm:s6], $0xF7A  }
0x23: {  	s9 =	sor.u32 $0xD0000000, s2;
	s6 =	simm.s32 $0x108;
	_ =	swait.ge @!p0 [sflag:s8], $0x0  }
0x24: {  	s3 =	sadd.s32 $0x88, s3;
	s6 =	simm.s32 @!p1 $0x1082;
	[sflag:s4] =	ssyncset.s32 $0xFFFFF086  }
0x25: {  	[simem:s6], [sflag:s4] =	dma.local [hbm:s3], $0xF7A  }
0x26: {  	[smem:$0x3F78] =	sst s1;
	(tag) =	ssettag s2;
	_ =	strace s9  }
0x27: {  	s1 =	sld [smem:$0x3F88]  }
0x28: {  	s2 =	sld [smem:$0x3F89]  }
0x29: {  	s4 =	sld [smem:$0x3F8B]  }
0x2a: {  	p0 =	seq.s32 s5, $0x0;
	s5 =	sld [smem:$0x3F8C]  }
0x2b: {  	s6 =	sld [smem:$0x3F8D]  }
0x2c: {  	s7 =	sld [smem:$0x3F8E]  }
0x2d: {  	s3 =	simm.s32 $0x108;
	s8 =	sld [smem:$0x3F8F]  }
0x2e: {  	s3 =	simm.s32 @!p0 $0x1082;
	s9 =	sld [smem:$0x3F90]  }
0x2f: {  	lr =	sadd.s32 s0, s3;
	s0 =	sld [smem:$0x3F87]  }
0x30: {  	s3 =	sld [smem:$0x3F8A]  }
0x31: {  	[smem:$0x3F93] =	sst s10  }
0x32: {  	s10 =	sld [smem:$0x3F91];
	_ =	sdelay $0x3  }
0x33: {  	p0 =	seq.s32 s10, $0x1;
	s10 =	sld [smem:$0x3F93];
	_ =	sdelay $0x3  }
0x34: {  	[smem:$0x3F93] =	sst s10  }
0x35: {  	s10 =	sld [smem:$0x3F92];
	_ =	sdelay $0x3  }
0x36: {  	p1 =	seq.s32 s10, $0x1;
	s10 =	sld [smem:$0x3F93];
	_ =	sdelay $0x3  }
0x37: {  	[smem:$0x3F93] =	sst s10  }
0x38: {  	s10 =	sld [smem:$0x3F94]  }
0x39: {  	_ = 	snop;
	(pc) =	sbr.ind lr, $3  }
0x3a: {  	_ = 	snop  }
0x3b: {  	_ = 	snop  }
0x3c: {  	p2 =	seq.s32 s10, $0x1;
	s10 =	sld [smem:$0x3F93]  }
0x3d: {  	_ =	shalt  }
0x3e: {  	_ =	shalt  }
0x3f: {  	_ =	shalt  }
0x40: {  	_ =	shalt  }
0x41: {  	_ =	shalt  }
0x42: {  	_ =	shalt  }
0x43: {  	_ =	shalt  }
0x44: {  	_ =	shalt  }
0x45: {  	_ =	shalt  }
0x46: {  	_ =	shalt  }
0x47: {  	_ =	shalt  }
0x48: {  	_ =	shalt  }
0x49: {  	_ =	shalt  }
0x4a: {  	_ =	shalt  }
0x4b: {  	_ =	shalt  }
0x4c: {  	_ =	shalt  }
0x4d: {  	_ =	shalt  }
0x4e: {  	_ =	shalt  }
0x4f: {  	_ =	shalt  }
0x50: {  	_ =	shalt  }
0x51: {  	_ =	shalt  }
0x52: {  	_ =	shalt  }
0x53: {  	_ =	shalt  }
0x54: {  	_ =	shalt  }
0x55: {  	_ =	shalt  }
0x56: {  	_ =	shalt  }
0x57: {  	_ =	shalt  }
0x58: {  	_ =	shalt  }
0x59: {  	_ =	shalt  }
0x5a: {  	_ =	shalt  }
0x5b: {  	_ =	shalt  }
0x5c: {  	_ =	shalt  }
0x5d: {  	_ =	shalt  }
0x5e: {  	_ =	shalt  }
0x5f: {  	_ =	shalt  }
0x60: {  	_ =	shalt  }
0x61: {  	_ =	shalt  }
0x62: {  	_ =	shalt  }
0x63: {  	_ =	shalt  }
0x64: {  	_ =	shalt  }
0x65: {  	_ =	shalt  }
0x66: {  	_ =	shalt  }
0x67: {  	_ =	shalt  }
0x68: {  	_ =	shalt  }
0x69: {  	_ =	shalt  }
0x6a: {  	_ =	shalt  }
0x6b: {  	_ =	shalt  }
0x6c: {  	_ =	shalt  }
0x6d: {  	_ =	shalt  }
0x6e: {  	_ =	shalt  }
0x6f: {  	_ =	shalt  }
0x70: {  	_ =	shalt  }
0x71: {  	_ =	shalt  }
0x72: {  	_ =	shalt  }
0x73: {  	_ =	shalt  }
0x74: {  	_ =	shalt  }
0x75: {  	_ =	shalt  }
0x76: {  	_ =	shalt  }
0x77: {  	_ =	shalt  }
0x78: {  	_ =	shalt  }
0x79: {  	_ =	shalt  }
0x7a: {  	_ =	shalt  }
0x7b: {  	_ =	shalt  }
0x7c: {  	_ =	shalt  }
0x7d: {  	_ =	shalt  }
0x7e: {  	_ =	shalt  }
0x7f: {  	_ =	shalt  }
0x80: {  	_ =	shalt  }
0x81: {  	_ =	shalt  }
0x82: {  	_ =	shalt  }
0x83: {  	_ =	shalt  }
0x84: {  	_ =	shalt  }
0x85: {  	_ =	shalt  }
0x86: {  	_ =	shalt  }
0x87: {  	_ =	shalt  }
.Lfunc_end0:
.L_simem_size_0:
called_computation.2_lowered:
.L_overlay_start_0:
0x88: {  	s2 =	sld [smem:$0x3FD9]  }
0x89: {  	s3 =	sld [smem:$0x3FFE];
	_ =	sdelay $0x1  }
0x8a: {  	s1 =	srdreg.scid  }
0x8b: {  	s0 =	sand.u32 $0x1, s1  }
0x8c: {  	s17 =	sshll.u32 s0, $0xA;
	s2 =	sadd.s32 s3, s2  }
0x8d: {  	s2 =	sadd.s32 s2, s17  }
0x8e: {  	[smem:$0x3F9F] =	sst s2  }
0x8f: {  	_ = 	snop  }
0x90: {  	s2 =	sld [smem:$0x3FD0];
	(tm) =	ssettm $0x1  }
0x91: {  	s18 =	sld [smem:$0x3FFB];
	_ =	sdelay $0x3  }
0x92: {  	_ =	strace s18  }
0x93: {  	s3 =	sld [smem:$0x3FFC];
	_ =	sdelay $0x3  }
0x94: {  	_ =	strace s3  }
0x95: {  	s3 =	sld [smem:$0x3FFD];
	_ =	sdelay $0x3  }
0x96: {  	_ =	strace s3  }
0x97: {  	_ =	strace $0x8FFFFFFF  }
0x98: {  	s19 =	sld [smem:$0x3FDB];
	_ =	sdelay $0x1  }
0x99: {  	s4 =	simm.s32 $_scs_section_size  }
0x9a: {  	s5 =	simm.s32 $_size__tile_overlayer_lowered;
	s6 =	simm.s32 $_tile_overlayer_lowered  }
0x9b: {  	s22 =	simm.s32 $0x1BFF;
	s21 =	sshll.u32 s6, $0x1;
	s3 =	sadd.s32 s4, s19  }
0x9c: {  	s7 =	simm.s32 $0x0;
	s20 =	sshll.u32 s5, $0x1;
	s5 =	sadd.s32 s21, s3  }
0x9d: {  	[timem:s7], [sflag:s22] =	dma.local [hbm:s5], s20  }
0x9e: {  	_ =	swait.ge [sflag:s22], s20  }
0x9f: {  	s4 =	ssub.s32 $0x0, s20;
	[sflag:s22] =	ssyncset.done $0x0  }
0xa0: {  	[sflag:s22] =	ssyncadd.s32 s4;
	_ =	sdelay $0x1  }
0xa1: {  	s23 =	simm.s32 $0x1B8B  }
0xa2: {  	_ =	swait.ge [sflag:s23], $0x1  }
0xa3: {  	[sflag:s23] =	ssyncset.done $0x0  }
0xa4: {  	s25 =	simm.s32 $0x1B8E;
	s24 =	sld [smem:$0x3FFE];
	[sflag:s23] =	ssyncadd.s32 $0xFFFFFFFF  }
0xa5: {  	s26 =	simm.s32 $execute0_lowered;
	[smem:$0x3FD2] =	sst s25  }
0xa6: {  	s5 =	sshll.u32 s26, $0x1;
	_ =	strace $0x8000004C;
	[dreg:$0x1] =	wrdreg $0xFFFFFFFF  }
0xa7: {  	s28 =	simm.s32 $_size_execute0_lowered;
	s3 =	sadd.s32 s3, s5;
	[dreg:$0x0] =	wrdreg $0x0  }
0xa8: {  	s5 =	sshll.u32 s28, $0x1;
	[dreg:$0x2] =	wrdreg s3  }
0xa9: {  	[dreg:$0x3] =	wrdreg s5  }
0xaa: {  	[dreg:$0x4] =	wrdreg $0xC0  }
0xab: {  	_ =	task [dreg:s7], $0x5FFFF  }
0xac: {  	[dreg:$0x1] =	wrdreg $0xFFFFFFFF  }
0xad: {  	[dreg:$0x0] =	wrdreg $0x60  }
0xae: {  	[dreg:$0x2] =	wrdreg s2  }
0xaf: {  	[dreg:$0x3] =	wrdreg s24  }
0xb0: {  	[dreg:$0x4] =	wrdreg $0x9  }
0xb1: {  	_ =	task.clear_ibuf [dreg:s7], $0x5FFFF;
	_ =	strace $0x9000004C  }
0xb2: {  	s29 =	simm.s32 $0x9;
	_ =	strace $0x8000004E  }
0xb3: {  	_ =	swait.ge [sflag:s29], $0x1  }
0xb4: {  	[sflag:s29] =	ssyncadd.s32 $0xFFFFFFFF  }
0xb5: {  	_ =	strace $0x9000004E  }
0xb6: {  	_ =	sfence  }
0xb7: {  	s30 =	sld [smem:$0x0];
	_ =	sdelay $0x2  }
0xb8: {  	s31 =	sshll.u32 s1, $0xD;
	s1 =	sshrl.u32 s1, $0x2  }
0xb9: {  	s3 =	sand.u32 $0x4000, s31;
	s1 =	sadd.s32 s1, s30  }
0xba: {  	s0 =	sor.u32 s3, s0;
	s1 =	sshll.u32 s1, $0x11  }
0xbb: {  	s0 =	sor.u32 s1, s0  }
0xbc: {  	s0 =	sadd.s32 $0x8F2B, s0  }
0xbd: {  	[sflag:s0] =	ssyncadd.remote.s32 $0x1  }
0xbe: {  	_ =	sfence.sel $0xFFFF  }
0xbf: {  	[dreg:$0x0] =	wrdreg $0xFFFFFFFF;
	(pc) =	sbr.abs _section_cstart, $3  }
0xc0: {  	[dreg:$0x1] =	wrdreg $0xFFFFFFFF  }
0xc1: {  	_ =	task.clear_ibuf [dreg:s7], $0x2FFFF;
	_ =	strace $0x9FFFFFFF  }
0xc2: {  	(tm) =	ssettm $0x7FFFFFFF  }
0xc3: {  	_ =	shalt  }
tec
execute0_lowered:
.L_overlay_start_1:
0x0: {  	(tag) =	ssettag $0x1  }
0x1: {  	s2 =	rddreg [dreg:$0x0]  }
0x2: {  	s4 =	rddreg [dreg:$0x1]  }
0x3: {  	s0 =	rddreg [dreg:$0x2]  }
0x4: {  	s3 =	srdreg.scid;
	s1 =	stileid.u32  }
0x5: {  	s9 =	simm.s32 $0xF00;
	s10 =	simm.s32 $0x1;
	s11 =	simm.s32 $0x0  }
0x6: {  	s5 =	sand.u32 $0x1, s3;
	s6 =	sshll.u32 s1, $0x1;
	s7 =	smul.u32 $0xF0000, s1  }
0x7: {  	s3 =	simm.s32 $0x0;
	s6 =	sor.u32 s5, s6;
	s8 =	smul.u32 $0x78000, s5  }
0x8: {  	[smem:$0x7FF] =	sst s3;
	s5 =	ssub.s32 $0x2, s5;
	s6 =	smul.u32 $0x1E0, s6  }
0x9: {  	_ =	strace $0x8000004D;
	s31 =	sshrl.u32 s5, $0x1;
	s7 =	sadd.s32 s8, s7  }
0xa: {  	s5 =	ssub.s32 s5, s31;
	s8 =	simm.s32 $0x80;
	s7 =	sshrl.u32 s7, $0x3  }
0xb: {  	s6 =	sadd.s32 s6, s4;
	s5 =	smax.u32 s5, $0x1;
	s7 =	sadd.s32 s7, s4  }
0xc: {  	s4 =	sadd.s32 $0x17600, s6;
	s6 =	sadd.s32 $0x1B200, s7;
	s7 =	simm.s32 $0x2  }
.LBB2_1:
0xd: {  	[tilespmem:s3], [sflag:$0x2] =	stream.linear.gather [hbm4b:s4+s3], $0xF00, $0x38;
	[tilespmem:$0x4F00] =	vst v63  }
0xe: {  	_ =	swait.ge [sflag:s7], $0xF00  }
0xf: {  	[sflag:s7] =	ssyncset.done $0x0  }
0x10: {  	s12 =	simm.s32 $0x0;
	[sflag:s7] =	ssyncadd.s32 $0xFFFFF100  }
0x11: {  	[tilespmem:s9], [sflag:$0x1] =	stream.indirect.gather [hbm4b:s2+s8], $0x80, s12, s8, $0xb8;
	[tilespmem:$0x4F00] =	vst v63  }
0x12: {  	_ =	swait.ge [sflag:s10], $0x4000  }
0x13: {  	[sflag:s10] =	ssyncset.done $0x0  }
0x14: {  	[sflag:s10] =	ssyncadd.s32 $0xFFFFC000  }
0x15: {  	[hbm4b:s6+s3] =	stream.linear.scatter [tilespmem:s9], [sflag:$0x2], $0x4000, $0x38;
	[tilespmem:$0x4F00] =	vst v63  }
0x16: {  	s13 =	simm.s32 $0x200;
	_ =	swait.ge [sflag:s7], $0x4000  }
0x17: {  	s14 =	simm.s32 $0x400;
	s12 =	sadd.s32 $0x800, s6;
	[sflag:s7] =	ssyncset.done $0x0  }
.LBB2_2:
0x18: {  	s15 =	sshra.s32 s13, $0x2  }
0x19: {  	[sflag:s7] =	ssyncadd.s32 $0xFFFFC000;
	s13 =	smov.u32 s14;
	s16 =	sadd.s32 $0x200, s14  }
0x1a: {  	[tilespmem:s9], [sflag:$0x1] =	stream.indirect.gather [hbm4b:s2+s8], $0x80, s15, s8, $0xb8;
	[tilespmem:$0x4F00] =	vst v63  }
0x1b: {  	p0 =	sne.s32 s14, $0x3A00;
	_ =	swait.ge [sflag:s10], $0x4000  }
.Ltmp0:
0x1c: {  	[sflag:s10] =	ssyncset.done $0x0;
	(pc) =	sbr.rel @p0 .LBB2_2-.Ltmp0, $4  }
0x1d: {  	[sflag:s10] =	ssyncadd.s32 $0xFFFFC000  }
0x1e: {  	[hbm4b:s12+s3] =	stream.linear.scatter [tilespmem:s9], [sflag:$0x2], $0x4000, $0x38;
	[tilespmem:$0x4F00] =	vst v63  }
0x1f: {  	_ =	swait.ge [sflag:s7], $0x4000  }
0x20: {  	s14 =	smov.u32 s16;
	s12 =	sadd.s32 $0x800, s12;
	[sflag:s7] =	ssyncset.done $0x0  }
0x21: {  	s13 =	sshra.s32 s13, $0x2;
	[sflag:s7] =	ssyncadd.s32 $0xFFFFC000  }
0x22: {  	[tilespmem:s9], [sflag:$0x1] =	stream.indirect.gather [hbm4b:s2+s8], $0x80, s13, s8, $0xb8;
	[tilespmem:$0x4F00] =	vst v63  }
0x23: {  	s11 =	sadd.s32 $0x1, s11;
	_ =	swait.ge [sflag:s10], $0x4000  }
0x24: {  	p0 =	sne.s32 s11, s5;
	[sflag:s10] =	ssyncset.done $0x0  }
.Ltmp1:
0x25: {  	[sflag:s10] =	ssyncadd.s32 $0xFFFFC000;
	(pc) =	sbr.rel @p0 .LBB2_1-.Ltmp1, $4  }
0x26: {  	[hbm4b:s12+s3] =	stream.linear.scatter [tilespmem:s9], [sflag:$0x2], $0x4000, $0x38;
	[tilespmem:$0x4F00] =	vst v63  }
0x27: {  	_ =	swait.ge [sflag:s7], $0x4000  }
0x28: {  	[sflag:s7] =	ssyncset.done $0x0  }
0x29: {  	[sflag:s7] =	ssyncadd.s32 $0xFFFFC000  }
0x2a: {  	_ =	sfence.sel $0x180000  }
0x2b: {  	[bflag:$0x0] =	sbarrier.arrive $0xFFFF  }
0x2c: {  	p0 =	sne.s32 s1, $0x0;
	_ =	strace $0x9000004D  }
0x2d: {  	s0 =	sadd.s32 @!p0 $0x100000, s0;
	[bflag:$0x2] =	sbarrier.arrive $0xFFFF  }
0x2e: {  	[sflag:s0] =	ssyncadd.tile.s32 @!p0 $0x1;
	_ =	shalt  }
.Lfunc_end2:
_tile_overlayer_lowered:
.L_overlay_start_2:
0x2f: {  	(tag) =	ssettag $0x2  }
0x30: {  	s0 =	rddreg [dreg:$0x0];
	s2 =	stileid.u32  }
0x31: {  	s1 =	rddreg [dreg:$0x1];
	p0 =	sne.s32 s2, $0x0  }
0x32: {  	s3 =	rddreg [dreg:$0x2];
	[bflag:$0x3] =	sbarrier.arrive $0xFFFF;
	s2 =	simm.s32 @!p0 $0x1C02  }
0x33: {  	[timem:s3], [sflag:s2] =	dma.local @!p0 [hbm:s0], s1  }
0x34: {  	s0 =	simm.s32 @!p0 $0x2  }
0x35: {  	_ =	swait.ge @!p0 [sflag:s0], s1  }
0x36: {  	s1 =	ssub.s32 @!p0 $0x0, s1;
	[sflag:s0] =	ssyncset.done @!p0 $0x0  }
0x37: {  	[sflag:s0] =	ssyncadd.s32 @!p0 s1  }
0x38: {  	[bflag:$0x3] =	sbarrier.arrive $0xFFFF  }
0x39: {  	_ =	shalt  }

// kernel: kernel.9.cloned.1.call-start
scs
__scs_entry_jumppad:
0x0: {  	(pc) =	sbr.rel $0x88, $3  }
0x1: {  	(tag) =	ssettag $0x0;
	lr =	simm.s32 $0x1  }
0x2: {  	[smem:$0x3F78] =	sst lr;
	_ =	strace $0xD0000000  }
0x3: {  	_ = 	snop  }
0x4: {  	_ = 	snop  }
0x5: {  	_ = 	snop  }
0x6: {  	_ = 	snop  }
0x7: {  	_ = 	snop  }
__scs_overlays_trampoline_lowered:
0x8: {  	[smem:$0x3F87] =	sst s0  }
0x9: {  	[smem:$0x3F88] =	sst s1  }
0xa: {  	[smem:$0x3F89] =	sst s2  }
0xb: {  	[smem:$0x3F8A] =	sst s3  }
0xc: {  	[smem:$0x3F8B] =	sst s4  }
0xd: {  	[smem:$0x3F8C] =	sst s5  }
0xe: {  	[smem:$0x3F8D] =	sst s6  }
0xf: {  	[smem:$0x3F8E] =	sst s7  }
0x10: {  	[smem:$0x3F8F] =	sst s8  }
0x11: {  	[smem:$0x3F90] =	sst s9;
	s0 =	simm.s32 @!p0 $0x0  }
0x12: {  	s1 =	sld [smem:$0x3F76];
	s0 =	simm.s32 @p0 $0x1  }
0x13: {  	[smem:$0x3F91] =	sst s0;
	s0 =	simm.s32 @!p1 $0x0  }
0x14: {  	s2 =	sld [smem:$0x3F75];
	s0 =	simm.s32 @p1 $0x1  }
0x15: {  	[smem:$0x3F92] =	sst s0;
	s0 =	simm.s32 @!p2 $0x0  }
0x16: {  	s3 =	sld [smem:$0x3FDB];
	s0 =	simm.s32 @p2 $0x1  }
0x17: {  	s4 =	simm.s32 $0x1BF5;
	[smem:$0x3F94] =	sst s0  }
0x18: {  	s0 =	sld [smem:$0x3F77];
	_ =	swait.ge [sflag:s4], $0x0  }
0x19: {  	s7 =	sld [smem:$0x3F78]  }
0x1a: {  	s8 =	sadd.s32 $0xFFFFE003, lr  }
0x1b: {  	s9 =	sadd.s32 $0xFFFFFEF7, lr;
	s5 =	simm.s32 $0xFFFFFFFF;
	p2 =	slt.u32 s8, $0xFFFFF086  }
0x1c: {  	p1 =	slt.u32 s9, $0xF7A;
	s5 =	simm.s32 @!p2 $0x0  }
0x1d: {  	s5 =	simm.s32 @p1 $0x1;
	p0 =	seq.s32 s7, s2  }
0x1e: {  	s7 =	smul.u32 @!p0 $0xF7A, s2;
	p2 =	seq.s32 @!p0 s5, $0x0  }
0x1f: {  	s9 =	smul.u32 $0xF7A, s1;
	s8 =	simm.s32 @!p0 $0x1BF5;
	p2 =	por !p2, p0  }
0x20: {  	[sflag:s8] =	ssyncset.s32 @!p0 $0xFFFFF086;
	s6 =	sadd.s32 @!p0 s3, s7;
	s7 =	simm.s32 @!p0 $0x108  }
0x21: {  	s3 =	sadd.s32 s3, s9;
	s6 =	sadd.s32 @!p0 $0x88, s6;
	s7 =	simm.s32 @p2 $0x1082  }
0x22: {  	[simem:s7], [sflag:s8] =	dma.local @!p0 [hbm:s6], $0xF7A  }
0x23: {  	s9 =	sor.u32 $0xD0000000, s2;
	s6 =	simm.s32 $0x108;
	_ =	swait.ge @!p0 [sflag:s8], $0x0  }
0x24: {  	s3 =	sadd.s32 $0x88, s3;
	s6 =	simm.s32 @!p1 $0x1082;
	[sflag:s4] =	ssyncset.s32 $0xFFFFF086  }
0x25: {  	[simem:s6], [sflag:s4] =	dma.local [hbm:s3], $0xF7A  }
0x26: {  	[smem:$0x3F78] =	sst s1;
	(tag) =	ssettag s2;
	_ =	strace s9  }
0x27: {  	s1 =	sld [smem:$0x3F88]  }
0x28: {  	s2 =	sld [smem:$0x3F89]  }
0x29: {  	s4 =	sld [smem:$0x3F8B]  }
0x2a: {  	p0 =	seq.s32 s5, $0x0;
	s5 =	sld [smem:$0x3F8C]  }
0x2b: {  	s6 =	sld [smem:$0x3F8D]  }
0x2c: {  	s7 =	sld [smem:$0x3F8E]  }
0x2d: {  	s3 =	simm.s32 $0x108;
	s8 =	sld [smem:$0x3F8F]  }
0x2e: {  	s3 =	simm.s32 @!p0 $0x1082;
	s9 =	sld [smem:$0x3F90]  }
0x2f: {  	lr =	sadd.s32 s0, s3;
	s0 =	sld [smem:$0x3F87]  }
0x30: {  	s3 =	sld [smem:$0x3F8A]  }
0x31: {  	[smem:$0x3F93] =	sst s10  }
0x32: {  	s10 =	sld [smem:$0x3F91];
	_ =	sdelay $0x3  }
0x33: {  	p0 =	seq.s32 s10, $0x1;
	s10 =	sld [smem:$0x3F93];
	_ =	sdelay $0x3  }
0x34: {  	[smem:$0x3F93] =	sst s10  }
0x35: {  	s10 =	sld [smem:$0x3F92];
	_ =	sdelay $0x3  }
0x36: {  	p1 =	seq.s32 s10, $0x1;
	s10 =	sld [smem:$0x3F93];
	_ =	sdelay $0x3  }
0x37: {  	[smem:$0x3F93] =	sst s10  }
0x38: {  	s10 =	sld [smem:$0x3F94]  }
0x39: {  	_ = 	snop;
	(pc) =	sbr.ind lr, $3  }
0x3a: {  	_ = 	snop  }
0x3b: {  	_ = 	snop  }
0x3c: {  	p2 =	seq.s32 s10, $0x1;
	s10 =	sld [smem:$0x3F93]  }
0x3d: {  	_ =	shalt  }
0x3e: {  	_ =	shalt  }
0x3f: {  	_ =	shalt  }
0x40: {  	_ =	shalt  }
0x41: {  	_ =	shalt  }
0x42: {  	_ =	shalt  }
0x43: {  	_ =	shalt  }
0x44: {  	_ =	shalt  }
0x45: {  	_ =	shalt  }
0x46: {  	_ =	shalt  }
0x47: {  	_ =	shalt  }
0x48: {  	_ =	shalt  }
0x49: {  	_ =	shalt  }
0x4a: {  	_ =	shalt  }
0x4b: {  	_ =	shalt  }
0x4c: {  	_ =	shalt  }
0x4d: {  	_ =	shalt  }
0x4e: {  	_ =	shalt  }
0x4f: {  	_ =	shalt  }
0x50: {  	_ =	shalt  }
0x51: {  	_ =	shalt  }
0x52: {  	_ =	shalt  }
0x53: {  	_ =	shalt  }
0x54: {  	_ =	shalt  }
0x55: {  	_ =	shalt  }
0x56: {  	_ =	shalt  }
0x57: {  	_ =	shalt  }
0x58: {  	_ =	shalt  }
0x59: {  	_ =	shalt  }
0x5a: {  	_ =	shalt  }
0x5b: {  	_ =	shalt  }
0x5c: {  	_ =	shalt  }
0x5d: {  	_ =	shalt  }
0x5e: {  	_ =	shalt  }
0x5f: {  	_ =	shalt  }
0x60: {  	_ =	shalt  }
0x61: {  	_ =	shalt  }
0x62: {  	_ =	shalt  }
0x63: {  	_ =	shalt  }
0x64: {  	_ =	shalt  }
0x65: {  	_ =	shalt  }
0x66: {  	_ =	shalt  }
0x67: {  	_ =	shalt  }
0x68: {  	_ =	shalt  }
0x69: {  	_ =	shalt  }
0x6a: {  	_ =	shalt  }
0x6b: {  	_ =	shalt  }
0x6c: {  	_ =	shalt  }
0x6d: {  	_ =	shalt  }
0x6e: {  	_ =	shalt  }
0x6f: {  	_ =	shalt  }
0x70: {  	_ =	shalt  }
0x71: {  	_ =	shalt  }
0x72: {  	_ =	shalt  }
0x73: {  	_ =	shalt  }
0x74: {  	_ =	shalt  }
0x75: {  	_ =	shalt  }
0x76: {  	_ =	shalt  }
0x77: {  	_ =	shalt  }
0x78: {  	_ =	shalt  }
0x79: {  	_ =	shalt  }
0x7a: {  	_ =	shalt  }
0x7b: {  	_ =	shalt  }
0x7c: {  	_ =	shalt  }
0x7d: {  	_ =	shalt  }
0x7e: {  	_ =	shalt  }
0x7f: {  	_ =	shalt  }
0x80: {  	_ =	shalt  }
0x81: {  	_ =	shalt  }
0x82: {  	_ =	shalt  }
0x83: {  	_ =	shalt  }
0x84: {  	_ =	shalt  }
0x85: {  	_ =	shalt  }
0x86: {  	_ =	shalt  }
0x87: {  	_ =	shalt  }
.Lfunc_end0:
.L_simem_size_0:
called_computation_lowered:
.L_overlay_start_0:
0x88: {  	s2 =	sld [smem:$0x3FD9]  }
0x89: {  	s3 =	sld [smem:$0x3FFE];
	_ =	sdelay $0x1  }
0x8a: {  	s1 =	srdreg.scid  }
0x8b: {  	s0 =	sand.u32 $0x1, s1  }
0x8c: {  	s16 =	sshll.u32 s0, $0xA;
	s2 =	sadd.s32 s3, s2  }
0x8d: {  	s2 =	sadd.s32 s2, s16  }
0x8e: {  	[smem:$0x3F9F] =	sst s2  }
0x8f: {  	_ = 	snop  }
0x90: {  	(tm) =	ssettm $0x1  }
0x91: {  	s17 =	sld [smem:$0x3FFB];
	_ =	sdelay $0x3  }
0x92: {  	_ =	strace s17  }
0x93: {  	s2 =	sld [smem:$0x3FFC];
	_ =	sdelay $0x3  }
0x94: {  	_ =	strace s2  }
0x95: {  	s2 =	sld [smem:$0x3FFD];
	_ =	sdelay $0x3  }
0x96: {  	_ =	strace s2  }
0x97: {  	_ =	strace $0x8FFFFFFF  }
0x98: {  	s18 =	sld [smem:$0x3FDB];
	_ =	sdelay $0x1  }
0x99: {  	s19 =	simm.s32 $_scs_section_size  }
0x9a: {  	s4 =	simm.s32 $_size__tile_overlayer_lowered;
	s5 =	simm.s32 $_tile_overlayer_lowered  }
0x9b: {  	s22 =	simm.s32 $0x1BFF;
	s21 =	sshll.u32 s5, $0x1;
	s2 =	sadd.s32 s19, s18  }
0x9c: {  	s6 =	simm.s32 $0x0;
	s20 =	sshll.u32 s4, $0x1;
	s4 =	sadd.s32 s21, s2  }
0x9d: {  	[timem:s6], [sflag:s22] =	dma.local [hbm:s4], s20  }
0x9e: {  	_ =	swait.ge [sflag:s22], s20  }
0x9f: {  	s3 =	ssub.s32 $0x0, s20;
	[sflag:s22] =	ssyncset.done $0x0  }
0xa0: {  	[sflag:s22] =	ssyncadd.s32 s3;
	_ =	sdelay $0x1  }
0xa1: {  	s23 =	simm.s32 $0x1B8B  }
0xa2: {  	_ =	swait.ge [sflag:s23], $0x1  }
0xa3: {  	[sflag:s23] =	ssyncset.done $0x0  }
0xa4: {  	s25 =	simm.s32 $0x1B8E;
	s24 =	sld [smem:$0x3FFE];
	[sflag:s23] =	ssyncadd.s32 $0xFFFFFFFF  }
0xa5: {  	s26 =	simm.s32 $execute0_lowered;
	[smem:$0x3FD2] =	sst s25  }
0xa6: {  	s4 =	sshll.u32 s26, $0x1;
	_ =	strace $0x80000046;
	[dreg:$0x1] =	wrdreg $0xFFFFFFFF  }
0xa7: {  	s28 =	simm.s32 $_size_execute0_lowered;
	s2 =	sadd.s32 s2, s4;
	[dreg:$0x0] =	wrdreg $0x0  }
0xa8: {  	s4 =	sshll.u32 s28, $0x1;
	[dreg:$0x2] =	wrdreg s2  }
0xa9: {  	[dreg:$0x3] =	wrdreg s4  }
0xaa: {  	[dreg:$0x4] =	wrdreg $0xC0  }
0xab: {  	_ =	task [dreg:s6], $0x5FFFF  }
0xac: {  	[dreg:$0x1] =	wrdreg $0xFFFFFFFF  }
0xad: {  	[dreg:$0x0] =	wrdreg $0x60  }
0xae: {  	[dreg:$0x2] =	wrdreg s24  }
0xaf: {  	[dreg:$0x3] =	wrdreg $0x9  }
0xb0: {  	_ =	task.clear_ibuf [dreg:s6], $0x4FFFF;
	_ =	strace $0x90000046  }
0xb1: {  	s29 =	simm.s32 $0x9;
	_ =	strace $0x80000048  }
0xb2: {  	_ =	swait.ge [sflag:s29], $0x1  }
0xb3: {  	[sflag:s29] =	ssyncadd.s32 $0xFFFFFFFF  }
0xb4: {  	_ =	strace $0x90000048  }
0xb5: {  	_ =	sfence  }
0xb6: {  	s30 =	sld [smem:$0x0];
	_ =	sdelay $0x2  }
0xb7: {  	s31 =	sshll.u32 s1, $0xD;
	s1 =	sshrl.u32 s1, $0x2  }
0xb8: {  	s3 =	sand.u32 $0x4000, s31;
	s1 =	sadd.s32 s1, s30  }
0xb9: {  	s0 =	sor.u32 s3, s0;
	s1 =	sshll.u32 s1, $0x11  }
0xba: {  	s0 =	sor.u32 s1, s0  }
0xbb: {  	s0 =	sadd.s32 $0x8F2B, s0  }
0xbc: {  	[sflag:s0] =	ssyncadd.remote.s32 $0x1  }
0xbd: {  	_ =	sfence.sel $0xFFFF  }
0xbe: {  	[dreg:$0x0] =	wrdreg $0xFFFFFFFF;
	(pc) =	sbr.abs _section_cstart, $3  }
0xbf: {  	[dreg:$0x1] =	wrdreg $0xFFFFFFFF  }
0xc0: {  	_ =	task.clear_ibuf [dreg:s6], $0x2FFFF;
	_ =	strace $0x9FFFFFFF  }
0xc1: {  	(tm) =	ssettm $0x7FFFFFFF  }
tec
execute0_lowered:
.L_overlay_start_1:
0x0: {  	(tag) =	ssettag $0x1  }
0x1: {  	s4 =	rddreg [dreg:$0x0]  }
0x2: {  	s0 =	rddreg [dreg:$0x1]  }
0x3: {  	s2 =	simm.s32 $0x0;
	s3 =	srdreg.scid;
	s1 =	stileid.u32  }
0x4: {  	s9 =	simm.s32 $0xF00;
	s10 =	simm.s32 $0x1;
	s11 =	simm.s32 $0x0  }
0x5: {  	s3 =	sand.u32 $0x1, s3;
	s5 =	sshll.u32 s1, $0x1;
	s6 =	smul.u32 $0xF0000, s1  }
0x6: {  	[smem:$0x7FF] =	sst s2;
	s5 =	sor.u32 s3, s5;
	s7 =	smul.u32 $0x78000, s3  }
0x7: {  	_ =	strace $0x80000047;
	s8 =	ssub.s32 $0x2, s3;
	s5 =	smul.u32 $0x1E0, s5  }
0x8: {  	s3 =	sadd.s32 $0x7600, s4;
	s31 =	sshrl.u32 s8, $0x1;
	s6 =	sadd.s32 s7, s6  }
0x9: {  	s7 =	ssub.s32 s8, s31;
	s5 =	sadd.s32 s5, s4;
	s6 =	sshrl.u32 s6, $0x3  }
0xa: {  	s8 =	simm.s32 $0x80;
	s6 =	sadd.s32 s6, s4;
	s4 =	sadd.s32 $0x17600, s5  }
0xb: {  	s5 =	smax.u32 s7, $0x1;
	s7 =	simm.s32 $0x2;
	s6 =	sadd.s32 $0x1B200, s6  }
.LBB2_1:
0xc: {  	[tilespmem:s2], [sflag:$0x2] =	stream.linear.gather [hbm4b:s4+s2], $0xF00, $0x38;
	[tilespmem:$0x4F00] =	vst v63  }
0xd: {  	_ =	swait.ge [sflag:s7], $0xF00  }
0xe: {  	[sflag:s7] =	ssyncset.done $0x0  }
0xf: {  	s12 =	simm.s32 $0x0;
	[sflag:s7] =	ssyncadd.s32 $0xFFFFF100  }
0x10: {  	[tilespmem:s9], [sflag:$0x1] =	stream.indirect.gather [hbm4b:s3+s8], $0x80, s12, s8, $0xb8;
	[tilespmem:$0x4F00] =	vst v63  }
0x11: {  	_ =	swait.ge [sflag:s10], $0x4000  }
0x12: {  	[sflag:s10] =	ssyncset.done $0x0  }
0x13: {  	[sflag:s10] =	ssyncadd.s32 $0xFFFFC000  }
0x14: {  	[hbm4b:s6+s2] =	stream.linear.scatter [tilespmem:s9], [sflag:$0x2], $0x4000, $0x38;
	[tilespmem:$0x4F00] =	vst v63  }
0x15: {  	s13 =	simm.s32 $0x200;
	_ =	swait.ge [sflag:s7], $0x4000  }
0x16: {  	s14 =	simm.s32 $0x400;
	s12 =	sadd.s32 $0x800, s6;
	[sflag:s7] =	ssyncset.done $0x0  }
.LBB2_2:
0x17: {  	s15 =	sshra.s32 s13, $0x2  }
0x18: {  	[sflag:s7] =	ssyncadd.s32 $0xFFFFC000;
	s13 =	smov.u32 s14;
	s16 =	sadd.s32 $0x200, s14  }
0x19: {  	[tilespmem:s9], [sflag:$0x1] =	stream.indirect.gather [hbm4b:s3+s8], $0x80, s15, s8, $0xb8;
	[tilespmem:$0x4F00] =	vst v63  }
0x1a: {  	p0 =	sne.s32 s14, $0x3A00;
	_ =	swait.ge [sflag:s10], $0x4000  }
.Ltmp0:
0x1b: {  	[sflag:s10] =	ssyncset.done $0x0;
	(pc) =	sbr.rel @p0 .LBB2_2-.Ltmp0, $4  }
0x1c: {  	[sflag:s10] =	ssyncadd.s32 $0xFFFFC000  }
0x1d: {  	[hbm4b:s12+s2] =	stream.linear.scatter [tilespmem:s9], [sflag:$0x2], $0x4000, $0x38;
	[tilespmem:$0x4F00] =	vst v63  }
0x1e: {  	_ =	swait.ge [sflag:s7], $0x4000  }
0x1f: {  	s14 =	smov.u32 s16;
	s12 =	sadd.s32 $0x800, s12;
	[sflag:s7] =	ssyncset.done $0x0  }
0x20: {  	s13 =	sshra.s32 s13, $0x2;
	[sflag:s7] =	ssyncadd.s32 $0xFFFFC000  }
0x21: {  	[tilespmem:s9], [sflag:$0x1] =	stream.indirect.gather [hbm4b:s3+s8], $0x80, s13, s8, $0xb8;
	[tilespmem:$0x4F00] =	vst v63  }
0x22: {  	s11 =	sadd.s32 $0x1, s11;
	_ =	swait.ge [sflag:s10], $0x4000  }
0x23: {  	p0 =	sne.s32 s11, s5;
	[sflag:s10] =	ssyncset.done $0x0  }
.Ltmp1:
0x24: {  	[sflag:s10] =	ssyncadd.s32 $0xFFFFC000;
	(pc) =	sbr.rel @p0 .LBB2_1-.Ltmp1, $4  }
0x25: {  	[hbm4b:s12+s2] =	stream.linear.scatter [tilespmem:s9], [sflag:$0x2], $0x4000, $0x38;
	[tilespmem:$0x4F00] =	vst v63  }
0x26: {  	_ =	swait.ge [sflag:s7], $0x4000  }
0x27: {  	[sflag:s7] =	ssyncset.done $0x0  }
0x28: {  	[sflag:s7] =	ssyncadd.s32 $0xFFFFC000  }
0x29: {  	_ =	sfence.sel $0x180000  }
0x2a: {  	[bflag:$0x0] =	sbarrier.arrive $0xFFFF  }
0x2b: {  	p0 =	sne.s32 s1, $0x0;
	_ =	strace $0x90000047  }
0x2c: {  	s0 =	sadd.s32 @!p0 $0x100000, s0;
	[bflag:$0x2] =	sbarrier.arrive $0xFFFF  }
0x2d: {  	[sflag:s0] =	ssyncadd.tile.s32 @!p0 $0x1;
	_ =	shalt  }
.Lfunc_end2:
_tile_overlayer_lowered:
.L_overlay_start_2:
0x2e: {  	(tag) =	ssettag $0x2  }
0x2f: {  	s0 =	rddreg [dreg:$0x0];
	s2 =	stileid.u32  }
0x30: {  	s1 =	rddreg [dreg:$0x1];
	p0 =	sne.s32 s2, $0x0  }
0x31: {  	s3 =	rddreg [dreg:$0x2];
	[bflag:$0x3] =	sbarrier.arrive $0xFFFF;
	s2 =	simm.s32 @!p0 $0x1C02  }
0x32: {  	[timem:s3], [sflag:s2] =	dma.local @!p0 [hbm:s0], s1  }
0x33: {  	s0 =	simm.s32 @!p0 $0x2  }
0x34: {  	_ =	swait.ge @!p0 [sflag:s0], s1  }
0x35: {  	s1 =	ssub.s32 @!p0 $0x0, s1;
	[sflag:s0] =	ssyncset.done @!p0 $0x0  }
0x36: {  	[sflag:s0] =	ssyncadd.s32 @!p0 s1  }
0x37: {  	[bflag:$0x3] =	sbarrier.arrive $0xFFFF  }
0x38: {  	_ =	shalt  }

</sc_bundles>
